<compile_context>
chip_gen: v7x
topology: tpu7x:2x2x1
jax: 0.10.2.dev20260603
libtpu: 0.0.44.dev20260713+nightly
codegen_flags: <defaults>
</compile_context>

<pallas_src>
import functools

import jax
import jax.numpy as jnp
import numpy as np
from jax import lax
from jax.experimental import pallas as pl
from jax.experimental.pallas import tpu as pltpu
from jax.experimental.pallas import tpu_sc as plsc

BIT4 = [-2.6536, -1.9735, -1.508, -1.149, -0.8337, -0.5439, -0.2686, 0.0,
        0.2303, 0.4648, 0.7081, 0.9663, 1.2481, 1.5676, 1.9679, 2.6488]
_QV = np.sort(np.asarray(BIT4, np.float32))
_EDGES = np.float32(0.5) * (_QV[1:] + _QV[:-1])
CLIP_PROB = 0.01

N_TOTAL = 512 * 512 * 3 * 3
K_RANK = int((1.0 - CLIP_PROB) * N_TOTAL)

NC, NS, L = 2, 16, 16
NW = NC * NS
ROWS, COLS = 4608, 512
ROWS_W = ROWS // NW
CROWS = 16
NCHUNK = ROWS_W // CROWS
HI_BINS = 32768
LO_BINS = 65536


def _hist_hi_body(x_hbm, gx_hbm, out_hbm, d_hbm,
                  xb0, gb0, xb1, gb1, db0, db1, hist, sem0, sem1, semd):
    wid = lax.axis_index("s") * NC + lax.axis_index("c")
    base = wid * ROWS_W
    zeros = jnp.zeros((L,), jnp.int32)
    ones = jnp.ones((L,), jnp.int32)

    cpx = pltpu.async_copy(x_hbm.at[pl.ds(base, CROWS), :], xb0, sem0)
    cpg = pltpu.async_copy(gx_hbm.at[pl.ds(base, CROWS), :], gb0, sem0)

    @plsc.parallel_loop(0, HI_BINS // L, unroll=8)
    def _(i):
        hist[lax.shift_right_logical(i, 3),
             pl.ds(jnp.bitwise_and(i, 7) * L, L)] = zeros

    bufs = [(xb0, gb0, db0), (xb1, gb1, db1)]
    sems = [sem0, sem1]
    pend = (cpx, cpg)
    dpend = [None, None]
    for ci in range(NCHUNK):
        if ci + 1 < NCHUNK:
            off = base + (ci + 1) * CROWS
            xbn, gbn, _dn = bufs[(ci + 1) % 2]
            nxt = (pltpu.async_copy(x_hbm.at[pl.ds(off, CROWS), :], xbn,
                                    sems[(ci + 1) % 2]),
                   pltpu.async_copy(gx_hbm.at[pl.ds(off, CROWS), :], gbn,
                                    sems[(ci + 1) % 2]))
        else:
            nxt = None
        pend[0].wait()
        pend[1].wait()
        if dpend[ci % 2] is not None:
            dpend[ci % 2].wait()
        xb, gb, db = bufs[ci % 2]

        @plsc.parallel_loop(0, (CROWS * COLS) // L, unroll=4)
        def _(i, xb=xb, gb=gb, db=db):
            r = lax.shift_right_logical(i, 5)
            c = jnp.bitwise_and(i, 31) * L
            dv = xb[r, pl.ds(c, L)] - gb[r, pl.ds(c, L)]
            db[r, pl.ds(c, L)] = dv
            b = lax.shift_right_logical(plsc.bitcast(jnp.abs(dv), jnp.int32),
                                        16)
            plsc.addupdate_scatter(
                hist, [lax.shift_right_logical(b, 7),
                       jnp.bitwise_and(b, 127)], ones)
        dpend[ci % 2] = pltpu.async_copy(
            db, d_hbm.at[pl.ds(base + ci * CROWS, CROWS), :], semd)
        pend = nxt
    pltpu.sync_copy(hist, out_hbm.at[wid])
    dpend[0].wait()
    dpend[1].wait()


def _hist_lo_body(d_hbm, sel_hbm, out_hbm, db0, db1, hist, selbuf,
                  sem0, sem1):
    wid = lax.axis_index("s") * NC + lax.axis_index("c")
    base = wid * ROWS_W
    zeros = jnp.zeros((L,), jnp.int32)
    ones = jnp.ones((L,), jnp.int32)

    cpd = pltpu.async_copy(d_hbm.at[pl.ds(base, CROWS), :], db0, sem0)
    pltpu.sync_copy(sel_hbm.at[pl.ds(0, L)], selbuf)
    bstar = selbuf[...]

    @plsc.parallel_loop(0, LO_BINS // L, unroll=8)
    def _(i):
        hist[lax.shift_right_logical(i, 3),
             pl.ds(jnp.bitwise_and(i, 7) * L, L)] = zeros

    bufs = [db0, db1]
    sems = [sem0, sem1]
    pend = cpd
    for ci in range(NCHUNK):
        if ci + 1 < NCHUNK:
            off = base + (ci + 1) * CROWS
            nxt = pltpu.async_copy(d_hbm.at[pl.ds(off, CROWS), :],
                                   bufs[(ci + 1) % 2], sems[(ci + 1) % 2])
        else:
            nxt = None
        pend.wait()
        db = bufs[ci % 2]

        @plsc.parallel_loop(0, (CROWS * COLS) // L, unroll=4)
        def _(i, db=db):
            r = lax.shift_right_logical(i, 5)
            c = jnp.bitwise_and(i, 31) * L
            u = plsc.bitcast(jnp.abs(db[r, pl.ds(c, L)]), jnp.int32)
            hi = lax.shift_right_logical(u, 16)
            lo = jnp.bitwise_and(u, 0xFFFF)
            plsc.addupdate_scatter(
                hist, [lax.shift_right_logical(lo, 7),
                       jnp.bitwise_and(lo, 127)], ones, mask=hi == bstar)
        pend = nxt
    pltpu.sync_copy(hist, out_hbm.at[wid])


def _make_sc_kernels():
    mesh = plsc.VectorSubcoreMesh(core_axis_name="c", subcore_axis_name="s",
                                  num_cores=NC, num_subcores=NS)
    params = pltpu.CompilerParams(needs_layout_passes=False,
                                  use_tc_tiling_on_sc=True)
    data_bufs = [
        pltpu.VMEM((CROWS, COLS), jnp.float32),
        pltpu.VMEM((CROWS, COLS), jnp.float32),
        pltpu.VMEM((CROWS, COLS), jnp.float32),
        pltpu.VMEM((CROWS, COLS), jnp.float32),
    ]
    hi_r, lo_r = HI_BINS // 128, LO_BINS // 128
    k_hi = pl.kernel(
        _hist_hi_body,
        out_type=(jax.ShapeDtypeStruct((NW, hi_r, 128), jnp.int32),
                  jax.ShapeDtypeStruct((ROWS, COLS), jnp.float32)),
        mesh=mesh,
        compiler_params=params,
        scratch_types=data_bufs + [
            pltpu.VMEM((CROWS, COLS), jnp.float32),
            pltpu.VMEM((CROWS, COLS), jnp.float32),
            pltpu.VMEM((hi_r, 128), jnp.int32),
            pltpu.SemaphoreType.DMA,
            pltpu.SemaphoreType.DMA,
            pltpu.SemaphoreType.DMA,
        ],
    )
    k_lo = pl.kernel(
        _hist_lo_body,
        out_type=jax.ShapeDtypeStruct((NW, lo_r, 128), jnp.int32),
        mesh=mesh,
        compiler_params=params,
        scratch_types=[
            pltpu.VMEM((CROWS, COLS), jnp.float32),
            pltpu.VMEM((CROWS, COLS), jnp.float32),
            pltpu.VMEM((lo_r, 128), jnp.int32),
            pltpu.VMEM((L,), jnp.int32),
            pltpu.SemaphoreType.DMA,
            pltpu.SemaphoreType.DMA,
        ],
    )
    return k_hi, k_lo


def _cumsum_2level(hm):
    r = hm.shape[0]
    ls = (lax.broadcasted_iota(jnp.int32, (r, r), 0) >
          lax.broadcasted_iota(jnp.int32, (r, r), 1)).astype(jnp.float32)
    up = (lax.broadcasted_iota(jnp.int32, (128, 128), 0) <=
          lax.broadcasted_iota(jnp.int32, (128, 128), 1)).astype(jnp.float32)
    jall = jnp.ones((128, 128), jnp.float32)
    dot = functools.partial(jnp.dot, precision=lax.Precision.HIGHEST,
                            preferred_element_type=jnp.float32)
    return dot(dot(ls, hm), jall) + dot(hm, up)


def _sel_hi_tc(hist_ref, out_ref):
    hm = jnp.sum(hist_ref[...].astype(jnp.float32), axis=0)
    c = _cumsum_2level(hm)
    mask = (c < jnp.float32(K_RANK)).astype(jnp.float32)
    bstar = jnp.sum(mask)
    cnt_before = jnp.sum(hm * mask)
    ri = lax.broadcasted_iota(jnp.int32, (8, 128), 0)
    out_ref[...] = jnp.where(ri == 0, bstar.astype(jnp.int32),
                             cnt_before.astype(jnp.int32))


_BLK = 1152
_NBLK = ROWS // _BLK


def _final_body(hist_ref, sel_ref, std_ref, d_ref, gx_ref,
                out_ref, std_out_ref, acc, tsm):
    i = pl.program_id(0)

    @pl.when(i == 0)
    def _():
        acc[0] = 0.0
        acc[1] = 0.0
        hm = jnp.sum(hist_ref[...].astype(jnp.float32), axis=0)
        bstar = jnp.max(sel_ref[0:1, :])
        cnt_before = jnp.max(sel_ref[1:2, :])
        resid = jnp.float32(K_RANK) - cnt_before.astype(jnp.float32)
        c = _cumsum_2level(hm)
        lostar = jnp.sum((c < resid).astype(jnp.float32)).astype(jnp.int32)
        tbits = jnp.bitwise_or(lax.shift_left(bstar, 16), lostar)
        tsm[0] = lax.bitcast_convert_type(tbits, jnp.float32)

    t = tsm[0]
    s = jnp.max(std_ref[...])
    rs = 1.0 / s
    xc = jnp.clip(d_ref[...], -t, t)
    acc[0] += jnp.sum(xc)
    acc[1] += jnp.sum(xc * xc)
    xn = xc * rs
    q = jnp.full_like(xn, s * jnp.float32(_QV[0]))
    for j in range(1, 16):
        q = jnp.where(xn > jnp.float32(_EDGES[j - 1]),
                      s * jnp.float32(_QV[j]), q)
    out_ref[...] = gx_ref[...] + q

    @pl.when(i == _NBLK - 1)
    def _():
        n = jnp.float32(N_TOTAL)
        var = (acc[1] - acc[0] * acc[0] / n) / (n - 1.0)
        std_out_ref[...] = jnp.full((1, 1), jnp.sqrt(var), jnp.float32)


def _make_tc_kernels():
    sel_hi = pl.pallas_call(
        _sel_hi_tc,
        out_shape=jax.ShapeDtypeStruct((8, 128), jnp.int32),
    )
    final = pl.pallas_call(
        _final_body,
        grid=(_NBLK,),
        in_specs=[
            pl.BlockSpec((NW, LO_BINS // 128, 128), lambda i: (0, 0, 0)),
            pl.BlockSpec((8, 128), lambda i: (0, 0)),
            pl.BlockSpec((8, 128), lambda i: (0, 0)),
            pl.BlockSpec((_BLK, COLS), lambda i: (i, 0)),
            pl.BlockSpec((_BLK, COLS), lambda i: (i, 0)),
        ],
        out_specs=[
            pl.BlockSpec((_BLK, COLS), lambda i: (i, 0)),
            pl.BlockSpec((1, 1), lambda i: (0, 0)),
        ],
        out_shape=[
            jax.ShapeDtypeStruct((ROWS, COLS), jnp.float32),
            jax.ShapeDtypeStruct((1, 1), jnp.float32),
        ],
        scratch_shapes=[pltpu.SMEM((2,), jnp.float32),
                        pltpu.SMEM((1,), jnp.float32)],
    )
    return sel_hi, final


def kernel(x, global_x, std):
    xt = x.transpose(2, 3, 0, 1).reshape(ROWS, COLS)
    gt = global_x.transpose(2, 3, 0, 1).reshape(ROWS, COLS)
    k_hi, k_lo = _make_sc_kernels()
    sel_hi, final = _make_tc_kernels()

    hist_hi, dt = k_hi(xt, gt)
    sel = sel_hi(hist_hi)
    hist_lo = k_lo(dt, sel.reshape(-1))

    stdb = jnp.broadcast_to(std.reshape(1, 1), (8, 128))
    out2d, stdout = final(hist_lo, sel, stdb, dt, gt)
    out = out2d.reshape(3, 3, 512, 512).transpose(2, 3, 0, 1)
    return out, stdout.reshape(())

# --- scband reference (transcript-rebuilt; emitter-appended) ---
"""Pipeline reference for scband-wsqconv2d-51479478010500 (READ-ONLY COPY).

The authoritative reference and input builder live on the scoring server;
editing this copy changes nothing except your own understanding.
"""

import jax, jax.numpy as jnp
import numpy as np

BIT4 = [-2.6536, -1.9735, -1.508, -1.149, -0.8337, -0.5439, -0.2686, 0.0, 0.2303, 0.4648, 0.7081, 0.9663, 1.2481, 1.5676, 1.9679, 2.6488]
Q_VALUES = jnp.sort(jnp.asarray(BIT4, dtype=jnp.float32))
EDGES = 0.5 * (Q_VALUES[1:] + Q_VALUES[:-1])
CLIP_PROB = 0.01


def setup_inputs(seed: int = 0) -> dict:
    key = jax.random.key(seed)
    k1, k2 = jax.random.split(key)
    x = jax.random.normal(k1, (512, 512, 3, 3), dtype=jnp.float32)
    global_x = jax.random.normal(k2, (512, 512, 3, 3), dtype=jnp.float32)
    std = jnp.ones((1,), dtype=jnp.float32)
    return {"x": x, "global_x": global_x, "std": std}


def reference(x, global_x, std):
    # x = x - global_x
    x = x - global_x
    # clip_prob > 0: kthvalue-based symmetric clipping
    x_abs = jnp.abs(x)
    k = int((1.0 - CLIP_PROB) * x_abs.size)
    # torch.kthvalue returns the k-th smallest (1-indexed) => sorted[k-1]
    clip_threshold = jnp.sort(x_abs.reshape(-1))[k - 1]
    x = jnp.clip(x, -clip_threshold, clip_threshold)
    # local std (torch default is unbiased, ddof=1)
    local_std = jnp.std(x, ddof=1)
    # normalize and bucketize (torch.bucketize right=False == searchsorted side='left')
    xn = x / std
    indices = jnp.searchsorted(EDGES, xn, side='left')
    quantized_x = Q_VALUES[indices]
    dequantized_x = std * quantized_x
    updated_global_x = global_x + dequantized_x
    return (updated_global_x, local_std)

if __name__ == "__main__":
    import jax
    _d = setup_inputs()
    print(jax.jit(kernel)(*tuple(_d.values())))

</pallas_src>

<mosaic_0001>
#map = affine_map<(d0, d1) -> (0, 0)>
#map1 = affine_map<(d0, d1) -> (0)>
#map2 = affine_map<(d0, d1) -> (0, 0, 0)>
module attributes {stable_mosaic.version = 14 : i64} {
  func.func @_hist_lo_body(%arg0: i32, %arg1: i32, %arg2: memref<4608x512xf32, #tpu.memory_space<hbm>>, %arg3: memref<1024xi32, #tpu.memory_space<hbm>>, %arg4: memref<32x512x128xi32, #tpu.memory_space<hbm>>, %arg5: memref<16x512xf32, #tpu.memory_space<vmem>>, %arg6: memref<16x512xf32, #tpu.memory_space<vmem>>, %arg7: memref<512x128xi32, #tpu.memory_space<vmem>>, %arg8: memref<16xi32, #tpu.memory_space<vmem>>, %arg9: memref<!tpu.dma_semaphore, #tpu.memory_space<semaphore_mem>>, %arg10: memref<!tpu.dma_semaphore, #tpu.memory_space<semaphore_mem>>) attributes {dimension_semantics = [#tpu.dimension_semantics<core_parallel>, #tpu.dimension_semantics<subcore_parallel>], iteration_bounds = array<i64: 2, 16>, scalar_prefetch = 0 : i64, scratch_operands = 6 : i64, tpu.core_type = #tpu.core_type<sc_vector_subcore>, window_params = [{transform_indices = #map}, {transform_indices = #map1}, {transform_indices = #map2}]} {
    %mul3A = arith.constant 2 : i32
    %mul3A_0 = arith.muli %arg1, %mul3A : i32
    %add3A = arith.addi %mul3A_0, %arg0 : i32
    %mul3A_1 = arith.constant 144 : i32
    %mul3A_2 = arith.muli %add3A, %mul3A_1 : i32
    %broadcast_in_dim3A = arith.constant 0 : i32
    %broadcast_in_dim3A_3 = vector.broadcast %broadcast_in_dim3A : i32 to vector<16xi32>
    %broadcast_in_dim3A_4 = arith.constant 1 : i32
    %broadcast_in_dim3A_5 = vector.broadcast %broadcast_in_dim3A_4 : i32 to vector<16xi32>
    %dma_start3A = arith.constant 0 : i32
    %dma_start3A_6 = tpu.memref_slice %arg2[%mul3A_2, %dma_start3A] : memref<4608x512xf32, #tpu.memory_space<hbm>> -> memref<16x512xf32, #tpu.memory_space<hbm>>
    %dma_start3A_7 = arith.constant 0 : i32
    %dma_start3A_8 = tpu.memref_slice %arg2[%mul3A_2, %dma_start3A_7] : memref<4608x512xf32, #tpu.memory_space<hbm>> -> memref<16x512xf32, #tpu.memory_space<hbm>>
    tpu.enqueue_dma source(%dma_start3A_8 : memref<16x512xf32, #tpu.memory_space<hbm>>) target(%arg5 : memref<16x512xf32, #tpu.memory_space<vmem>>) target_semaphore(%arg9 : memref<!tpu.dma_semaphore, #tpu.memory_space<semaphore_mem>>)
    "tpu.region"() ({
      %run_scoped3A = tpu.sem_alloc : memref<!tpu.dma_semaphore, #tpu.memory_space<semaphore_mem>>
      %dma_start3A_122 = arith.constant 0 : i32
      %dma_start3A_123 = tpu.memref_slice %arg3[%dma_start3A_122] : memref<1024xi32, #tpu.memory_space<hbm>> -> memref<16xi32, #tpu.memory_space<hbm>>
      %dma_start3A_124 = arith.constant 0 : i32
      %dma_start3A_125 = tpu.memref_slice %arg3[%dma_start3A_124] : memref<1024xi32, #tpu.memory_space<hbm>> -> memref<16xi32, #tpu.memory_space<hbm>>
      tpu.enqueue_dma source(%dma_start3A_125 : memref<16xi32, #tpu.memory_space<hbm>>) target(%arg8 : memref<16xi32, #tpu.memory_space<vmem>>) target_semaphore(%run_scoped3A : memref<!tpu.dma_semaphore, #tpu.memory_space<semaphore_mem>>)
      %dma_wait3A_126 = arith.constant 0 : i32
      %dma_wait3A_127 = tpu.memref_slice %arg3[%dma_wait3A_126] : memref<1024xi32, #tpu.memory_space<hbm>> -> memref<16xi32, #tpu.memory_space<hbm>>
      %dma_wait3A_128 = arith.constant 0 : i32
      %dma_wait3A_129 = tpu.memref_slice %arg3[%dma_wait3A_128] : memref<1024xi32, #tpu.memory_space<hbm>> -> memref<16xi32, #tpu.memory_space<hbm>>
      tpu.wait_dma2 semaphore(%run_scoped3A : memref<!tpu.dma_semaphore, #tpu.memory_space<semaphore_mem>>) src(%dma_wait3A_129 : memref<16xi32, #tpu.memory_space<hbm>>) dst(%arg8 : memref<16xi32, #tpu.memory_space<vmem>>)
      tpu.yield
    }) : () -> ()
    %get3A = arith.constant 0 : index
    %get3A_9 = tpu.vector_load %arg8[%get3A] {strides = array<i32>} : memref<16xi32, #tpu.memory_space<vmem>>, vector<16xi32>,
    %parallel_loop3A = arith.constant 0 : i32
    %parallel_loop3A_10 = arith.constant 4096 : i32
    %parallel_loop3A_11 = arith.constant 1 : i32
    scf.for %parallel_loop3A_122 = %parallel_loop3A to %parallel_loop3A_10 step %parallel_loop3A_11  : i32 {
      %parallel_loop3A_123 = arith.constant 3 : i32
      %parallel_loop3A_124 = arith.shrui %parallel_loop3A_122, %parallel_loop3A_123 : i32
      %parallel_loop3A_125 = arith.constant 7 : i32
      %parallel_loop3A_126 = arith.andi %parallel_loop3A_122, %parallel_loop3A_125 : i32
      %parallel_loop3A_127 = arith.constant 16 : i32
      %parallel_loop3A_128 = arith.muli %parallel_loop3A_126, %parallel_loop3A_127 : i32
      %parallel_loop3A_129 = arith.index_cast %parallel_loop3A_124 : i32 to index
      %parallel_loop3A_130 = arith.index_cast %parallel_loop3A_128 : i32 to index
      %parallel_loop3A_131 = tpu.vector_load %arg7[%parallel_loop3A_129, %parallel_loop3A_130] {strides = array<i32>} : memref<512x128xi32, #tpu.memory_space<vmem>>, vector<16xi32>,
      tpu.vector_store %arg7[%parallel_loop3A_129, %parallel_loop3A_130], %broadcast_in_dim3A_3 {strides = array<i32>} : memref<512x128xi32, #tpu.memory_space<vmem>>, vector<16xi32>,
    } {sc.loop_unroll_factor = 8 : i64, sc.parallel_access}
    %add3A_12 = arith.constant 16 : i32
    %add3A_13 = arith.addi %mul3A_2, %add3A_12 : i32
    %dma_start3A_14 = arith.constant 0 : i32
    %dma_start3A_15 = tpu.memref_slice %arg2[%add3A_13, %dma_start3A_14] : memref<4608x512xf32, #tpu.memory_space<hbm>> -> memref<16x512xf32, #tpu.memory_space<hbm>>
    %dma_start3A_16 = arith.constant 0 : i32
    %dma_start3A_17 = tpu.memref_slice %arg2[%add3A_13, %dma_start3A_16] : memref<4608x512xf32, #tpu.memory_space<hbm>> -> memref<16x512xf32, #tpu.memory_space<hbm>>
    tpu.enqueue_dma source(%dma_start3A_17 : memref<16x512xf32, #tpu.memory_space<hbm>>) target(%arg6 : memref<16x512xf32, #tpu.memory_space<vmem>>) target_semaphore(%arg10 : memref<!tpu.dma_semaphore, #tpu.memory_space<semaphore_mem>>)
    %dma_wait3A = arith.constant 0 : i32
    %dma_wait3A_18 = tpu.memref_slice %arg2[%mul3A_2, %dma_wait3A] : memref<4608x512xf32, #tpu.memory_space<hbm>> -> memref<16x512xf32, #tpu.memory_space<hbm>>
    %dma_wait3A_19 = arith.constant 0 : i32
    %dma_wait3A_20 = tpu.memref_slice %arg2[%mul3A_2, %dma_wait3A_19] : memref<4608x512xf32, #tpu.memory_space<hbm>> -> memref<16x512xf32, #tpu.memory_space<hbm>>
    tpu.wait_dma2 semaphore(%arg9 : memref<!tpu.dma_semaphore, #tpu.memory_space<semaphore_mem>>) src(%dma_wait3A_20 : memref<16x512xf32, #tpu.memory_space<hbm>>) dst(%arg5 : memref<16x512xf32, #tpu.memory_space<vmem>>)
    %parallel_loop3A_21 = arith.constant 0 : i32
    %parallel_loop3A_22 = arith.constant 512 : i32
    %parallel_loop3A_23 = arith.constant 1 : i32
    scf.for %parallel_loop3A_122 = %parallel_loop3A_21 to %parallel_loop3A_22 step %parallel_loop3A_23  : i32 {
      %parallel_loop3A_123 = arith.constant 5 : i32
      %parallel_loop3A_124 = arith.shrui %parallel_loop3A_122, %parallel_loop3A_123 : i32
      %parallel_loop3A_125 = arith.constant 31 : i32
      %parallel_loop3A_126 = arith.andi %parallel_loop3A_122, %parallel_loop3A_125 : i32
      %parallel_loop3A_127 = arith.constant 16 : i32
      %parallel_loop3A_128 = arith.muli %parallel_loop3A_126, %parallel_loop3A_127 : i32
      %parallel_loop3A_129 = arith.index_cast %parallel_loop3A_124 : i32 to index
      %parallel_loop3A_130 = arith.index_cast %parallel_loop3A_128 : i32 to index
      %parallel_loop3A_131 = tpu.vector_load %arg5[%parallel_loop3A_129, %parallel_loop3A_130] {strides = array<i32>} : memref<16x512xf32, #tpu.memory_space<vmem>>, vector<16xf32>,
      %parallel_loop3A_132 = math.absf %parallel_loop3A_131 : vector<16xf32>
      %parallel_loop3A_133 = vector.bitcast %parallel_loop3A_132 : vector<16xf32> to vector<16xi32>
      %parallel_loop3A_134 = arith.constant 16 : i32
      %parallel_loop3A_135 = vector.broadcast %parallel_loop3A_134 : i32 to vector<16xi32>
      %parallel_loop3A_136 = arith.shrui %parallel_loop3A_133, %parallel_loop3A_135 : vector<16xi32>
      %parallel_loop3A_137 = arith.constant 65535 : i32
      %parallel_loop3A_138 = vector.broadcast %parallel_loop3A_137 : i32 to vector<16xi32>
      %parallel_loop3A_139 = arith.andi %parallel_loop3A_133, %parallel_loop3A_138 : vector<16xi32>
      %parallel_loop3A_140 = arith.constant 7 : i32
      %parallel_loop3A_141 = vector.broadcast %parallel_loop3A_140 : i32 to vector<16xi32>
      %parallel_loop3A_142 = arith.shrui %parallel_loop3A_139, %parallel_loop3A_141 : vector<16xi32>
      %parallel_loop3A_143 = arith.constant 127 : i32
      %parallel_loop3A_144 = vector.broadcast %parallel_loop3A_143 : i32 to vector<16xi32>
      %parallel_loop3A_145 = arith.andi %parallel_loop3A_139, %parallel_loop3A_144 : vector<16xi32>
      %parallel_loop3A_146 = arith.cmpi eq, %parallel_loop3A_136, %get3A_9 : vector<16xi32>
      tpu.vector_store_idx %arg7[%parallel_loop3A_142, %parallel_loop3A_145], %broadcast_in_dim3A_5 masked %parallel_loop3A_146 {add = true} : memref<512x128xi32, #tpu.memory_space<vmem>>[vector<16xi32>, vector<16xi32>], vector<16xi32>, vector<16xi1>
    } {sc.loop_unroll_factor = 4 : i64, sc.parallel_access}
    %add3A_24 = arith.constant 32 : i32
    %add3A_25 = arith.addi %mul3A_2, %add3A_24 : i32
    %dma_start3A_26 = arith.constant 0 : i32
    %dma_start3A_27 = tpu.memref_slice %arg2[%add3A_25, %dma_start3A_26] : memref<4608x512xf32, #tpu.memory_space<hbm>> -> memref<16x512xf32, #tpu.memory_space<hbm>>
    %dma_start3A_28 = arith.constant 0 : i32
    %dma_start3A_29 = tpu.memref_slice %arg2[%add3A_25, %dma_start3A_28] : memref<4608x512xf32, #tpu.memory_space<hbm>> -> memref<16x512xf32, #tpu.memory_space<hbm>>
    tpu.enqueue_dma source(%dma_start3A_29 : memref<16x512xf32, #tpu.memory_space<hbm>>) target(%arg5 : memref<16x512xf32, #tpu.memory_space<vmem>>) target_semaphore(%arg9 : memref<!tpu.dma_semaphore, #tpu.memory_space<semaphore_mem>>)
    %dma_wait3A_30 = arith.constant 0 : i32
    %dma_wait3A_31 = tpu.memref_slice %arg2[%add3A_13, %dma_wait3A_30] : memref<4608x512xf32, #tpu.memory_space<hbm>> -> memref<16x512xf32, #tpu.memory_space<hbm>>
    %dma_wait3A_32 = arith.constant 0 : i32
    %dma_wait3A_33 = tpu.memref_slice %arg2[%add3A_13, %dma_wait3A_32] : memref<4608x512xf32, #tpu.memory_space<hbm>> -> memref<16x512xf32, #tpu.memory_space<hbm>>
    tpu.wait_dma2 semaphore(%arg10 : memref<!tpu.dma_semaphore, #tpu.memory_space<semaphore_mem>>) src(%dma_wait3A_33 : memref<16x512xf32, #tpu.memory_space<hbm>>) dst(%arg6 : memref<16x512xf32, #tpu.memory_space<vmem>>)
    %parallel_loop3A_34 = arith.constant 0 : i32
    %parallel_loop3A_35 = arith.constant 512 : i32
    %parallel_loop3A_36 = arith.constant 1 : i32
    scf.for %parallel_loop3A_122 = %parallel_loop3A_34 to %parallel_loop3A_35 step %parallel_loop3A_36  : i32 {
      %parallel_loop3A_123 = arith.constant 5 : i32
      %parallel_loop3A_124 = arith.shrui %parallel_loop3A_122, %parallel_loop3A_123 : i32
      %parallel_loop3A_125 = arith.constant 31 : i32
      %parallel_loop3A_126 = arith.andi %parallel_loop3A_122, %parallel_loop3A_125 : i32
      %parallel_loop3A_127 = arith.constant 16 : i32
      %parallel_loop3A_128 = arith.muli %parallel_loop3A_126, %parallel_loop3A_127 : i32
      %parallel_loop3A_129 = arith.index_cast %parallel_loop3A_124 : i32 to index
      %parallel_loop3A_130 = arith.index_cast %parallel_loop3A_128 : i32 to index
      %parallel_loop3A_131 = tpu.vector_load %arg6[%parallel_loop3A_129, %parallel_loop3A_130] {strides = array<i32>} : memref<16x512xf32, #tpu.memory_space<vmem>>, vector<16xf32>,
      %parallel_loop3A_132 = math.absf %parallel_loop3A_131 : vector<16xf32>
      %parallel_loop3A_133 = vector.bitcast %parallel_loop3A_132 : vector<16xf32> to vector<16xi32>
      %parallel_loop3A_134 = arith.constant 16 : i32
      %parallel_loop3A_135 = vector.broadcast %parallel_loop3A_134 : i32 to vector<16xi32>
      %parallel_loop3A_136 = arith.shrui %parallel_loop3A_133, %parallel_loop3A_135 : vector<16xi32>
      %parallel_loop3A_137 = arith.constant 65535 : i32
      %parallel_loop3A_138 = vector.broadcast %parallel_loop3A_137 : i32 to vector<16xi32>
      %parallel_loop3A_139 = arith.andi %parallel_loop3A_133, %parallel_loop3A_138 : vector<16xi32>
      %parallel_loop3A_140 = arith.constant 7 : i32
      %parallel_loop3A_141 = vector.broadcast %parallel_loop3A_140 : i32 to vector<16xi32>
      %parallel_loop3A_142 = arith.shrui %parallel_loop3A_139, %parallel_loop3A_141 : vector<16xi32>
      %parallel_loop3A_143 = arith.constant 127 : i32
      %parallel_loop3A_144 = vector.broadcast %parallel_loop3A_143 : i32 to vector<16xi32>
      %parallel_loop3A_145 = arith.andi %parallel_loop3A_139, %parallel_loop3A_144 : vector<16xi32>
      %parallel_loop3A_146 = arith.cmpi eq, %parallel_loop3A_136, %get3A_9 : vector<16xi32>
      tpu.vector_store_idx %arg7[%parallel_loop3A_142, %parallel_loop3A_145], %broadcast_in_dim3A_5 masked %parallel_loop3A_146 {add = true} : memref<512x128xi32, #tpu.memory_space<vmem>>[vector<16xi32>, vector<16xi32>], vector<16xi32>, vector<16xi1>
    } {sc.loop_unroll_factor = 4 : i64, sc.parallel_access}
    %add3A_37 = arith.constant 48 : i32
    %add3A_38 = arith.addi %mul3A_2, %add3A_37 : i32
    %dma_start3A_39 = arith.constant 0 : i32
    %dma_start3A_40 = tpu.memref_slice %arg2[%add3A_38, %dma_start3A_39] : memref<4608x512xf32, #tpu.memory_space<hbm>> -> memref<16x512xf32, #tpu.memory_space<hbm>>
    %dma_start3A_41 = arith.constant 0 : i32
    %dma_start3A_42 = tpu.memref_slice %arg2[%add3A_38, %dma_start3A_41] : memref<4608x512xf32, #tpu.memory_space<hbm>> -> memref<16x512xf32, #tpu.memory_space<hbm>>
    tpu.enqueue_dma source(%dma_start3A_42 : memref<16x512xf32, #tpu.memory_space<hbm>>) target(%arg6 : memref<16x512xf32, #tpu.memory_space<vmem>>) target_semaphore(%arg10 : memref<!tpu.dma_semaphore, #tpu.memory_space<semaphore_mem>>)
    %dma_wait3A_43 = arith.constant 0 : i32
    %dma_wait3A_44 = tpu.memref_slice %arg2[%add3A_25, %dma_wait3A_43] : memref<4608x512xf32, #tpu.memory_space<hbm>> -> memref<16x512xf32, #tpu.memory_space<hbm>>
    %dma_wait3A_45 = arith.constant 0 : i32
    %dma_wait3A_46 = tpu.memref_slice %arg2[%add3A_25, %dma_wait3A_45] : memref<4608x512xf32, #tpu.memory_space<hbm>> -> memref<16x512xf32, #tpu.memory_space<hbm>>
    tpu.wait_dma2 semaphore(%arg9 : memref<!tpu.dma_semaphore, #tpu.memory_space<semaphore_mem>>) src(%dma_wait3A_46 : memref<16x512xf32, #tpu.memory_space<hbm>>) dst(%arg5 : memref<16x512xf32, #tpu.memory_space<vmem>>)
    %parallel_loop3A_47 = arith.constant 0 : i32
    %parallel_loop3A_48 = arith.constant 512 : i32
    %parallel_loop3A_49 = arith.constant 1 : i32
    scf.for %parallel_loop3A_122 = %parallel_loop3A_47 to %parallel_loop3A_48 step %parallel_loop3A_49  : i32 {
      %parallel_loop3A_123 = arith.constant 5 : i32
      %parallel_loop3A_124 = arith.shrui %parallel_loop3A_122, %parallel_loop3A_123 : i32
      %parallel_loop3A_125 = arith.constant 31 : i32
      %parallel_loop3A_126 = arith.andi %parallel_loop3A_122, %parallel_loop3A_125 : i32
      %parallel_loop3A_127 = arith.constant 16 : i32
      %parallel_loop3A_128 = arith.muli %parallel_loop3A_126, %parallel_loop3A_127 : i32
      %parallel_loop3A_129 = arith.index_cast %parallel_loop3A_124 : i32 to index
      %parallel_loop3A_130 = arith.index_cast %parallel_loop3A_128 : i32 to index
      %parallel_loop3A_131 = tpu.vector_load %arg5[%parallel_loop3A_129, %parallel_loop3A_130] {strides = array<i32>} : memref<16x512xf32, #tpu.memory_space<vmem>>, vector<16xf32>,
      %parallel_loop3A_132 = math.absf %parallel_loop3A_131 : vector<16xf32>
      %parallel_loop3A_133 = vector.bitcast %parallel_loop3A_132 : vector<16xf32> to vector<16xi32>
      %parallel_loop3A_134 = arith.constant 16 : i32
      %parallel_loop3A_135 = vector.broadcast %parallel_loop3A_134 : i32 to vector<16xi32>
      %parallel_loop3A_136 = arith.shrui %parallel_loop3A_133, %parallel_loop3A_135 : vector<16xi32>
      %parallel_loop3A_137 = arith.constant 65535 : i32
      %parallel_loop3A_138 = vector.broadcast %parallel_loop3A_137 : i32 to vector<16xi32>
      %parallel_loop3A_139 = arith.andi %parallel_loop3A_133, %parallel_loop3A_138 : vector<16xi32>
      %parallel_loop3A_140 = arith.constant 7 : i32
      %parallel_loop3A_141 = vector.broadcast %parallel_loop3A_140 : i32 to vector<16xi32>
      %parallel_loop3A_142 = arith.shrui %parallel_loop3A_139, %parallel_loop3A_141 : vector<16xi32>
      %parallel_loop3A_143 = arith.constant 127 : i32
      %parallel_loop3A_144 = vector.broadcast %parallel_loop3A_143 : i32 to vector<16xi32>
      %parallel_loop3A_145 = arith.andi %parallel_loop3A_139, %parallel_loop3A_144 : vector<16xi32>
      %parallel_loop3A_146 = arith.cmpi eq, %parallel_loop3A_136, %get3A_9 : vector<16xi32>
      tpu.vector_store_idx %arg7[%parallel_loop3A_142, %parallel_loop3A_145], %broadcast_in_dim3A_5 masked %parallel_loop3A_146 {add = true} : memref<512x128xi32, #tpu.memory_space<vmem>>[vector<16xi32>, vector<16xi32>], vector<16xi32>, vector<16xi1>
    } {sc.loop_unroll_factor = 4 : i64, sc.parallel_access}
    %add3A_50 = arith.constant 64 : i32
    %add3A_51 = arith.addi %mul3A_2, %add3A_50 : i32
    %dma_start3A_52 = arith.constant 0 : i32
    %dma_start3A_53 = tpu.memref_slice %arg2[%add3A_51, %dma_start3A_52] : memref<4608x512xf32, #tpu.memory_space<hbm>> -> memref<16x512xf32, #tpu.memory_space<hbm>>
    %dma_start3A_54 = arith.constant 0 : i32
    %dma_start3A_55 = tpu.memref_slice %arg2[%add3A_51, %dma_start3A_54] : memref<4608x512xf32, #tpu.memory_space<hbm>> -> memref<16x512xf32, #tpu.memory_space<hbm>>
    tpu.enqueue_dma source(%dma_start3A_55 : memref<16x512xf32, #tpu.memory_space<hbm>>) target(%arg5 : memref<16x512xf32, #tpu.memory_space<vmem>>) target_semaphore(%arg9 : memref<!tpu.dma_semaphore, #tpu.memory_space<semaphore_mem>>)
    %dma_wait3A_56 = arith.constant 0 : i32
    %dma_wait3A_57 = tpu.memref_slice %arg2[%add3A_38, %dma_wait3A_56] : memref<4608x512xf32, #tpu.memory_space<hbm>> -> memref<16x512xf32, #tpu.memory_space<hbm>>
    %dma_wait3A_58 = arith.constant 0 : i32
    %dma_wait3A_59 = tpu.memref_slice %arg2[%add3A_38, %dma_wait3A_58] : memref<4608x512xf32, #tpu.memory_space<hbm>> -> memref<16x512xf32, #tpu.memory_space<hbm>>
    tpu.wait_dma2 semaphore(%arg10 : memref<!tpu.dma_semaphore, #tpu.memory_space<semaphore_mem>>) src(%dma_wait3A_59 : memref<16x512xf32, #tpu.memory_space<hbm>>) dst(%arg6 : memref<16x512xf32, #tpu.memory_space<vmem>>)
    %parallel_loop3A_60 = arith.constant 0 : i32
    %parallel_loop3A_61 = arith.constant 512 : i32
    %parallel_loop3A_62 = arith.constant 1 : i32
    scf.for %parallel_loop3A_122 = %parallel_loop3A_60 to %parallel_loop3A_61 step %parallel_loop3A_62  : i32 {
      %parallel_loop3A_123 = arith.constant 5 : i32
      %parallel_loop3A_124 = arith.shrui %parallel_loop3A_122, %parallel_loop3A_123 : i32
      %parallel_loop3A_125 = arith.constant 31 : i32
      %parallel_loop3A_126 = arith.andi %parallel_loop3A_122, %parallel_loop3A_125 : i32
      %parallel_loop3A_127 = arith.constant 16 : i32
      %parallel_loop3A_128 = arith.muli %parallel_loop3A_126, %parallel_loop3A_127 : i32
      %parallel_loop3A_129 = arith.index_cast %parallel_loop3A_124 : i32 to index
      %parallel_loop3A_130 = arith.index_cast %parallel_loop3A_128 : i32 to index
      %parallel_loop3A_131 = tpu.vector_load %arg6[%parallel_loop3A_129, %parallel_loop3A_130] {strides = array<i32>} : memref<16x512xf32, #tpu.memory_space<vmem>>, vector<16xf32>,
      %parallel_loop3A_132 = math.absf %parallel_loop3A_131 : vector<16xf32>
      %parallel_loop3A_133 = vector.bitcast %parallel_loop3A_132 : vector<16xf32> to vector<16xi32>
      %parallel_loop3A_134 = arith.constant 16 : i32
      %parallel_loop3A_135 = vector.broadcast %parallel_loop3A_134 : i32 to vector<16xi32>
      %parallel_loop3A_136 = arith.shrui %parallel_loop3A_133, %parallel_loop3A_135 : vector<16xi32>
      %parallel_loop3A_137 = arith.constant 65535 : i32
      %parallel_loop3A_138 = vector.broadcast %parallel_loop3A_137 : i32 to vector<16xi32>
      %parallel_loop3A_139 = arith.andi %parallel_loop3A_133, %parallel_loop3A_138 : vector<16xi32>
      %parallel_loop3A_140 = arith.constant 7 : i32
      %parallel_loop3A_141 = vector.broadcast %parallel_loop3A_140 : i32 to vector<16xi32>
      %parallel_loop3A_142 = arith.shrui %parallel_loop3A_139, %parallel_loop3A_141 : vector<16xi32>
      %parallel_loop3A_143 = arith.constant 127 : i32
      %parallel_loop3A_144 = vector.broadcast %parallel_loop3A_143 : i32 to vector<16xi32>
      %parallel_loop3A_145 = arith.andi %parallel_loop3A_139, %parallel_loop3A_144 : vector<16xi32>
      %parallel_loop3A_146 = arith.cmpi eq, %parallel_loop3A_136, %get3A_9 : vector<16xi32>
      tpu.vector_store_idx %arg7[%parallel_loop3A_142, %parallel_loop3A_145], %broadcast_in_dim3A_5 masked %parallel_loop3A_146 {add = true} : memref<512x128xi32, #tpu.memory_space<vmem>>[vector<16xi32>, vector<16xi32>], vector<16xi32>, vector<16xi1>
    } {sc.loop_unroll_factor = 4 : i64, sc.parallel_access}
    %add3A_63 = arith.constant 80 : i32
    %add3A_64 = arith.addi %mul3A_2, %add3A_63 : i32
    %dma_start3A_65 = arith.constant 0 : i32
    %dma_start3A_66 = tpu.memref_slice %arg2[%add3A_64, %dma_start3A_65] : memref<4608x512xf32, #tpu.memory_space<hbm>> -> memref<16x512xf32, #tpu.memory_space<hbm>>
    %dma_start3A_67 = arith.constant 0 : i32
    %dma_start3A_68 = tpu.memref_slice %arg2[%add3A_64, %dma_start3A_67] : memref<4608x512xf32, #tpu.memory_space<hbm>> -> memref<16x512xf32, #tpu.memory_space<hbm>>
    tpu.enqueue_dma source(%dma_start3A_68 : memref<16x512xf32, #tpu.memory_space<hbm>>) target(%arg6 : memref<16x512xf32, #tpu.memory_space<vmem>>) target_semaphore(%arg10 : memref<!tpu.dma_semaphore, #tpu.memory_space<semaphore_mem>>)
    %dma_wait3A_69 = arith.constant 0 : i32
    %dma_wait3A_70 = tpu.memref_slice %arg2[%add3A_51, %dma_wait3A_69] : memref<4608x512xf32, #tpu.memory_space<hbm>> -> memref<16x512xf32, #tpu.memory_space<hbm>>
    %dma_wait3A_71 = arith.constant 0 : i32
    %dma_wait3A_72 = tpu.memref_slice %arg2[%add3A_51, %dma_wait3A_71] : memref<4608x512xf32, #tpu.memory_space<hbm>> -> memref<16x512xf32, #tpu.memory_space<hbm>>
    tpu.wait_dma2 semaphore(%arg9 : memref<!tpu.dma_semaphore, #tpu.memory_space<semaphore_mem>>) src(%dma_wait3A_72 : memref<16x512xf32, #tpu.memory_space<hbm>>) dst(%arg5 : memref<16x512xf32, #tpu.memory_space<vmem>>)
    %parallel_loop3A_73 = arith.constant 0 : i32
    %parallel_loop3A_74 = arith.constant 512 : i32
    %parallel_loop3A_75 = arith.constant 1 : i32
    scf.for %parallel_loop3A_122 = %parallel_loop3A_73 to %parallel_loop3A_74 step %parallel_loop3A_75  : i32 {
      %parallel_loop3A_123 = arith.constant 5 : i32
      %parallel_loop3A_124 = arith.shrui %parallel_loop3A_122, %parallel_loop3A_123 : i32
      %parallel_loop3A_125 = arith.constant 31 : i32
      %parallel_loop3A_126 = arith.andi %parallel_loop3A_122, %parallel_loop3A_125 : i32
      %parallel_loop3A_127 = arith.constant 16 : i32
      %parallel_loop3A_128 = arith.muli %parallel_loop3A_126, %parallel_loop3A_127 : i32
      %parallel_loop3A_129 = arith.index_cast %parallel_loop3A_124 : i32 to index
      %parallel_loop3A_130 = arith.index_cast %parallel_loop3A_128 : i32 to index
      %parallel_loop3A_131 = tpu.vector_load %arg5[%parallel_loop3A_129, %parallel_loop3A_130] {strides = array<i32>} : memref<16x512xf32, #tpu.memory_space<vmem>>, vector<16xf32>,
      %parallel_loop3A_132 = math.absf %parallel_loop3A_131 : vector<16xf32>
      %parallel_loop3A_133 = vector.bitcast %parallel_loop3A_132 : vector<16xf32> to vector<16xi32>
      %parallel_loop3A_134 = arith.constant 16 : i32
      %parallel_loop3A_135 = vector.broadcast %parallel_loop3A_134 : i32 to vector<16xi32>
      %parallel_loop3A_136 = arith.shrui %parallel_loop3A_133, %parallel_loop3A_135 : vector<16xi32>
      %parallel_loop3A_137 = arith.constant 65535 : i32
      %parallel_loop3A_138 = vector.broadcast %parallel_loop3A_137 : i32 to vector<16xi32>
      %parallel_loop3A_139 = arith.andi %parallel_loop3A_133, %parallel_loop3A_138 : vector<16xi32>
      %parallel_loop3A_140 = arith.constant 7 : i32
      %parallel_loop3A_141 = vector.broadcast %parallel_loop3A_140 : i32 to vector<16xi32>
      %parallel_loop3A_142 = arith.shrui %parallel_loop3A_139, %parallel_loop3A_141 : vector<16xi32>
      %parallel_loop3A_143 = arith.constant 127 : i32
      %parallel_loop3A_144 = vector.broadcast %parallel_loop3A_143 : i32 to vector<16xi32>
      %parallel_loop3A_145 = arith.andi %parallel_loop3A_139, %parallel_loop3A_144 : vector<16xi32>
      %parallel_loop3A_146 = arith.cmpi eq, %parallel_loop3A_136, %get3A_9 : vector<16xi32>
      tpu.vector_store_idx %arg7[%parallel_loop3A_142, %parallel_loop3A_145], %broadcast_in_dim3A_5 masked %parallel_loop3A_146 {add = true} : memref<512x128xi32, #tpu.memory_space<vmem>>[vector<16xi32>, vector<16xi32>], vector<16xi32>, vector<16xi1>
    } {sc.loop_unroll_factor = 4 : i64, sc.parallel_access}
    %add3A_76 = arith.constant 96 : i32
    %add3A_77 = arith.addi %mul3A_2, %add3A_76 : i32
    %dma_start3A_78 = arith.constant 0 : i32
    %dma_start3A_79 = tpu.memref_slice %arg2[%add3A_77, %dma_start3A_78] : memref<4608x512xf32, #tpu.memory_space<hbm>> -> memref<16x512xf32, #tpu.memory_space<hbm>>
    %dma_start3A_80 = arith.constant 0 : i32
    %dma_start3A_81 = tpu.memref_slice %arg2[%add3A_77, %dma_start3A_80] : memref<4608x512xf32, #tpu.memory_space<hbm>> -> memref<16x512xf32, #tpu.memory_space<hbm>>
    tpu.enqueue_dma source(%dma_start3A_81 : memref<16x512xf32, #tpu.memory_space<hbm>>) target(%arg5 : memref<16x512xf32, #tpu.memory_space<vmem>>) target_semaphore(%arg9 : memref<!tpu.dma_semaphore, #tpu.memory_space<semaphore_mem>>)
    %dma_wait3A_82 = arith.constant 0 : i32
    %dma_wait3A_83 = tpu.memref_slice %arg2[%add3A_64, %dma_wait3A_82] : memref<4608x512xf32, #tpu.memory_space<hbm>> -> memref<16x512xf32, #tpu.memory_space<hbm>>
    %dma_wait3A_84 = arith.constant 0 : i32
    %dma_wait3A_85 = tpu.memref_slice %arg2[%add3A_64, %dma_wait3A_84] : memref<4608x512xf32, #tpu.memory_space<hbm>> -> memref<16x512xf32, #tpu.memory_space<hbm>>
    tpu.wait_dma2 semaphore(%arg10 : memref<!tpu.dma_semaphore, #tpu.memory_space<semaphore_mem>>) src(%dma_wait3A_85 : memref<16x512xf32, #tpu.memory_space<hbm>>) dst(%arg6 : memref<16x512xf32, #tpu.memory_space<vmem>>)
    %parallel_loop3A_86 = arith.constant 0 : i32
    %parallel_loop3A_87 = arith.constant 512 : i32
    %parallel_loop3A_88 = arith.constant 1 : i32
    scf.for %parallel_loop3A_122 = %parallel_loop3A_86 to %parallel_loop3A_87 step %parallel_loop3A_88  : i32 {
      %parallel_loop3A_123 = arith.constant 5 : i32
      %parallel_loop3A_124 = arith.shrui %parallel_loop3A_122, %parallel_loop3A_123 : i32
      %parallel_loop3A_125 = arith.constant 31 : i32
      %parallel_loop3A_126 = arith.andi %parallel_loop3A_122, %parallel_loop3A_125 : i32
      %parallel_loop3A_127 = arith.constant 16 : i32
      %parallel_loop3A_128 = arith.muli %parallel_loop3A_126, %parallel_loop3A_127 : i32
      %parallel_loop3A_129 = arith.index_cast %parallel_loop3A_124 : i32 to index
      %parallel_loop3A_130 = arith.index_cast %parallel_loop3A_128 : i32 to index
      %parallel_loop3A_131 = tpu.vector_load %arg6[%parallel_loop3A_129, %parallel_loop3A_130] {strides = array<i32>} : memref<16x512xf32, #tpu.memory_space<vmem>>, vector<16xf32>,
      %parallel_loop3A_132 = math.absf %parallel_loop3A_131 : vector<16xf32>
      %parallel_loop3A_133 = vector.bitcast %parallel_loop3A_132 : vector<16xf32> to vector<16xi32>
      %parallel_loop3A_134 = arith.constant 16 : i32
      %parallel_loop3A_135 = vector.broadcast %parallel_loop3A_134 : i32 to vector<16xi32>
      %parallel_loop3A_136 = arith.shrui %parallel_loop3A_133, %parallel_loop3A_135 : vector<16xi32>
      %parallel_loop3A_137 = arith.constant 65535 : i32
      %parallel_loop3A_138 = vector.broadcast %parallel_loop3A_137 : i32 to vector<16xi32>
      %parallel_loop3A_139 = arith.andi %parallel_loop3A_133, %parallel_loop3A_138 : vector<16xi32>
      %parallel_loop3A_140 = arith.constant 7 : i32
      %parallel_loop3A_141 = vector.broadcast %parallel_loop3A_140 : i32 to vector<16xi32>
      %parallel_loop3A_142 = arith.shrui %parallel_loop3A_139, %parallel_loop3A_141 : vector<16xi32>
      %parallel_loop3A_143 = arith.constant 127 : i32
      %parallel_loop3A_144 = vector.broadcast %parallel_loop3A_143 : i32 to vector<16xi32>
      %parallel_loop3A_145 = arith.andi %parallel_loop3A_139, %parallel_loop3A_144 : vector<16xi32>
      %parallel_loop3A_146 = arith.cmpi eq, %parallel_loop3A_136, %get3A_9 : vector<16xi32>
      tpu.vector_store_idx %arg7[%parallel_loop3A_142, %parallel_loop3A_145], %broadcast_in_dim3A_5 masked %parallel_loop3A_146 {add = true} : memref<512x128xi32, #tpu.memory_space<vmem>>[vector<16xi32>, vector<16xi32>], vector<16xi32>, vector<16xi1>
    } {sc.loop_unroll_factor = 4 : i64, sc.parallel_access}
    %add3A_89 = arith.constant 112 : i32
    %add3A_90 = arith.addi %mul3A_2, %add3A_89 : i32
    %dma_start3A_91 = arith.constant 0 : i32
    %dma_start3A_92 = tpu.memref_slice %arg2[%add3A_90, %dma_start3A_91] : memref<4608x512xf32, #tpu.memory_space<hbm>> -> memref<16x512xf32, #tpu.memory_space<hbm>>
    %dma_start3A_93 = arith.constant 0 : i32
    %dma_start3A_94 = tpu.memref_slice %arg2[%add3A_90, %dma_start3A_93] : memref<4608x512xf32, #tpu.memory_space<hbm>> -> memref<16x512xf32, #tpu.memory_space<hbm>>
    tpu.enqueue_dma source(%dma_start3A_94 : memref<16x512xf32, #tpu.memory_space<hbm>>) target(%arg6 : memref<16x512xf32, #tpu.memory_space<vmem>>) target_semaphore(%arg10 : memref<!tpu.dma_semaphore, #tpu.memory_space<semaphore_mem>>)
    %dma_wait3A_95 = arith.constant 0 : i32
    %dma_wait3A_96 = tpu.memref_slice %arg2[%add3A_77, %dma_wait3A_95] : memref<4608x512xf32, #tpu.memory_space<hbm>> -> memref<16x512xf32, #tpu.memory_space<hbm>>
    %dma_wait3A_97 = arith.constant 0 : i32
    %dma_wait3A_98 = tpu.memref_slice %arg2[%add3A_77, %dma_wait3A_97] : memref<4608x512xf32, #tpu.memory_space<hbm>> -> memref<16x512xf32, #tpu.memory_space<hbm>>
    tpu.wait_dma2 semaphore(%arg9 : memref<!tpu.dma_semaphore, #tpu.memory_space<semaphore_mem>>) src(%dma_wait3A_98 : memref<16x512xf32, #tpu.memory_space<hbm>>) dst(%arg5 : memref<16x512xf32, #tpu.memory_space<vmem>>)
    %parallel_loop3A_99 = arith.constant 0 : i32
    %parallel_loop3A_100 = arith.constant 512 : i32
    %parallel_loop3A_101 = arith.constant 1 : i32
    scf.for %parallel_loop3A_122 = %parallel_loop3A_99 to %parallel_loop3A_100 step %parallel_loop3A_101  : i32 {
      %parallel_loop3A_123 = arith.constant 5 : i32
      %parallel_loop3A_124 = arith.shrui %parallel_loop3A_122, %parallel_loop3A_123 : i32
      %parallel_loop3A_125 = arith.constant 31 : i32
      %parallel_loop3A_126 = arith.andi %parallel_loop3A_122, %parallel_loop3A_125 : i32
      %parallel_loop3A_127 = arith.constant 16 : i32
      %parallel_loop3A_128 = arith.muli %parallel_loop3A_126, %parallel_loop3A_127 : i32
      %parallel_loop3A_129 = arith.index_cast %parallel_loop3A_124 : i32 to index
      %parallel_loop3A_130 = arith.index_cast %parallel_loop3A_128 : i32 to index
      %parallel_loop3A_131 = tpu.vector_load %arg5[%parallel_loop3A_129, %parallel_loop3A_130] {strides = array<i32>} : memref<16x512xf32, #tpu.memory_space<vmem>>, vector<16xf32>,
      %parallel_loop3A_132 = math.absf %parallel_loop3A_131 : vector<16xf32>
      %parallel_loop3A_133 = vector.bitcast %parallel_loop3A_132 : vector<16xf32> to vector<16xi32>
      %parallel_loop3A_134 = arith.constant 16 : i32
      %parallel_loop3A_135 = vector.broadcast %parallel_loop3A_134 : i32 to vector<16xi32>
      %parallel_loop3A_136 = arith.shrui %parallel_loop3A_133, %parallel_loop3A_135 : vector<16xi32>
      %parallel_loop3A_137 = arith.constant 65535 : i32
      %parallel_loop3A_138 = vector.broadcast %parallel_loop3A_137 : i32 to vector<16xi32>
      %parallel_loop3A_139 = arith.andi %parallel_loop3A_133, %parallel_loop3A_138 : vector<16xi32>
      %parallel_loop3A_140 = arith.constant 7 : i32
      %parallel_loop3A_141 = vector.broadcast %parallel_loop3A_140 : i32 to vector<16xi32>
      %parallel_loop3A_142 = arith.shrui %parallel_loop3A_139, %parallel_loop3A_141 : vector<16xi32>
      %parallel_loop3A_143 = arith.constant 127 : i32
      %parallel_loop3A_144 = vector.broadcast %parallel_loop3A_143 : i32 to vector<16xi32>
      %parallel_loop3A_145 = arith.andi %parallel_loop3A_139, %parallel_loop3A_144 : vector<16xi32>
      %parallel_loop3A_146 = arith.cmpi eq, %parallel_loop3A_136, %get3A_9 : vector<16xi32>
      tpu.vector_store_idx %arg7[%parallel_loop3A_142, %parallel_loop3A_145], %broadcast_in_dim3A_5 masked %parallel_loop3A_146 {add = true} : memref<512x128xi32, #tpu.memory_space<vmem>>[vector<16xi32>, vector<16xi32>], vector<16xi32>, vector<16xi1>
    } {sc.loop_unroll_factor = 4 : i64, sc.parallel_access}
    %add3A_102 = arith.constant 128 : i32
    %add3A_103 = arith.addi %mul3A_2, %add3A_102 : i32
    %dma_start3A_104 = arith.constant 0 : i32
    %dma_start3A_105 = tpu.memref_slice %arg2[%add3A_103, %dma_start3A_104] : memref<4608x512xf32, #tpu.memory_space<hbm>> -> memref<16x512xf32, #tpu.memory_space<hbm>>
    %dma_start3A_106 = arith.constant 0 : i32
    %dma_start3A_107 = tpu.memref_slice %arg2[%add3A_103, %dma_start3A_106] : memref<4608x512xf32, #tpu.memory_space<hbm>> -> memref<16x512xf32, #tpu.memory_space<hbm>>
    tpu.enqueue_dma source(%dma_start3A_107 : memref<16x512xf32, #tpu.memory_space<hbm>>) target(%arg5 : memref<16x512xf32, #tpu.memory_space<vmem>>) target_semaphore(%arg9 : memref<!tpu.dma_semaphore, #tpu.memory_space<semaphore_mem>>)
    %dma_wait3A_108 = arith.constant 0 : i32
    %dma_wait3A_109 = tpu.memref_slice %arg2[%add3A_90, %dma_wait3A_108] : memref<4608x512xf32, #tpu.memory_space<hbm>> -> memref<16x512xf32, #tpu.memory_space<hbm>>
    %dma_wait3A_110 = arith.constant 0 : i32
    %dma_wait3A_111 = tpu.memref_slice %arg2[%add3A_90, %dma_wait3A_110] : memref<4608x512xf32, #tpu.memory_space<hbm>> -> memref<16x512xf32, #tpu.memory_space<hbm>>
    tpu.wait_dma2 semaphore(%arg10 : memref<!tpu.dma_semaphore, #tpu.memory_space<semaphore_mem>>) src(%dma_wait3A_111 : memref<16x512xf32, #tpu.memory_space<hbm>>) dst(%arg6 : memref<16x512xf32, #tpu.memory_space<vmem>>)
    %parallel_loop3A_112 = arith.constant 0 : i32
    %parallel_loop3A_113 = arith.constant 512 : i32
    %parallel_loop3A_114 = arith.constant 1 : i32
    scf.for %parallel_loop3A_122 = %parallel_loop3A_112 to %parallel_loop3A_113 step %parallel_loop3A_114  : i32 {
      %parallel_loop3A_123 = arith.constant 5 : i32
      %parallel_loop3A_124 = arith.shrui %parallel_loop3A_122, %parallel_loop3A_123 : i32
      %parallel_loop3A_125 = arith.constant 31 : i32
      %parallel_loop3A_126 = arith.andi %parallel_loop3A_122, %parallel_loop3A_125 : i32
      %parallel_loop3A_127 = arith.constant 16 : i32
      %parallel_loop3A_128 = arith.muli %parallel_loop3A_126, %parallel_loop3A_127 : i32
      %parallel_loop3A_129 = arith.index_cast %parallel_loop3A_124 : i32 to index
      %parallel_loop3A_130 = arith.index_cast %parallel_loop3A_128 : i32 to index
      %parallel_loop3A_131 = tpu.vector_load %arg6[%parallel_loop3A_129, %parallel_loop3A_130] {strides = array<i32>} : memref<16x512xf32, #tpu.memory_space<vmem>>, vector<16xf32>,
      %parallel_loop3A_132 = math.absf %parallel_loop3A_131 : vector<16xf32>
      %parallel_loop3A_133 = vector.bitcast %parallel_loop3A_132 : vector<16xf32> to vector<16xi32>
      %parallel_loop3A_134 = arith.constant 16 : i32
      %parallel_loop3A_135 = vector.broadcast %parallel_loop3A_134 : i32 to vector<16xi32>
      %parallel_loop3A_136 = arith.shrui %parallel_loop3A_133, %parallel_loop3A_135 : vector<16xi32>
      %parallel_loop3A_137 = arith.constant 65535 : i32
      %parallel_loop3A_138 = vector.broadcast %parallel_loop3A_137 : i32 to vector<16xi32>
      %parallel_loop3A_139 = arith.andi %parallel_loop3A_133, %parallel_loop3A_138 : vector<16xi32>
      %parallel_loop3A_140 = arith.constant 7 : i32
      %parallel_loop3A_141 = vector.broadcast %parallel_loop3A_140 : i32 to vector<16xi32>
      %parallel_loop3A_142 = arith.shrui %parallel_loop3A_139, %parallel_loop3A_141 : vector<16xi32>
      %parallel_loop3A_143 = arith.constant 127 : i32
      %parallel_loop3A_144 = vector.broadcast %parallel_loop3A_143 : i32 to vector<16xi32>
      %parallel_loop3A_145 = arith.andi %parallel_loop3A_139, %parallel_loop3A_144 : vector<16xi32>
      %parallel_loop3A_146 = arith.cmpi eq, %parallel_loop3A_136, %get3A_9 : vector<16xi32>
      tpu.vector_store_idx %arg7[%parallel_loop3A_142, %parallel_loop3A_145], %broadcast_in_dim3A_5 masked %parallel_loop3A_146 {add = true} : memref<512x128xi32, #tpu.memory_space<vmem>>[vector<16xi32>, vector<16xi32>], vector<16xi32>, vector<16xi1>
    } {sc.loop_unroll_factor = 4 : i64, sc.parallel_access}
    %dma_wait3A_115 = arith.constant 0 : i32
    %dma_wait3A_116 = tpu.memref_slice %arg2[%add3A_103, %dma_wait3A_115] : memref<4608x512xf32, #tpu.memory_space<hbm>> -> memref<16x512xf32, #tpu.memory_space<hbm>>
    %dma_wait3A_117 = arith.constant 0 : i32
    %dma_wait3A_118 = tpu.memref_slice %arg2[%add3A_103, %dma_wait3A_117] : memref<4608x512xf32, #tpu.memory_space<hbm>> -> memref<16x512xf32, #tpu.memory_space<hbm>>
    tpu.wait_dma2 semaphore(%arg9 : memref<!tpu.dma_semaphore, #tpu.memory_space<semaphore_mem>>) src(%dma_wait3A_118 : memref<16x512xf32, #tpu.memory_space<hbm>>) dst(%arg5 : memref<16x512xf32, #tpu.memory_space<vmem>>)
    %parallel_loop3A_119 = arith.constant 0 : i32
    %parallel_loop3A_120 = arith.constant 512 : i32
    %parallel_loop3A_121 = arith.constant 1 : i32
    scf.for %parallel_loop3A_122 = %parallel_loop3A_119 to %parallel_loop3A_120 step %parallel_loop3A_121  : i32 {
      %parallel_loop3A_123 = arith.constant 5 : i32
      %parallel_loop3A_124 = arith.shrui %parallel_loop3A_122, %parallel_loop3A_123 : i32
      %parallel_loop3A_125 = arith.constant 31 : i32
      %parallel_loop3A_126 = arith.andi %parallel_loop3A_122, %parallel_loop3A_125 : i32
      %parallel_loop3A_127 = arith.constant 16 : i32
      %parallel_loop3A_128 = arith.muli %parallel_loop3A_126, %parallel_loop3A_127 : i32
      %parallel_loop3A_129 = arith.index_cast %parallel_loop3A_124 : i32 to index
      %parallel_loop3A_130 = arith.index_cast %parallel_loop3A_128 : i32 to index
      %parallel_loop3A_131 = tpu.vector_load %arg5[%parallel_loop3A_129, %parallel_loop3A_130] {strides = array<i32>} : memref<16x512xf32, #tpu.memory_space<vmem>>, vector<16xf32>,
      %parallel_loop3A_132 = math.absf %parallel_loop3A_131 : vector<16xf32>
      %parallel_loop3A_133 = vector.bitcast %parallel_loop3A_132 : vector<16xf32> to vector<16xi32>
      %parallel_loop3A_134 = arith.constant 16 : i32
      %parallel_loop3A_135 = vector.broadcast %parallel_loop3A_134 : i32 to vector<16xi32>
      %parallel_loop3A_136 = arith.shrui %parallel_loop3A_133, %parallel_loop3A_135 : vector<16xi32>
      %parallel_loop3A_137 = arith.constant 65535 : i32
      %parallel_loop3A_138 = vector.broadcast %parallel_loop3A_137 : i32 to vector<16xi32>
      %parallel_loop3A_139 = arith.andi %parallel_loop3A_133, %parallel_loop3A_138 : vector<16xi32>
      %parallel_loop3A_140 = arith.constant 7 : i32
      %parallel_loop3A_141 = vector.broadcast %parallel_loop3A_140 : i32 to vector<16xi32>
      %parallel_loop3A_142 = arith.shrui %parallel_loop3A_139, %parallel_loop3A_141 : vector<16xi32>
      %parallel_loop3A_143 = arith.constant 127 : i32
      %parallel_loop3A_144 = vector.broadcast %parallel_loop3A_143 : i32 to vector<16xi32>
      %parallel_loop3A_145 = arith.andi %parallel_loop3A_139, %parallel_loop3A_144 : vector<16xi32>
      %parallel_loop3A_146 = arith.cmpi eq, %parallel_loop3A_136, %get3A_9 : vector<16xi32>
      tpu.vector_store_idx %arg7[%parallel_loop3A_142, %parallel_loop3A_145], %broadcast_in_dim3A_5 masked %parallel_loop3A_146 {add = true} : memref<512x128xi32, #tpu.memory_space<vmem>>[vector<16xi32>, vector<16xi32>], vector<16xi32>, vector<16xi1>
    } {sc.loop_unroll_factor = 4 : i64, sc.parallel_access}
    "tpu.region"() ({
      %run_scoped3A = tpu.sem_alloc : memref<!tpu.dma_semaphore, #tpu.memory_space<semaphore_mem>>
      %dma_start3A_122 = arith.constant 0 : i32
      %dma_start3A_123 = arith.constant 0 : i32
      %dma_start3A_124 = tpu.memref_slice %arg4[%add3A, %dma_start3A_122, %dma_start3A_123] : memref<32x512x128xi32, #tpu.memory_space<hbm>> -> memref<1x512x128xi32, #tpu.memory_space<hbm>>
      %dma_start3A_125 = tpu.memref_squeeze %dma_start3A_124 : memref<1x512x128xi32, #tpu.memory_space<hbm>> -> memref<512x128xi32, #tpu.memory_space<hbm>>
      %dma_start3A_126 = arith.constant 0 : i32
      %dma_start3A_127 = arith.constant 0 : i32
      %dma_start3A_128 = tpu.memref_slice %arg4[%add3A, %dma_start3A_126, %dma_start3A_127] : memref<32x512x128xi32, #tpu.memory_space<hbm>> -> memref<1x512x128xi32, #tpu.memory_space<hbm>>
      %dma_start3A_129 = tpu.memref_squeeze %dma_start3A_128 : memref<1x512x128xi32, #tpu.memory_space<hbm>> -> memref<512x128xi32, #tpu.memory_space<hbm>>
      tpu.enqueue_dma source(%arg7 : memref<512x128xi32, #tpu.memory_space<vmem>>) target(%dma_start3A_129 : memref<512x128xi32, #tpu.memory_space<hbm>>) target_semaphore(%run_scoped3A : memref<!tpu.dma_semaphore, #tpu.memory_space<semaphore_mem>>)
      %dma_wait3A_130 = arith.constant 0 : i32
      %dma_wait3A_131 = arith.constant 0 : i32
      %dma_wait3A_132 = tpu.memref_slice %arg4[%add3A, %dma_wait3A_130, %dma_wait3A_131] : memref<32x512x128xi32, #tpu.memory_space<hbm>> -> memref<1x512x128xi32, #tpu.memory_space<hbm>>
      %dma_wait3A_133 = tpu.memref_squeeze %dma_wait3A_132 : memref<1x512x128xi32, #tpu.memory_space<hbm>> -> memref<512x128xi32, #tpu.memory_space<hbm>>
      %dma_wait3A_134 = arith.constant 0 : i32
      %dma_wait3A_135 = arith.constant 0 : i32
      %dma_wait3A_136 = tpu.memref_slice %arg4[%add3A, %dma_wait3A_134, %dma_wait3A_135] : memref<32x512x128xi32, #tpu.memory_space<hbm>> -> memref<1x512x128xi32, #tpu.memory_space<hbm>>
      %dma_wait3A_137 = tpu.memref_squeeze %dma_wait3A_136 : memref<1x512x128xi32, #tpu.memory_space<hbm>> -> memref<512x128xi32, #tpu.memory_space<hbm>>
      tpu.wait_dma2 semaphore(%run_scoped3A : memref<!tpu.dma_semaphore, #tpu.memory_space<semaphore_mem>>) src(%arg7 : memref<512x128xi32, #tpu.memory_space<vmem>>) dst(%dma_wait3A_137 : memref<512x128xi32, #tpu.memory_space<hbm>>)
      tpu.yield
    }) : () -> ()
    return
  }
}

#map = affine_map<(d0, d1) -> (0, 0)>
#map1 = affine_map<(d0, d1) -> (0, 0, 0)>
module attributes {stable_mosaic.version = 14 : i64} {
  func.func @_hist_hi_body(%arg0: i32, %arg1: i32, %arg2: memref<4608x512xf32, #tpu.memory_space<hbm>>, %arg3: memref<4608x512xf32, #tpu.memory_space<hbm>>, %arg4: memref<32x256x128xi32, #tpu.memory_space<hbm>>, %arg5: memref<4608x512xf32, #tpu.memory_space<hbm>>, %arg6: memref<16x512xf32, #tpu.memory_space<vmem>>, %arg7: memref<16x512xf32, #tpu.memory_space<vmem>>, %arg8: memref<16x512xf32, #tpu.memory_space<vmem>>, %arg9: memref<16x512xf32, #tpu.memory_space<vmem>>, %arg10: memref<16x512xf32, #tpu.memory_space<vmem>>, %arg11: memref<16x512xf32, #tpu.memory_space<vmem>>, %arg12: memref<256x128xi32, #tpu.memory_space<vmem>>, %arg13: memref<!tpu.dma_semaphore, #tpu.memory_space<semaphore_mem>>, %arg14: memref<!tpu.dma_semaphore, #tpu.memory_space<semaphore_mem>>, %arg15: memref<!tpu.dma_semaphore, #tpu.memory_space<semaphore_mem>>) attributes {dimension_semantics = [#tpu.dimension_semantics<core_parallel>, #tpu.dimension_semantics<subcore_parallel>], iteration_bounds = array<i64: 2, 16>, scalar_prefetch = 0 : i64, scratch_operands = 10 : i64, tpu.core_type = #tpu.core_type<sc_vector_subcore>, window_params = [{transform_indices = #map}, {transform_indices = #map}, {transform_indices = #map1}, {transform_indices = #map}]} {
    %mul3A = arith.constant 2 : i32
    %mul3A_0 = arith.muli %arg1, %mul3A : i32
    %add3A = arith.addi %mul3A_0, %arg0 : i32
    %mul3A_1 = arith.constant 144 : i32
    %mul3A_2 = arith.muli %add3A, %mul3A_1 : i32
    %broadcast_in_dim3A = arith.constant 0 : i32
    %broadcast_in_dim3A_3 = vector.broadcast %broadcast_in_dim3A : i32 to vector<16xi32>
    %broadcast_in_dim3A_4 = arith.constant 1 : i32
    %broadcast_in_dim3A_5 = vector.broadcast %broadcast_in_dim3A_4 : i32 to vector<16xi32>
    %dma_start3A = arith.constant 0 : i32
    %dma_start3A_6 = tpu.memref_slice %arg2[%mul3A_2, %dma_start3A] : memref<4608x512xf32, #tpu.memory_space<hbm>> -> memref<16x512xf32, #tpu.memory_space<hbm>>
    %dma_start3A_7 = arith.constant 0 : i32
    %dma_start3A_8 = tpu.memref_slice %arg2[%mul3A_2, %dma_start3A_7] : memref<4608x512xf32, #tpu.memory_space<hbm>> -> memref<16x512xf32, #tpu.memory_space<hbm>>
    tpu.enqueue_dma source(%dma_start3A_8 : memref<16x512xf32, #tpu.memory_space<hbm>>) target(%arg6 : memref<16x512xf32, #tpu.memory_space<vmem>>) target_semaphore(%arg13 : memref<!tpu.dma_semaphore, #tpu.memory_space<semaphore_mem>>)
    %dma_start3A_9 = arith.constant 0 : i32
    %dma_start3A_10 = tpu.memref_slice %arg3[%mul3A_2, %dma_start3A_9] : memref<4608x512xf32, #tpu.memory_space<hbm>> -> memref<16x512xf32, #tpu.memory_space<hbm>>
    %dma_start3A_11 = arith.constant 0 : i32
    %dma_start3A_12 = tpu.memref_slice %arg3[%mul3A_2, %dma_start3A_11] : memref<4608x512xf32, #tpu.memory_space<hbm>> -> memref<16x512xf32, #tpu.memory_space<hbm>>
    tpu.enqueue_dma source(%dma_start3A_12 : memref<16x512xf32, #tpu.memory_space<hbm>>) target(%arg7 : memref<16x512xf32, #tpu.memory_space<vmem>>) target_semaphore(%arg13 : memref<!tpu.dma_semaphore, #tpu.memory_space<semaphore_mem>>)
    %parallel_loop3A = arith.constant 0 : i32
    %parallel_loop3A_13 = arith.constant 2048 : i32
    %parallel_loop3A_14 = arith.constant 1 : i32
    scf.for %parallel_loop3A_283 = %parallel_loop3A to %parallel_loop3A_13 step %parallel_loop3A_14  : i32 {
      %parallel_loop3A_284 = arith.constant 3 : i32
      %parallel_loop3A_285 = arith.shrui %parallel_loop3A_283, %parallel_loop3A_284 : i32
      %parallel_loop3A_286 = arith.constant 7 : i32
      %parallel_loop3A_287 = arith.andi %parallel_loop3A_283, %parallel_loop3A_286 : i32
      %parallel_loop3A_288 = arith.constant 16 : i32
      %parallel_loop3A_289 = arith.muli %parallel_loop3A_287, %parallel_loop3A_288 : i32
      %parallel_loop3A_290 = arith.index_cast %parallel_loop3A_285 : i32 to index
      %parallel_loop3A_291 = arith.index_cast %parallel_loop3A_289 : i32 to index
      %parallel_loop3A_292 = tpu.vector_load %arg12[%parallel_loop3A_290, %parallel_loop3A_291] {strides = array<i32>} : memref<256x128xi32, #tpu.memory_space<vmem>>, vector<16xi32>,
      tpu.vector_store %arg12[%parallel_loop3A_290, %parallel_loop3A_291], %broadcast_in_dim3A_3 {strides = array<i32>} : memref<256x128xi32, #tpu.memory_space<vmem>>, vector<16xi32>,
    } {sc.loop_unroll_factor = 8 : i64, sc.parallel_access}
    %add3A_15 = arith.constant 16 : i32
    %add3A_16 = arith.addi %mul3A_2, %add3A_15 : i32
    %dma_start3A_17 = arith.constant 0 : i32
    %dma_start3A_18 = tpu.memref_slice %arg2[%add3A_16, %dma_start3A_17] : memref<4608x512xf32, #tpu.memory_space<hbm>> -> memref<16x512xf32, #tpu.memory_space<hbm>>
    %dma_start3A_19 = arith.constant 0 : i32
    %dma_start3A_20 = tpu.memref_slice %arg2[%add3A_16, %dma_start3A_19] : memref<4608x512xf32, #tpu.memory_space<hbm>> -> memref<16x512xf32, #tpu.memory_space<hbm>>
    tpu.enqueue_dma source(%dma_start3A_20 : memref<16x512xf32, #tpu.memory_space<hbm>>) target(%arg8 : memref<16x512xf32, #tpu.memory_space<vmem>>) target_semaphore(%arg14 : memref<!tpu.dma_semaphore, #tpu.memory_space<semaphore_mem>>)
    %dma_start3A_21 = arith.constant 0 : i32
    %dma_start3A_22 = tpu.memref_slice %arg3[%add3A_16, %dma_start3A_21] : memref<4608x512xf32, #tpu.memory_space<hbm>> -> memref<16x512xf32, #tpu.memory_space<hbm>>
    %dma_start3A_23 = arith.constant 0 : i32
    %dma_start3A_24 = tpu.memref_slice %arg3[%add3A_16, %dma_start3A_23] : memref<4608x512xf32, #tpu.memory_space<hbm>> -> memref<16x512xf32, #tpu.memory_space<hbm>>
    tpu.enqueue_dma source(%dma_start3A_24 : memref<16x512xf32, #tpu.memory_space<hbm>>) target(%arg9 : memref<16x512xf32, #tpu.memory_space<vmem>>) target_semaphore(%arg14 : memref<!tpu.dma_semaphore, #tpu.memory_space<semaphore_mem>>)
    %dma_wait3A = arith.constant 0 : i32
    %dma_wait3A_25 = tpu.memref_slice %arg2[%mul3A_2, %dma_wait3A] : memref<4608x512xf32, #tpu.memory_space<hbm>> -> memref<16x512xf32, #tpu.memory_space<hbm>>
    %dma_wait3A_26 = arith.constant 0 : i32
    %dma_wait3A_27 = tpu.memref_slice %arg2[%mul3A_2, %dma_wait3A_26] : memref<4608x512xf32, #tpu.memory_space<hbm>> -> memref<16x512xf32, #tpu.memory_space<hbm>>
    tpu.wait_dma2 semaphore(%arg13 : memref<!tpu.dma_semaphore, #tpu.memory_space<semaphore_mem>>) src(%dma_wait3A_27 : memref<16x512xf32, #tpu.memory_space<hbm>>) dst(%arg6 : memref<16x512xf32, #tpu.memory_space<vmem>>)
    %dma_wait3A_28 = arith.constant 0 : i32
    %dma_wait3A_29 = tpu.memref_slice %arg3[%mul3A_2, %dma_wait3A_28] : memref<4608x512xf32, #tpu.memory_space<hbm>> -> memref<16x512xf32, #tpu.memory_space<hbm>>
    %dma_wait3A_30 = arith.constant 0 : i32
    %dma_wait3A_31 = tpu.memref_slice %arg3[%mul3A_2, %dma_wait3A_30] : memref<4608x512xf32, #tpu.memory_space<hbm>> -> memref<16x512xf32, #tpu.memory_space<hbm>>
    tpu.wait_dma2 semaphore(%arg13 : memref<!tpu.dma_semaphore, #tpu.memory_space<semaphore_mem>>) src(%dma_wait3A_31 : memref<16x512xf32, #tpu.memory_space<hbm>>) dst(%arg7 : memref<16x512xf32, #tpu.memory_space<vmem>>)
    %parallel_loop3A_32 = arith.constant 0 : i32
    %parallel_loop3A_33 = arith.constant 512 : i32
    %parallel_loop3A_34 = arith.constant 1 : i32
    scf.for %parallel_loop3A_283 = %parallel_loop3A_32 to %parallel_loop3A_33 step %parallel_loop3A_34  : i32 {
      %parallel_loop3A_284 = arith.constant 5 : i32
      %parallel_loop3A_285 = arith.shrui %parallel_loop3A_283, %parallel_loop3A_284 : i32
      %parallel_loop3A_286 = arith.constant 31 : i32
      %parallel_loop3A_287 = arith.andi %parallel_loop3A_283, %parallel_loop3A_286 : i32
      %parallel_loop3A_288 = arith.constant 16 : i32
      %parallel_loop3A_289 = arith.muli %parallel_loop3A_287, %parallel_loop3A_288 : i32
      %parallel_loop3A_290 = arith.index_cast %parallel_loop3A_285 : i32 to index
      %parallel_loop3A_291 = arith.index_cast %parallel_loop3A_289 : i32 to index
      %parallel_loop3A_292 = tpu.vector_load %arg6[%parallel_loop3A_290, %parallel_loop3A_291] {strides = array<i32>} : memref<16x512xf32, #tpu.memory_space<vmem>>, vector<16xf32>,
      %parallel_loop3A_293 = arith.index_cast %parallel_loop3A_285 : i32 to index
      %parallel_loop3A_294 = arith.index_cast %parallel_loop3A_289 : i32 to index
      %parallel_loop3A_295 = tpu.vector_load %arg7[%parallel_loop3A_293, %parallel_loop3A_294] {strides = array<i32>} : memref<16x512xf32, #tpu.memory_space<vmem>>, vector<16xf32>,
      %parallel_loop3A_296 = arith.subf %parallel_loop3A_292, %parallel_loop3A_295 : vector<16xf32>
      %parallel_loop3A_297 = arith.index_cast %parallel_loop3A_285 : i32 to index
      %parallel_loop3A_298 = arith.index_cast %parallel_loop3A_289 : i32 to index
      %parallel_loop3A_299 = tpu.vector_load %arg10[%parallel_loop3A_297, %parallel_loop3A_298] {strides = array<i32>} : memref<16x512xf32, #tpu.memory_space<vmem>>, vector<16xf32>,
      tpu.vector_store %arg10[%parallel_loop3A_297, %parallel_loop3A_298], %parallel_loop3A_296 {strides = array<i32>} : memref<16x512xf32, #tpu.memory_space<vmem>>, vector<16xf32>,
      %parallel_loop3A_300 = math.absf %parallel_loop3A_296 : vector<16xf32>
      %parallel_loop3A_301 = vector.bitcast %parallel_loop3A_300 : vector<16xf32> to vector<16xi32>
      %parallel_loop3A_302 = arith.constant 16 : i32
      %parallel_loop3A_303 = vector.broadcast %parallel_loop3A_302 : i32 to vector<16xi32>
      %parallel_loop3A_304 = arith.shrui %parallel_loop3A_301, %parallel_loop3A_303 : vector<16xi32>
      %parallel_loop3A_305 = arith.constant 7 : i32
      %parallel_loop3A_306 = vector.broadcast %parallel_loop3A_305 : i32 to vector<16xi32>
      %parallel_loop3A_307 = arith.shrui %parallel_loop3A_304, %parallel_loop3A_306 : vector<16xi32>
      %parallel_loop3A_308 = arith.constant 127 : i32
      %parallel_loop3A_309 = vector.broadcast %parallel_loop3A_308 : i32 to vector<16xi32>
      %parallel_loop3A_310 = arith.andi %parallel_loop3A_304, %parallel_loop3A_309 : vector<16xi32>
      tpu.vector_store_idx %arg12[%parallel_loop3A_307, %parallel_loop3A_310], %broadcast_in_dim3A_5 {add = true} : memref<256x128xi32, #tpu.memory_space<vmem>>[vector<16xi32>, vector<16xi32>], vector<16xi32>,
    } {sc.loop_unroll_factor = 4 : i64, sc.parallel_access}
    %add3A_35 = arith.constant 0 : i32
    %add3A_36 = arith.addi %mul3A_2, %add3A_35 : i32
    %dma_start3A_37 = arith.constant 0 : i32
    %dma_start3A_38 = tpu.memref_slice %arg5[%add3A_36, %dma_start3A_37] : memref<4608x512xf32, #tpu.memory_space<hbm>> -> memref<16x512xf32, #tpu.memory_space<hbm>>
    %dma_start3A_39 = arith.constant 0 : i32
    %dma_start3A_40 = tpu.memref_slice %arg5[%add3A_36, %dma_start3A_39] : memref<4608x512xf32, #tpu.memory_space<hbm>> -> memref<16x512xf32, #tpu.memory_space<hbm>>
    tpu.enqueue_dma source(%arg10 : memref<16x512xf32, #tpu.memory_space<vmem>>) target(%dma_start3A_40 : memref<16x512xf32, #tpu.memory_space<hbm>>) target_semaphore(%arg15 : memref<!tpu.dma_semaphore, #tpu.memory_space<semaphore_mem>>)
    %add3A_41 = arith.constant 32 : i32
    %add3A_42 = arith.addi %mul3A_2, %add3A_41 : i32
    %dma_start3A_43 = arith.constant 0 : i32
    %dma_start3A_44 = tpu.memref_slice %arg2[%add3A_42, %dma_start3A_43] : memref<4608x512xf32, #tpu.memory_space<hbm>> -> memref<16x512xf32, #tpu.memory_space<hbm>>
    %dma_start3A_45 = arith.constant 0 : i32
    %dma_start3A_46 = tpu.memref_slice %arg2[%add3A_42, %dma_start3A_45] : memref<4608x512xf32, #tpu.memory_space<hbm>> -> memref<16x512xf32, #tpu.memory_space<hbm>>
    tpu.enqueue_dma source(%dma_start3A_46 : memref<16x512xf32, #tpu.memory_space<hbm>>) target(%arg6 : memref<16x512xf32, #tpu.memory_space<vmem>>) target_semaphore(%arg13 : memref<!tpu.dma_semaphore, #tpu.memory_space<semaphore_mem>>)
    %dma_start3A_47 = arith.constant 0 : i32
    %dma_start3A_48 = tpu.memref_slice %arg3[%add3A_42, %dma_start3A_47] : memref<4608x512xf32, #tpu.memory_space<hbm>> -> memref<16x512xf32, #tpu.memory_space<hbm>>
    %dma_start3A_49 = arith.constant 0 : i32
    %dma_start3A_50 = tpu.memref_slice %arg3[%add3A_42, %dma_start3A_49] : memref<4608x512xf32, #tpu.memory_space<hbm>> -> memref<16x512xf32, #tpu.memory_space<hbm>>
    tpu.enqueue_dma source(%dma_start3A_50 : memref<16x512xf32, #tpu.memory_space<hbm>>) target(%arg7 : memref<16x512xf32, #tpu.memory_space<vmem>>) target_semaphore(%arg13 : memref<!tpu.dma_semaphore, #tpu.memory_space<semaphore_mem>>)
    %dma_wait3A_51 = arith.constant 0 : i32
    %dma_wait3A_52 = tpu.memref_slice %arg2[%add3A_16, %dma_wait3A_51] : memref<4608x512xf32, #tpu.memory_space<hbm>> -> memref<16x512xf32, #tpu.memory_space<hbm>>
    %dma_wait3A_53 = arith.constant 0 : i32
    %dma_wait3A_54 = tpu.memref_slice %arg2[%add3A_16, %dma_wait3A_53] : memref<4608x512xf32, #tpu.memory_space<hbm>> -> memref<16x512xf32, #tpu.memory_space<hbm>>
    tpu.wait_dma2 semaphore(%arg14 : memref<!tpu.dma_semaphore, #tpu.memory_space<semaphore_mem>>) src(%dma_wait3A_54 : memref<16x512xf32, #tpu.memory_space<hbm>>) dst(%arg8 : memref<16x512xf32, #tpu.memory_space<vmem>>)
    %dma_wait3A_55 = arith.constant 0 : i32
    %dma_wait3A_56 = tpu.memref_slice %arg3[%add3A_16, %dma_wait3A_55] : memref<4608x512xf32, #tpu.memory_space<hbm>> -> memref<16x512xf32, #tpu.memory_space<hbm>>
    %dma_wait3A_57 = arith.constant 0 : i32
    %dma_wait3A_58 = tpu.memref_slice %arg3[%add3A_16, %dma_wait3A_57] : memref<4608x512xf32, #tpu.memory_space<hbm>> -> memref<16x512xf32, #tpu.memory_space<hbm>>
    tpu.wait_dma2 semaphore(%arg14 : memref<!tpu.dma_semaphore, #tpu.memory_space<semaphore_mem>>) src(%dma_wait3A_58 : memref<16x512xf32, #tpu.memory_space<hbm>>) dst(%arg9 : memref<16x512xf32, #tpu.memory_space<vmem>>)
    %parallel_loop3A_59 = arith.constant 0 : i32
    %parallel_loop3A_60 = arith.constant 512 : i32
    %parallel_loop3A_61 = arith.constant 1 : i32
    scf.for %parallel_loop3A_283 = %parallel_loop3A_59 to %parallel_loop3A_60 step %parallel_loop3A_61  : i32 {
      %parallel_loop3A_284 = arith.constant 5 : i32
      %parallel_loop3A_285 = arith.shrui %parallel_loop3A_283, %parallel_loop3A_284 : i32
      %parallel_loop3A_286 = arith.constant 31 : i32
      %parallel_loop3A_287 = arith.andi %parallel_loop3A_283, %parallel_loop3A_286 : i32
      %parallel_loop3A_288 = arith.constant 16 : i32
      %parallel_loop3A_289 = arith.muli %parallel_loop3A_287, %parallel_loop3A_288 : i32
      %parallel_loop3A_290 = arith.index_cast %parallel_loop3A_285 : i32 to index
      %parallel_loop3A_291 = arith.index_cast %parallel_loop3A_289 : i32 to index
      %parallel_loop3A_292 = tpu.vector_load %arg8[%parallel_loop3A_290, %parallel_loop3A_291] {strides = array<i32>} : memref<16x512xf32, #tpu.memory_space<vmem>>, vector<16xf32>,
      %parallel_loop3A_293 = arith.index_cast %parallel_loop3A_285 : i32 to index
      %parallel_loop3A_294 = arith.index_cast %parallel_loop3A_289 : i32 to index
      %parallel_loop3A_295 = tpu.vector_load %arg9[%parallel_loop3A_293, %parallel_loop3A_294] {strides = array<i32>} : memref<16x512xf32, #tpu.memory_space<vmem>>, vector<16xf32>,
      %parallel_loop3A_296 = arith.subf %parallel_loop3A_292, %parallel_loop3A_295 : vector<16xf32>
      %parallel_loop3A_297 = arith.index_cast %parallel_loop3A_285 : i32 to index
      %parallel_loop3A_298 = arith.index_cast %parallel_loop3A_289 : i32 to index
      %parallel_loop3A_299 = tpu.vector_load %arg11[%parallel_loop3A_297, %parallel_loop3A_298] {strides = array<i32>} : memref<16x512xf32, #tpu.memory_space<vmem>>, vector<16xf32>,
      tpu.vector_store %arg11[%parallel_loop3A_297, %parallel_loop3A_298], %parallel_loop3A_296 {strides = array<i32>} : memref<16x512xf32, #tpu.memory_space<vmem>>, vector<16xf32>,
      %parallel_loop3A_300 = math.absf %parallel_loop3A_296 : vector<16xf32>
      %parallel_loop3A_301 = vector.bitcast %parallel_loop3A_300 : vector<16xf32> to vector<16xi32>
      %parallel_loop3A_302 = arith.constant 16 : i32
      %parallel_loop3A_303 = vector.broadcast %parallel_loop3A_302 : i32 to vector<16xi32>
      %parallel_loop3A_304 = arith.shrui %parallel_loop3A_301, %parallel_loop3A_303 : vector<16xi32>
      %parallel_loop3A_305 = arith.constant 7 : i32
      %parallel_loop3A_306 = vector.broadcast %parallel_loop3A_305 : i32 to vector<16xi32>
      %parallel_loop3A_307 = arith.shrui %parallel_loop3A_304, %parallel_loop3A_306 : vector<16xi32>
      %parallel_loop3A_308 = arith.constant 127 : i32
      %parallel_loop3A_309 = vector.broadcast %parallel_loop3A_308 : i32 to vector<16xi32>
      %parallel_loop3A_310 = arith.andi %parallel_loop3A_304, %parallel_loop3A_309 : vector<16xi32>
      tpu.vector_store_idx %arg12[%parallel_loop3A_307, %parallel_loop3A_310], %broadcast_in_dim3A_5 {add = true} : memref<256x128xi32, #tpu.memory_space<vmem>>[vector<16xi32>, vector<16xi32>], vector<16xi32>,
    } {sc.loop_unroll_factor = 4 : i64, sc.parallel_access}
    %add3A_62 = arith.constant 16 : i32
    %add3A_63 = arith.addi %mul3A_2, %add3A_62 : i32
    %dma_start3A_64 = arith.constant 0 : i32
    %dma_start3A_65 = tpu.memref_slice %arg5[%add3A_63, %dma_start3A_64] : memref<4608x512xf32, #tpu.memory_space<hbm>> -> memref<16x512xf32, #tpu.memory_space<hbm>>
    %dma_start3A_66 = arith.constant 0 : i32
    %dma_start3A_67 = tpu.memref_slice %arg5[%add3A_63, %dma_start3A_66] : memref<4608x512xf32, #tpu.memory_space<hbm>> -> memref<16x512xf32, #tpu.memory_space<hbm>>
    tpu.enqueue_dma source(%arg11 : memref<16x512xf32, #tpu.memory_space<vmem>>) target(%dma_start3A_67 : memref<16x512xf32, #tpu.memory_space<hbm>>) target_semaphore(%arg15 : memref<!tpu.dma_semaphore, #tpu.memory_space<semaphore_mem>>)
    %add3A_68 = arith.constant 48 : i32
    %add3A_69 = arith.addi %mul3A_2, %add3A_68 : i32
    %dma_start3A_70 = arith.constant 0 : i32
    %dma_start3A_71 = tpu.memref_slice %arg2[%add3A_69, %dma_start3A_70] : memref<4608x512xf32, #tpu.memory_space<hbm>> -> memref<16x512xf32, #tpu.memory_space<hbm>>
    %dma_start3A_72 = arith.constant 0 : i32
    %dma_start3A_73 = tpu.memref_slice %arg2[%add3A_69, %dma_start3A_72] : memref<4608x512xf32, #tpu.memory_space<hbm>> -> memref<16x512xf32, #tpu.memory_space<hbm>>
    tpu.enqueue_dma source(%dma_start3A_73 : memref<16x512xf32, #tpu.memory_space<hbm>>) target(%arg8 : memref<16x512xf32, #tpu.memory_space<vmem>>) target_semaphore(%arg14 : memref<!tpu.dma_semaphore, #tpu.memory_space<semaphore_mem>>)
    %dma_start3A_74 = arith.constant 0 : i32
    %dma_start3A_75 = tpu.memref_slice %arg3[%add3A_69, %dma_start3A_74] : memref<4608x512xf32, #tpu.memory_space<hbm>> -> memref<16x512xf32, #tpu.memory_space<hbm>>
    %dma_start3A_76 = arith.constant 0 : i32
    %dma_start3A_77 = tpu.memref_slice %arg3[%add3A_69, %dma_start3A_76] : memref<4608x512xf32, #tpu.memory_space<hbm>> -> memref<16x512xf32, #tpu.memory_space<hbm>>
    tpu.enqueue_dma source(%dma_start3A_77 : memref<16x512xf32, #tpu.memory_space<hbm>>) target(%arg9 : memref<16x512xf32, #tpu.memory_space<vmem>>) target_semaphore(%arg14 : memref<!tpu.dma_semaphore, #tpu.memory_space<semaphore_mem>>)
    %dma_wait3A_78 = arith.constant 0 : i32
    %dma_wait3A_79 = tpu.memref_slice %arg2[%add3A_42, %dma_wait3A_78] : memref<4608x512xf32, #tpu.memory_space<hbm>> -> memref<16x512xf32, #tpu.memory_space<hbm>>
    %dma_wait3A_80 = arith.constant 0 : i32
    %dma_wait3A_81 = tpu.memref_slice %arg2[%add3A_42, %dma_wait3A_80] : memref<4608x512xf32, #tpu.memory_space<hbm>> -> memref<16x512xf32, #tpu.memory_space<hbm>>
    tpu.wait_dma2 semaphore(%arg13 : memref<!tpu.dma_semaphore, #tpu.memory_space<semaphore_mem>>) src(%dma_wait3A_81 : memref<16x512xf32, #tpu.memory_space<hbm>>) dst(%arg6 : memref<16x512xf32, #tpu.memory_space<vmem>>)
    %dma_wait3A_82 = arith.constant 0 : i32
    %dma_wait3A_83 = tpu.memref_slice %arg3[%add3A_42, %dma_wait3A_82] : memref<4608x512xf32, #tpu.memory_space<hbm>> -> memref<16x512xf32, #tpu.memory_space<hbm>>
    %dma_wait3A_84 = arith.constant 0 : i32
    %dma_wait3A_85 = tpu.memref_slice %arg3[%add3A_42, %dma_wait3A_84] : memref<4608x512xf32, #tpu.memory_space<hbm>> -> memref<16x512xf32, #tpu.memory_space<hbm>>
    tpu.wait_dma2 semaphore(%arg13 : memref<!tpu.dma_semaphore, #tpu.memory_space<semaphore_mem>>) src(%dma_wait3A_85 : memref<16x512xf32, #tpu.memory_space<hbm>>) dst(%arg7 : memref<16x512xf32, #tpu.memory_space<vmem>>)
    %dma_wait3A_86 = arith.constant 0 : i32
    %dma_wait3A_87 = tpu.memref_slice %arg5[%add3A_36, %dma_wait3A_86] : memref<4608x512xf32, #tpu.memory_space<hbm>> -> memref<16x512xf32, #tpu.memory_space<hbm>>
    %dma_wait3A_88 = arith.constant 0 : i32
    %dma_wait3A_89 = tpu.memref_slice %arg5[%add3A_36, %dma_wait3A_88] : memref<4608x512xf32, #tpu.memory_space<hbm>> -> memref<16x512xf32, #tpu.memory_space<hbm>>
    tpu.wait_dma2 semaphore(%arg15 : memref<!tpu.dma_semaphore, #tpu.memory_space<semaphore_mem>>) src(%arg10 : memref<16x512xf32, #tpu.memory_space<vmem>>) dst(%dma_wait3A_89 : memref<16x512xf32, #tpu.memory_space<hbm>>)
    %parallel_loop3A_90 = arith.constant 0 : i32
    %parallel_loop3A_91 = arith.constant 512 : i32
    %parallel_loop3A_92 = arith.constant 1 : i32
    scf.for %parallel_loop3A_283 = %parallel_loop3A_90 to %parallel_loop3A_91 step %parallel_loop3A_92  : i32 {
      %parallel_loop3A_284 = arith.constant 5 : i32
      %parallel_loop3A_285 = arith.shrui %parallel_loop3A_283, %parallel_loop3A_284 : i32
      %parallel_loop3A_286 = arith.constant 31 : i32
      %parallel_loop3A_287 = arith.andi %parallel_loop3A_283, %parallel_loop3A_286 : i32
      %parallel_loop3A_288 = arith.constant 16 : i32
      %parallel_loop3A_289 = arith.muli %parallel_loop3A_287, %parallel_loop3A_288 : i32
      %parallel_loop3A_290 = arith.index_cast %parallel_loop3A_285 : i32 to index
      %parallel_loop3A_291 = arith.index_cast %parallel_loop3A_289 : i32 to index
      %parallel_loop3A_292 = tpu.vector_load %arg6[%parallel_loop3A_290, %parallel_loop3A_291] {strides = array<i32>} : memref<16x512xf32, #tpu.memory_space<vmem>>, vector<16xf32>,
      %parallel_loop3A_293 = arith.index_cast %parallel_loop3A_285 : i32 to index
      %parallel_loop3A_294 = arith.index_cast %parallel_loop3A_289 : i32 to index
      %parallel_loop3A_295 = tpu.vector_load %arg7[%parallel_loop3A_293, %parallel_loop3A_294] {strides = array<i32>} : memref<16x512xf32, #tpu.memory_space<vmem>>, vector<16xf32>,
      %parallel_loop3A_296 = arith.subf %parallel_loop3A_292, %parallel_loop3A_295 : vector<16xf32>
      %parallel_loop3A_297 = arith.index_cast %parallel_loop3A_285 : i32 to index
      %parallel_loop3A_298 = arith.index_cast %parallel_loop3A_289 : i32 to index
      %parallel_loop3A_299 = tpu.vector_load %arg10[%parallel_loop3A_297, %parallel_loop3A_298] {strides = array<i32>} : memref<16x512xf32, #tpu.memory_space<vmem>>, vector<16xf32>,
      tpu.vector_store %arg10[%parallel_loop3A_297, %parallel_loop3A_298], %parallel_loop3A_296 {strides = array<i32>} : memref<16x512xf32, #tpu.memory_space<vmem>>, vector<16xf32>,
      %parallel_loop3A_300 = math.absf %parallel_loop3A_296 : vector<16xf32>
      %parallel_loop3A_301 = vector.bitcast %parallel_loop3A_300 : vector<16xf32> to vector<16xi32>
      %parallel_loop3A_302 = arith.constant 16 : i32
      %parallel_loop3A_303 = vector.broadcast %parallel_loop3A_302 : i32 to vector<16xi32>
      %parallel_loop3A_304 = arith.shrui %parallel_loop3A_301, %parallel_loop3A_303 : vector<16xi32>
      %parallel_loop3A_305 = arith.constant 7 : i32
      %parallel_loop3A_306 = vector.broadcast %parallel_loop3A_305 : i32 to vector<16xi32>
      %parallel_loop3A_307 = arith.shrui %parallel_loop3A_304, %parallel_loop3A_306 : vector<16xi32>
      %parallel_loop3A_308 = arith.constant 127 : i32
      %parallel_loop3A_309 = vector.broadcast %parallel_loop3A_308 : i32 to vector<16xi32>
      %parallel_loop3A_310 = arith.andi %parallel_loop3A_304, %parallel_loop3A_309 : vector<16xi32>
      tpu.vector_store_idx %arg12[%parallel_loop3A_307, %parallel_loop3A_310], %broadcast_in_dim3A_5 {add = true} : memref<256x128xi32, #tpu.memory_space<vmem>>[vector<16xi32>, vector<16xi32>], vector<16xi32>,
    } {sc.loop_unroll_factor = 4 : i64, sc.parallel_access}
    %add3A_93 = arith.constant 32 : i32
    %add3A_94 = arith.addi %mul3A_2, %add3A_93 : i32
    %dma_start3A_95 = arith.constant 0 : i32
    %dma_start3A_96 = tpu.memref_slice %arg5[%add3A_94, %dma_start3A_95] : memref<4608x512xf32, #tpu.memory_space<hbm>> -> memref<16x512xf32, #tpu.memory_space<hbm>>
    %dma_start3A_97 = arith.constant 0 : i32
    %dma_start3A_98 = tpu.memref_slice %arg5[%add3A_94, %dma_start3A_97] : memref<4608x512xf32, #tpu.memory_space<hbm>> -> memref<16x512xf32, #tpu.memory_space<hbm>>
    tpu.enqueue_dma source(%arg10 : memref<16x512xf32, #tpu.memory_space<vmem>>) target(%dma_start3A_98 : memref<16x512xf32, #tpu.memory_space<hbm>>) target_semaphore(%arg15 : memref<!tpu.dma_semaphore, #tpu.memory_space<semaphore_mem>>)
    %add3A_99 = arith.constant 64 : i32
    %add3A_100 = arith.addi %mul3A_2, %add3A_99 : i32
    %dma_start3A_101 = arith.constant 0 : i32
    %dma_start3A_102 = tpu.memref_slice %arg2[%add3A_100, %dma_start3A_101] : memref<4608x512xf32, #tpu.memory_space<hbm>> -> memref<16x512xf32, #tpu.memory_space<hbm>>
    %dma_start3A_103 = arith.constant 0 : i32
    %dma_start3A_104 = tpu.memref_slice %arg2[%add3A_100, %dma_start3A_103] : memref<4608x512xf32, #tpu.memory_space<hbm>> -> memref<16x512xf32, #tpu.memory_space<hbm>>
    tpu.enqueue_dma source(%dma_start3A_104 : memref<16x512xf32, #tpu.memory_space<hbm>>) target(%arg6 : memref<16x512xf32, #tpu.memory_space<vmem>>) target_semaphore(%arg13 : memref<!tpu.dma_semaphore, #tpu.memory_space<semaphore_mem>>)
    %dma_start3A_105 = arith.constant 0 : i32
    %dma_start3A_106 = tpu.memref_slice %arg3[%add3A_100, %dma_start3A_105] : memref<4608x512xf32, #tpu.memory_space<hbm>> -> memref<16x512xf32, #tpu.memory_space<hbm>>
    %dma_start3A_107 = arith.constant 0 : i32
    %dma_start3A_108 = tpu.memref_slice %arg3[%add3A_100, %dma_start3A_107] : memref<4608x512xf32, #tpu.memory_space<hbm>> -> memref<16x512xf32, #tpu.memory_space<hbm>>
    tpu.enqueue_dma source(%dma_start3A_108 : memref<16x512xf32, #tpu.memory_space<hbm>>) target(%arg7 : memref<16x512xf32, #tpu.memory_space<vmem>>) target_semaphore(%arg13 : memref<!tpu.dma_semaphore, #tpu.memory_space<semaphore_mem>>)
    %dma_wait3A_109 = arith.constant 0 : i32
    %dma_wait3A_110 = tpu.memref_slice %arg2[%add3A_69, %dma_wait3A_109] : memref<4608x512xf32, #tpu.memory_space<hbm>> -> memref<16x512xf32, #tpu.memory_space<hbm>>
    %dma_wait3A_111 = arith.constant 0 : i32
    %dma_wait3A_112 = tpu.memref_slice %arg2[%add3A_69, %dma_wait3A_111] : memref<4608x512xf32, #tpu.memory_space<hbm>> -> memref<16x512xf32, #tpu.memory_space<hbm>>
    tpu.wait_dma2 semaphore(%arg14 : memref<!tpu.dma_semaphore, #tpu.memory_space<semaphore_mem>>) src(%dma_wait3A_112 : memref<16x512xf32, #tpu.memory_space<hbm>>) dst(%arg8 : memref<16x512xf32, #tpu.memory_space<vmem>>)
    %dma_wait3A_113 = arith.constant 0 : i32
    %dma_wait3A_114 = tpu.memref_slice %arg3[%add3A_69, %dma_wait3A_113] : memref<4608x512xf32, #tpu.memory_space<hbm>> -> memref<16x512xf32, #tpu.memory_space<hbm>>
    %dma_wait3A_115 = arith.constant 0 : i32
    %dma_wait3A_116 = tpu.memref_slice %arg3[%add3A_69, %dma_wait3A_115] : memref<4608x512xf32, #tpu.memory_space<hbm>> -> memref<16x512xf32, #tpu.memory_space<hbm>>
    tpu.wait_dma2 semaphore(%arg14 : memref<!tpu.dma_semaphore, #tpu.memory_space<semaphore_mem>>) src(%dma_wait3A_116 : memref<16x512xf32, #tpu.memory_space<hbm>>) dst(%arg9 : memref<16x512xf32, #tpu.memory_space<vmem>>)
    %dma_wait3A_117 = arith.constant 0 : i32
    %dma_wait3A_118 = tpu.memref_slice %arg5[%add3A_63, %dma_wait3A_117] : memref<4608x512xf32, #tpu.memory_space<hbm>> -> memref<16x512xf32, #tpu.memory_space<hbm>>
    %dma_wait3A_119 = arith.constant 0 : i32
    %dma_wait3A_120 = tpu.memref_slice %arg5[%add3A_63, %dma_wait3A_119] : memref<4608x512xf32, #tpu.memory_space<hbm>> -> memref<16x512xf32, #tpu.memory_space<hbm>>
    tpu.wait_dma2 semaphore(%arg15 : memref<!tpu.dma_semaphore, #tpu.memory_space<semaphore_mem>>) src(%arg11 : memref<16x512xf32, #tpu.memory_space<vmem>>) dst(%dma_wait3A_120 : memref<16x512xf32, #tpu.memory_space<hbm>>)
    %parallel_loop3A_121 = arith.constant 0 : i32
    %parallel_loop3A_122 = arith.constant 512 : i32
    %parallel_loop3A_123 = arith.constant 1 : i32
    scf.for %parallel_loop3A_283 = %parallel_loop3A_121 to %parallel_loop3A_122 step %parallel_loop3A_123  : i32 {
      %parallel_loop3A_284 = arith.constant 5 : i32
      %parallel_loop3A_285 = arith.shrui %parallel_loop3A_283, %parallel_loop3A_284 : i32
      %parallel_loop3A_286 = arith.constant 31 : i32
      %parallel_loop3A_287 = arith.andi %parallel_loop3A_283, %parallel_loop3A_286 : i32
      %parallel_loop3A_288 = arith.constant 16 : i32
      %parallel_loop3A_289 = arith.muli %parallel_loop3A_287, %parallel_loop3A_288 : i32
      %parallel_loop3A_290 = arith.index_cast %parallel_loop3A_285 : i32 to index
      %parallel_loop3A_291 = arith.index_cast %parallel_loop3A_289 : i32 to index
      %parallel_loop3A_292 = tpu.vector_load %arg8[%parallel_loop3A_290, %parallel_loop3A_291] {strides = array<i32>} : memref<16x512xf32, #tpu.memory_space<vmem>>, vector<16xf32>,
      %parallel_loop3A_293 = arith.index_cast %parallel_loop3A_285 : i32 to index
      %parallel_loop3A_294 = arith.index_cast %parallel_loop3A_289 : i32 to index
      %parallel_loop3A_295 = tpu.vector_load %arg9[%parallel_loop3A_293, %parallel_loop3A_294] {strides = array<i32>} : memref<16x512xf32, #tpu.memory_space<vmem>>, vector<16xf32>,
      %parallel_loop3A_296 = arith.subf %parallel_loop3A_292, %parallel_loop3A_295 : vector<16xf32>
      %parallel_loop3A_297 = arith.index_cast %parallel_loop3A_285 : i32 to index
      %parallel_loop3A_298 = arith.index_cast %parallel_loop3A_289 : i32 to index
      %parallel_loop3A_299 = tpu.vector_load %arg11[%parallel_loop3A_297, %parallel_loop3A_298] {strides = array<i32>} : memref<16x512xf32, #tpu.memory_space<vmem>>, vector<16xf32>,
      tpu.vector_store %arg11[%parallel_loop3A_297, %parallel_loop3A_298], %parallel_loop3A_296 {strides = array<i32>} : memref<16x512xf32, #tpu.memory_space<vmem>>, vector<16xf32>,
      %parallel_loop3A_300 = math.absf %parallel_loop3A_296 : vector<16xf32>
      %parallel_loop3A_301 = vector.bitcast %parallel_loop3A_300 : vector<16xf32> to vector<16xi32>
      %parallel_loop3A_302 = arith.constant 16 : i32
      %parallel_loop3A_303 = vector.broadcast %parallel_loop3A_302 : i32 to vector<16xi32>
      %parallel_loop3A_304 = arith.shrui %parallel_loop3A_301, %parallel_loop3A_303 : vector<16xi32>
      %parallel_loop3A_305 = arith.constant 7 : i32
      %parallel_loop3A_306 = vector.broadcast %parallel_loop3A_305 : i32 to vector<16xi32>
      %parallel_loop3A_307 = arith.shrui %parallel_loop3A_304, %parallel_loop3A_306 : vector<16xi32>
      %parallel_loop3A_308 = arith.constant 127 : i32
      %parallel_loop3A_309 = vector.broadcast %parallel_loop3A_308 : i32 to vector<16xi32>
      %parallel_loop3A_310 = arith.andi %parallel_loop3A_304, %parallel_loop3A_309 : vector<16xi32>
      tpu.vector_store_idx %arg12[%parallel_loop3A_307, %parallel_loop3A_310], %broadcast_in_dim3A_5 {add = true} : memref<256x128xi32, #tpu.memory_space<vmem>>[vector<16xi32>, vector<16xi32>], vector<16xi32>,
    } {sc.loop_unroll_factor = 4 : i64, sc.parallel_access}
    %add3A_124 = arith.constant 48 : i32
    %add3A_125 = arith.addi %mul3A_2, %add3A_124 : i32
    %dma_start3A_126 = arith.constant 0 : i32
    %dma_start3A_127 = tpu.memref_slice %arg5[%add3A_125, %dma_start3A_126] : memref<4608x512xf32, #tpu.memory_space<hbm>> -> memref<16x512xf32, #tpu.memory_space<hbm>>
    %dma_start3A_128 = arith.constant 0 : i32
    %dma_start3A_129 = tpu.memref_slice %arg5[%add3A_125, %dma_start3A_128] : memref<4608x512xf32, #tpu.memory_space<hbm>> -> memref<16x512xf32, #tpu.memory_space<hbm>>
    tpu.enqueue_dma source(%arg11 : memref<16x512xf32, #tpu.memory_space<vmem>>) target(%dma_start3A_129 : memref<16x512xf32, #tpu.memory_space<hbm>>) target_semaphore(%arg15 : memref<!tpu.dma_semaphore, #tpu.memory_space<semaphore_mem>>)
    %add3A_130 = arith.constant 80 : i32
    %add3A_131 = arith.addi %mul3A_2, %add3A_130 : i32
    %dma_start3A_132 = arith.constant 0 : i32
    %dma_start3A_133 = tpu.memref_slice %arg2[%add3A_131, %dma_start3A_132] : memref<4608x512xf32, #tpu.memory_space<hbm>> -> memref<16x512xf32, #tpu.memory_space<hbm>>
    %dma_start3A_134 = arith.constant 0 : i32
    %dma_start3A_135 = tpu.memref_slice %arg2[%add3A_131, %dma_start3A_134] : memref<4608x512xf32, #tpu.memory_space<hbm>> -> memref<16x512xf32, #tpu.memory_space<hbm>>
    tpu.enqueue_dma source(%dma_start3A_135 : memref<16x512xf32, #tpu.memory_space<hbm>>) target(%arg8 : memref<16x512xf32, #tpu.memory_space<vmem>>) target_semaphore(%arg14 : memref<!tpu.dma_semaphore, #tpu.memory_space<semaphore_mem>>)
    %dma_start3A_136 = arith.constant 0 : i32
    %dma_start3A_137 = tpu.memref_slice %arg3[%add3A_131, %dma_start3A_136] : memref<4608x512xf32, #tpu.memory_space<hbm>> -> memref<16x512xf32, #tpu.memory_space<hbm>>
    %dma_start3A_138 = arith.constant 0 : i32
    %dma_start3A_139 = tpu.memref_slice %arg3[%add3A_131, %dma_start3A_138] : memref<4608x512xf32, #tpu.memory_space<hbm>> -> memref<16x512xf32, #tpu.memory_space<hbm>>
    tpu.enqueue_dma source(%dma_start3A_139 : memref<16x512xf32, #tpu.memory_space<hbm>>) target(%arg9 : memref<16x512xf32, #tpu.memory_space<vmem>>) target_semaphore(%arg14 : memref<!tpu.dma_semaphore, #tpu.memory_space<semaphore_mem>>)
    %dma_wait3A_140 = arith.constant 0 : i32
    %dma_wait3A_141 = tpu.memref_slice %arg2[%add3A_100, %dma_wait3A_140] : memref<4608x512xf32, #tpu.memory_space<hbm>> -> memref<16x512xf32, #tpu.memory_space<hbm>>
    %dma_wait3A_142 = arith.constant 0 : i32
    %dma_wait3A_143 = tpu.memref_slice %arg2[%add3A_100, %dma_wait3A_142] : memref<4608x512xf32, #tpu.memory_space<hbm>> -> memref<16x512xf32, #tpu.memory_space<hbm>>
    tpu.wait_dma2 semaphore(%arg13 : memref<!tpu.dma_semaphore, #tpu.memory_space<semaphore_mem>>) src(%dma_wait3A_143 : memref<16x512xf32, #tpu.memory_space<hbm>>) dst(%arg6 : memref<16x512xf32, #tpu.memory_space<vmem>>)
    %dma_wait3A_144 = arith.constant 0 : i32
    %dma_wait3A_145 = tpu.memref_slice %arg3[%add3A_100, %dma_wait3A_144] : memref<4608x512xf32, #tpu.memory_space<hbm>> -> memref<16x512xf32, #tpu.memory_space<hbm>>
    %dma_wait3A_146 = arith.constant 0 : i32
    %dma_wait3A_147 = tpu.memref_slice %arg3[%add3A_100, %dma_wait3A_146] : memref<4608x512xf32, #tpu.memory_space<hbm>> -> memref<16x512xf32, #tpu.memory_space<hbm>>
    tpu.wait_dma2 semaphore(%arg13 : memref<!tpu.dma_semaphore, #tpu.memory_space<semaphore_mem>>) src(%dma_wait3A_147 : memref<16x512xf32, #tpu.memory_space<hbm>>) dst(%arg7 : memref<16x512xf32, #tpu.memory_space<vmem>>)
    %dma_wait3A_148 = arith.constant 0 : i32
    %dma_wait3A_149 = tpu.memref_slice %arg5[%add3A_94, %dma_wait3A_148] : memref<4608x512xf32, #tpu.memory_space<hbm>> -> memref<16x512xf32, #tpu.memory_space<hbm>>
    %dma_wait3A_150 = arith.constant 0 : i32
    %dma_wait3A_151 = tpu.memref_slice %arg5[%add3A_94, %dma_wait3A_150] : memref<4608x512xf32, #tpu.memory_space<hbm>> -> memref<16x512xf32, #tpu.memory_space<hbm>>
    tpu.wait_dma2 semaphore(%arg15 : memref<!tpu.dma_semaphore, #tpu.memory_space<semaphore_mem>>) src(%arg10 : memref<16x512xf32, #tpu.memory_space<vmem>>) dst(%dma_wait3A_151 : memref<16x512xf32, #tpu.memory_space<hbm>>)
    %parallel_loop3A_152 = arith.constant 0 : i32
    %parallel_loop3A_153 = arith.constant 512 : i32
    %parallel_loop3A_154 = arith.constant 1 : i32
    scf.for %parallel_loop3A_283 = %parallel_loop3A_152 to %parallel_loop3A_153 step %parallel_loop3A_154  : i32 {
      %parallel_loop3A_284 = arith.constant 5 : i32
      %parallel_loop3A_285 = arith.shrui %parallel_loop3A_283, %parallel_loop3A_284 : i32
      %parallel_loop3A_286 = arith.constant 31 : i32
      %parallel_loop3A_287 = arith.andi %parallel_loop3A_283, %parallel_loop3A_286 : i32
      %parallel_loop3A_288 = arith.constant 16 : i32
      %parallel_loop3A_289 = arith.muli %parallel_loop3A_287, %parallel_loop3A_288 : i32
      %parallel_loop3A_290 = arith.index_cast %parallel_loop3A_285 : i32 to index
      %parallel_loop3A_291 = arith.index_cast %parallel_loop3A_289 : i32 to index
      %parallel_loop3A_292 = tpu.vector_load %arg6[%parallel_loop3A_290, %parallel_loop3A_291] {strides = array<i32>} : memref<16x512xf32, #tpu.memory_space<vmem>>, vector<16xf32>,
      %parallel_loop3A_293 = arith.index_cast %parallel_loop3A_285 : i32 to index
      %parallel_loop3A_294 = arith.index_cast %parallel_loop3A_289 : i32 to index
      %parallel_loop3A_295 = tpu.vector_load %arg7[%parallel_loop3A_293, %parallel_loop3A_294] {strides = array<i32>} : memref<16x512xf32, #tpu.memory_space<vmem>>, vector<16xf32>,
      %parallel_loop3A_296 = arith.subf %parallel_loop3A_292, %parallel_loop3A_295 : vector<16xf32>
      %parallel_loop3A_297 = arith.index_cast %parallel_loop3A_285 : i32 to index
      %parallel_loop3A_298 = arith.index_cast %parallel_loop3A_289 : i32 to index
      %parallel_loop3A_299 = tpu.vector_load %arg10[%parallel_loop3A_297, %parallel_loop3A_298] {strides = array<i32>} : memref<16x512xf32, #tpu.memory_space<vmem>>, vector<16xf32>,
      tpu.vector_store %arg10[%parallel_loop3A_297, %parallel_loop3A_298], %parallel_loop3A_296 {strides = array<i32>} : memref<16x512xf32, #tpu.memory_space<vmem>>, vector<16xf32>,
      %parallel_loop3A_300 = math.absf %parallel_loop3A_296 : vector<16xf32>
      %parallel_loop3A_301 = vector.bitcast %parallel_loop3A_300 : vector<16xf32> to vector<16xi32>
      %parallel_loop3A_302 = arith.constant 16 : i32
      %parallel_loop3A_303 = vector.broadcast %parallel_loop3A_302 : i32 to vector<16xi32>
      %parallel_loop3A_304 = arith.shrui %parallel_loop3A_301, %parallel_loop3A_303 : vector<16xi32>
      %parallel_loop3A_305 = arith.constant 7 : i32
      %parallel_loop3A_306 = vector.broadcast %parallel_loop3A_305 : i32 to vector<16xi32>
      %parallel_loop3A_307 = arith.shrui %parallel_loop3A_304, %parallel_loop3A_306 : vector<16xi32>
      %parallel_loop3A_308 = arith.constant 127 : i32
      %parallel_loop3A_309 = vector.broadcast %parallel_loop3A_308 : i32 to vector<16xi32>
      %parallel_loop3A_310 = arith.andi %parallel_loop3A_304, %parallel_loop3A_309 : vector<16xi32>
      tpu.vector_store_idx %arg12[%parallel_loop3A_307, %parallel_loop3A_310], %broadcast_in_dim3A_5 {add = true} : memref<256x128xi32, #tpu.memory_space<vmem>>[vector<16xi32>, vector<16xi32>], vector<16xi32>,
    } {sc.loop_unroll_factor = 4 : i64, sc.parallel_access}
    %add3A_155 = arith.constant 64 : i32
    %add3A_156 = arith.addi %mul3A_2, %add3A_155 : i32
    %dma_start3A_157 = arith.constant 0 : i32
    %dma_start3A_158 = tpu.memref_slice %arg5[%add3A_156, %dma_start3A_157] : memref<4608x512xf32, #tpu.memory_space<hbm>> -> memref<16x512xf32, #tpu.memory_space<hbm>>
    %dma_start3A_159 = arith.constant 0 : i32
    %dma_start3A_160 = tpu.memref_slice %arg5[%add3A_156, %dma_start3A_159] : memref<4608x512xf32, #tpu.memory_space<hbm>> -> memref<16x512xf32, #tpu.memory_space<hbm>>
    tpu.enqueue_dma source(%arg10 : memref<16x512xf32, #tpu.memory_space<vmem>>) target(%dma_start3A_160 : memref<16x512xf32, #tpu.memory_space<hbm>>) target_semaphore(%arg15 : memref<!tpu.dma_semaphore, #tpu.memory_space<semaphore_mem>>)
    %add3A_161 = arith.constant 96 : i32
    %add3A_162 = arith.addi %mul3A_2, %add3A_161 : i32
    %dma_start3A_163 = arith.constant 0 : i32
    %dma_start3A_164 = tpu.memref_slice %arg2[%add3A_162, %dma_start3A_163] : memref<4608x512xf32, #tpu.memory_space<hbm>> -> memref<16x512xf32, #tpu.memory_space<hbm>>
    %dma_start3A_165 = arith.constant 0 : i32
    %dma_start3A_166 = tpu.memref_slice %arg2[%add3A_162, %dma_start3A_165] : memref<4608x512xf32, #tpu.memory_space<hbm>> -> memref<16x512xf32, #tpu.memory_space<hbm>>
    tpu.enqueue_dma source(%dma_start3A_166 : memref<16x512xf32, #tpu.memory_space<hbm>>) target(%arg6 : memref<16x512xf32, #tpu.memory_space<vmem>>) target_semaphore(%arg13 : memref<!tpu.dma_semaphore, #tpu.memory_space<semaphore_mem>>)
    %dma_start3A_167 = arith.constant 0 : i32
    %dma_start3A_168 = tpu.memref_slice %arg3[%add3A_162, %dma_start3A_167] : memref<4608x512xf32, #tpu.memory_space<hbm>> -> memref<16x512xf32, #tpu.memory_space<hbm>>
    %dma_start3A_169 = arith.constant 0 : i32
    %dma_start3A_170 = tpu.memref_slice %arg3[%add3A_162, %dma_start3A_169] : memref<4608x512xf32, #tpu.memory_space<hbm>> -> memref<16x512xf32, #tpu.memory_space<hbm>>
    tpu.enqueue_dma source(%dma_start3A_170 : memref<16x512xf32, #tpu.memory_space<hbm>>) target(%arg7 : memref<16x512xf32, #tpu.memory_space<vmem>>) target_semaphore(%arg13 : memref<!tpu.dma_semaphore, #tpu.memory_space<semaphore_mem>>)
    %dma_wait3A_171 = arith.constant 0 : i32
    %dma_wait3A_172 = tpu.memref_slice %arg2[%add3A_131, %dma_wait3A_171] : memref<4608x512xf32, #tpu.memory_space<hbm>> -> memref<16x512xf32, #tpu.memory_space<hbm>>
    %dma_wait3A_173 = arith.constant 0 : i32
    %dma_wait3A_174 = tpu.memref_slice %arg2[%add3A_131, %dma_wait3A_173] : memref<4608x512xf32, #tpu.memory_space<hbm>> -> memref<16x512xf32, #tpu.memory_space<hbm>>
    tpu.wait_dma2 semaphore(%arg14 : memref<!tpu.dma_semaphore, #tpu.memory_space<semaphore_mem>>) src(%dma_wait3A_174 : memref<16x512xf32, #tpu.memory_space<hbm>>) dst(%arg8 : memref<16x512xf32, #tpu.memory_space<vmem>>)
    %dma_wait3A_175 = arith.constant 0 : i32
    %dma_wait3A_176 = tpu.memref_slice %arg3[%add3A_131, %dma_wait3A_175] : memref<4608x512xf32, #tpu.memory_space<hbm>> -> memref<16x512xf32, #tpu.memory_space<hbm>>
    %dma_wait3A_177 = arith.constant 0 : i32
    %dma_wait3A_178 = tpu.memref_slice %arg3[%add3A_131, %dma_wait3A_177] : memref<4608x512xf32, #tpu.memory_space<hbm>> -> memref<16x512xf32, #tpu.memory_space<hbm>>
    tpu.wait_dma2 semaphore(%arg14 : memref<!tpu.dma_semaphore, #tpu.memory_space<semaphore_mem>>) src(%dma_wait3A_178 : memref<16x512xf32, #tpu.memory_space<hbm>>) dst(%arg9 : memref<16x512xf32, #tpu.memory_space<vmem>>)
    %dma_wait3A_179 = arith.constant 0 : i32
    %dma_wait3A_180 = tpu.memref_slice %arg5[%add3A_125, %dma_wait3A_179] : memref<4608x512xf32, #tpu.memory_space<hbm>> -> memref<16x512xf32, #tpu.memory_space<hbm>>
    %dma_wait3A_181 = arith.constant 0 : i32
    %dma_wait3A_182 = tpu.memref_slice %arg5[%add3A_125, %dma_wait3A_181] : memref<4608x512xf32, #tpu.memory_space<hbm>> -> memref<16x512xf32, #tpu.memory_space<hbm>>
    tpu.wait_dma2 semaphore(%arg15 : memref<!tpu.dma_semaphore, #tpu.memory_space<semaphore_mem>>) src(%arg11 : memref<16x512xf32, #tpu.memory_space<vmem>>) dst(%dma_wait3A_182 : memref<16x512xf32, #tpu.memory_space<hbm>>)
    %parallel_loop3A_183 = arith.constant 0 : i32
    %parallel_loop3A_184 = arith.constant 512 : i32
    %parallel_loop3A_185 = arith.constant 1 : i32
    scf.for %parallel_loop3A_283 = %parallel_loop3A_183 to %parallel_loop3A_184 step %parallel_loop3A_185  : i32 {
      %parallel_loop3A_284 = arith.constant 5 : i32
      %parallel_loop3A_285 = arith.shrui %parallel_loop3A_283, %parallel_loop3A_284 : i32
      %parallel_loop3A_286 = arith.constant 31 : i32
      %parallel_loop3A_287 = arith.andi %parallel_loop3A_283, %parallel_loop3A_286 : i32
      %parallel_loop3A_288 = arith.constant 16 : i32
      %parallel_loop3A_289 = arith.muli %parallel_loop3A_287, %parallel_loop3A_288 : i32
      %parallel_loop3A_290 = arith.index_cast %parallel_loop3A_285 : i32 to index
      %parallel_loop3A_291 = arith.index_cast %parallel_loop3A_289 : i32 to index
      %parallel_loop3A_292 = tpu.vector_load %arg8[%parallel_loop3A_290, %parallel_loop3A_291] {strides = array<i32>} : memref<16x512xf32, #tpu.memory_space<vmem>>, vector<16xf32>,
      %parallel_loop3A_293 = arith.index_cast %parallel_loop3A_285 : i32 to index
      %parallel_loop3A_294 = arith.index_cast %parallel_loop3A_289 : i32 to index
      %parallel_loop3A_295 = tpu.vector_load %arg9[%parallel_loop3A_293, %parallel_loop3A_294] {strides = array<i32>} : memref<16x512xf32, #tpu.memory_space<vmem>>, vector<16xf32>,
      %parallel_loop3A_296 = arith.subf %parallel_loop3A_292, %parallel_loop3A_295 : vector<16xf32>
      %parallel_loop3A_297 = arith.index_cast %parallel_loop3A_285 : i32 to index
      %parallel_loop3A_298 = arith.index_cast %parallel_loop3A_289 : i32 to index
      %parallel_loop3A_299 = tpu.vector_load %arg11[%parallel_loop3A_297, %parallel_loop3A_298] {strides = array<i32>} : memref<16x512xf32, #tpu.memory_space<vmem>>, vector<16xf32>,
      tpu.vector_store %arg11[%parallel_loop3A_297, %parallel_loop3A_298], %parallel_loop3A_296 {strides = array<i32>} : memref<16x512xf32, #tpu.memory_space<vmem>>, vector<16xf32>,
      %parallel_loop3A_300 = math.absf %parallel_loop3A_296 : vector<16xf32>
      %parallel_loop3A_301 = vector.bitcast %parallel_loop3A_300 : vector<16xf32> to vector<16xi32>
      %parallel_loop3A_302 = arith.constant 16 : i32
      %parallel_loop3A_303 = vector.broadcast %parallel_loop3A_302 : i32 to vector<16xi32>
      %parallel_loop3A_304 = arith.shrui %parallel_loop3A_301, %parallel_loop3A_303 : vector<16xi32>
      %parallel_loop3A_305 = arith.constant 7 : i32
      %parallel_loop3A_306 = vector.broadcast %parallel_loop3A_305 : i32 to vector<16xi32>
      %parallel_loop3A_307 = arith.shrui %parallel_loop3A_304, %parallel_loop3A_306 : vector<16xi32>
      %parallel_loop3A_308 = arith.constant 127 : i32
      %parallel_loop3A_309 = vector.broadcast %parallel_loop3A_308 : i32 to vector<16xi32>
      %parallel_loop3A_310 = arith.andi %parallel_loop3A_304, %parallel_loop3A_309 : vector<16xi32>
      tpu.vector_store_idx %arg12[%parallel_loop3A_307, %parallel_loop3A_310], %broadcast_in_dim3A_5 {add = true} : memref<256x128xi32, #tpu.memory_space<vmem>>[vector<16xi32>, vector<16xi32>], vector<16xi32>,
    } {sc.loop_unroll_factor = 4 : i64, sc.parallel_access}
    %add3A_186 = arith.constant 80 : i32
    %add3A_187 = arith.addi %mul3A_2, %add3A_186 : i32
    %dma_start3A_188 = arith.constant 0 : i32
    %dma_start3A_189 = tpu.memref_slice %arg5[%add3A_187, %dma_start3A_188] : memref<4608x512xf32, #tpu.memory_space<hbm>> -> memref<16x512xf32, #tpu.memory_space<hbm>>
    %dma_start3A_190 = arith.constant 0 : i32
    %dma_start3A_191 = tpu.memref_slice %arg5[%add3A_187, %dma_start3A_190] : memref<4608x512xf32, #tpu.memory_space<hbm>> -> memref<16x512xf32, #tpu.memory_space<hbm>>
    tpu.enqueue_dma source(%arg11 : memref<16x512xf32, #tpu.memory_space<vmem>>) target(%dma_start3A_191 : memref<16x512xf32, #tpu.memory_space<hbm>>) target_semaphore(%arg15 : memref<!tpu.dma_semaphore, #tpu.memory_space<semaphore_mem>>)
    %add3A_192 = arith.constant 112 : i32
    %add3A_193 = arith.addi %mul3A_2, %add3A_192 : i32
    %dma_start3A_194 = arith.constant 0 : i32
    %dma_start3A_195 = tpu.memref_slice %arg2[%add3A_193, %dma_start3A_194] : memref<4608x512xf32, #tpu.memory_space<hbm>> -> memref<16x512xf32, #tpu.memory_space<hbm>>
    %dma_start3A_196 = arith.constant 0 : i32
    %dma_start3A_197 = tpu.memref_slice %arg2[%add3A_193, %dma_start3A_196] : memref<4608x512xf32, #tpu.memory_space<hbm>> -> memref<16x512xf32, #tpu.memory_space<hbm>>
    tpu.enqueue_dma source(%dma_start3A_197 : memref<16x512xf32, #tpu.memory_space<hbm>>) target(%arg8 : memref<16x512xf32, #tpu.memory_space<vmem>>) target_semaphore(%arg14 : memref<!tpu.dma_semaphore, #tpu.memory_space<semaphore_mem>>)
    %dma_start3A_198 = arith.constant 0 : i32
    %dma_start3A_199 = tpu.memref_slice %arg3[%add3A_193, %dma_start3A_198] : memref<4608x512xf32, #tpu.memory_space<hbm>> -> memref<16x512xf32, #tpu.memory_space<hbm>>
    %dma_start3A_200 = arith.constant 0 : i32
    %dma_start3A_201 = tpu.memref_slice %arg3[%add3A_193, %dma_start3A_200] : memref<4608x512xf32, #tpu.memory_space<hbm>> -> memref<16x512xf32, #tpu.memory_space<hbm>>
    tpu.enqueue_dma source(%dma_start3A_201 : memref<16x512xf32, #tpu.memory_space<hbm>>) target(%arg9 : memref<16x512xf32, #tpu.memory_space<vmem>>) target_semaphore(%arg14 : memref<!tpu.dma_semaphore, #tpu.memory_space<semaphore_mem>>)
    %dma_wait3A_202 = arith.constant 0 : i32
    %dma_wait3A_203 = tpu.memref_slice %arg2[%add3A_162, %dma_wait3A_202] : memref<4608x512xf32, #tpu.memory_space<hbm>> -> memref<16x512xf32, #tpu.memory_space<hbm>>
    %dma_wait3A_204 = arith.constant 0 : i32
    %dma_wait3A_205 = tpu.memref_slice %arg2[%add3A_162, %dma_wait3A_204] : memref<4608x512xf32, #tpu.memory_space<hbm>> -> memref<16x512xf32, #tpu.memory_space<hbm>>
    tpu.wait_dma2 semaphore(%arg13 : memref<!tpu.dma_semaphore, #tpu.memory_space<semaphore_mem>>) src(%dma_wait3A_205 : memref<16x512xf32, #tpu.memory_space<hbm>>) dst(%arg6 : memref<16x512xf32, #tpu.memory_space<vmem>>)
    %dma_wait3A_206 = arith.constant 0 : i32
    %dma_wait3A_207 = tpu.memref_slice %arg3[%add3A_162, %dma_wait3A_206] : memref<4608x512xf32, #tpu.memory_space<hbm>> -> memref<16x512xf32, #tpu.memory_space<hbm>>
    %dma_wait3A_208 = arith.constant 0 : i32
    %dma_wait3A_209 = tpu.memref_slice %arg3[%add3A_162, %dma_wait3A_208] : memref<4608x512xf32, #tpu.memory_space<hbm>> -> memref<16x512xf32, #tpu.memory_space<hbm>>
    tpu.wait_dma2 semaphore(%arg13 : memref<!tpu.dma_semaphore, #tpu.memory_space<semaphore_mem>>) src(%dma_wait3A_209 : memref<16x512xf32, #tpu.memory_space<hbm>>) dst(%arg7 : memref<16x512xf32, #tpu.memory_space<vmem>>)
    %dma_wait3A_210 = arith.constant 0 : i32
    %dma_wait3A_211 = tpu.memref_slice %arg5[%add3A_156, %dma_wait3A_210] : memref<4608x512xf32, #tpu.memory_space<hbm>> -> memref<16x512xf32, #tpu.memory_space<hbm>>
    %dma_wait3A_212 = arith.constant 0 : i32
    %dma_wait3A_213 = tpu.memref_slice %arg5[%add3A_156, %dma_wait3A_212] : memref<4608x512xf32, #tpu.memory_space<hbm>> -> memref<16x512xf32, #tpu.memory_space<hbm>>
    tpu.wait_dma2 semaphore(%arg15 : memref<!tpu.dma_semaphore, #tpu.memory_space<semaphore_mem>>) src(%arg10 : memref<16x512xf32, #tpu.memory_space<vmem>>) dst(%dma_wait3A_213 : memref<16x512xf32, #tpu.memory_space<hbm>>)
    %parallel_loop3A_214 = arith.constant 0 : i32
    %parallel_loop3A_215 = arith.constant 512 : i32
    %parallel_loop3A_216 = arith.constant 1 : i32
    scf.for %parallel_loop3A_283 = %parallel_loop3A_214 to %parallel_loop3A_215 step %parallel_loop3A_216  : i32 {
      %parallel_loop3A_284 = arith.constant 5 : i32
      %parallel_loop3A_285 = arith.shrui %parallel_loop3A_283, %parallel_loop3A_284 : i32
      %parallel_loop3A_286 = arith.constant 31 : i32
      %parallel_loop3A_287 = arith.andi %parallel_loop3A_283, %parallel_loop3A_286 : i32
      %parallel_loop3A_288 = arith.constant 16 : i32
      %parallel_loop3A_289 = arith.muli %parallel_loop3A_287, %parallel_loop3A_288 : i32
      %parallel_loop3A_290 = arith.index_cast %parallel_loop3A_285 : i32 to index
      %parallel_loop3A_291 = arith.index_cast %parallel_loop3A_289 : i32 to index
      %parallel_loop3A_292 = tpu.vector_load %arg6[%parallel_loop3A_290, %parallel_loop3A_291] {strides = array<i32>} : memref<16x512xf32, #tpu.memory_space<vmem>>, vector<16xf32>,
      %parallel_loop3A_293 = arith.index_cast %parallel_loop3A_285 : i32 to index
      %parallel_loop3A_294 = arith.index_cast %parallel_loop3A_289 : i32 to index
      %parallel_loop3A_295 = tpu.vector_load %arg7[%parallel_loop3A_293, %parallel_loop3A_294] {strides = array<i32>} : memref<16x512xf32, #tpu.memory_space<vmem>>, vector<16xf32>,
      %parallel_loop3A_296 = arith.subf %parallel_loop3A_292, %parallel_loop3A_295 : vector<16xf32>
      %parallel_loop3A_297 = arith.index_cast %parallel_loop3A_285 : i32 to index
      %parallel_loop3A_298 = arith.index_cast %parallel_loop3A_289 : i32 to index
      %parallel_loop3A_299 = tpu.vector_load %arg10[%parallel_loop3A_297, %parallel_loop3A_298] {strides = array<i32>} : memref<16x512xf32, #tpu.memory_space<vmem>>, vector<16xf32>,
      tpu.vector_store %arg10[%parallel_loop3A_297, %parallel_loop3A_298], %parallel_loop3A_296 {strides = array<i32>} : memref<16x512xf32, #tpu.memory_space<vmem>>, vector<16xf32>,
      %parallel_loop3A_300 = math.absf %parallel_loop3A_296 : vector<16xf32>
      %parallel_loop3A_301 = vector.bitcast %parallel_loop3A_300 : vector<16xf32> to vector<16xi32>
      %parallel_loop3A_302 = arith.constant 16 : i32
      %parallel_loop3A_303 = vector.broadcast %parallel_loop3A_302 : i32 to vector<16xi32>
      %parallel_loop3A_304 = arith.shrui %parallel_loop3A_301, %parallel_loop3A_303 : vector<16xi32>
      %parallel_loop3A_305 = arith.constant 7 : i32
      %parallel_loop3A_306 = vector.broadcast %parallel_loop3A_305 : i32 to vector<16xi32>
      %parallel_loop3A_307 = arith.shrui %parallel_loop3A_304, %parallel_loop3A_306 : vector<16xi32>
      %parallel_loop3A_308 = arith.constant 127 : i32
      %parallel_loop3A_309 = vector.broadcast %parallel_loop3A_308 : i32 to vector<16xi32>
      %parallel_loop3A_310 = arith.andi %parallel_loop3A_304, %parallel_loop3A_309 : vector<16xi32>
      tpu.vector_store_idx %arg12[%parallel_loop3A_307, %parallel_loop3A_310], %broadcast_in_dim3A_5 {add = true} : memref<256x128xi32, #tpu.memory_space<vmem>>[vector<16xi32>, vector<16xi32>], vector<16xi32>,
    } {sc.loop_unroll_factor = 4 : i64, sc.parallel_access}
    %add3A_217 = arith.constant 96 : i32
    %add3A_218 = arith.addi %mul3A_2, %add3A_217 : i32
    %dma_start3A_219 = arith.constant 0 : i32
    %dma_start3A_220 = tpu.memref_slice %arg5[%add3A_218, %dma_start3A_219] : memref<4608x512xf32, #tpu.memory_space<hbm>> -> memref<16x512xf32, #tpu.memory_space<hbm>>
    %dma_start3A_221 = arith.constant 0 : i32
    %dma_start3A_222 = tpu.memref_slice %arg5[%add3A_218, %dma_start3A_221] : memref<4608x512xf32, #tpu.memory_space<hbm>> -> memref<16x512xf32, #tpu.memory_space<hbm>>
    tpu.enqueue_dma source(%arg10 : memref<16x512xf32, #tpu.memory_space<vmem>>) target(%dma_start3A_222 : memref<16x512xf32, #tpu.memory_space<hbm>>) target_semaphore(%arg15 : memref<!tpu.dma_semaphore, #tpu.memory_space<semaphore_mem>>)
    %add3A_223 = arith.constant 128 : i32
    %add3A_224 = arith.addi %mul3A_2, %add3A_223 : i32
    %dma_start3A_225 = arith.constant 0 : i32
    %dma_start3A_226 = tpu.memref_slice %arg2[%add3A_224, %dma_start3A_225] : memref<4608x512xf32, #tpu.memory_space<hbm>> -> memref<16x512xf32, #tpu.memory_space<hbm>>
    %dma_start3A_227 = arith.constant 0 : i32
    %dma_start3A_228 = tpu.memref_slice %arg2[%add3A_224, %dma_start3A_227] : memref<4608x512xf32, #tpu.memory_space<hbm>> -> memref<16x512xf32, #tpu.memory_space<hbm>>
    tpu.enqueue_dma source(%dma_start3A_228 : memref<16x512xf32, #tpu.memory_space<hbm>>) target(%arg6 : memref<16x512xf32, #tpu.memory_space<vmem>>) target_semaphore(%arg13 : memref<!tpu.dma_semaphore, #tpu.memory_space<semaphore_mem>>)
    %dma_start3A_229 = arith.constant 0 : i32
    %dma_start3A_230 = tpu.memref_slice %arg3[%add3A_224, %dma_start3A_229] : memref<4608x512xf32, #tpu.memory_space<hbm>> -> memref<16x512xf32, #tpu.memory_space<hbm>>
    %dma_start3A_231 = arith.constant 0 : i32
    %dma_start3A_232 = tpu.memref_slice %arg3[%add3A_224, %dma_start3A_231] : memref<4608x512xf32, #tpu.memory_space<hbm>> -> memref<16x512xf32, #tpu.memory_space<hbm>>
    tpu.enqueue_dma source(%dma_start3A_232 : memref<16x512xf32, #tpu.memory_space<hbm>>) target(%arg7 : memref<16x512xf32, #tpu.memory_space<vmem>>) target_semaphore(%arg13 : memref<!tpu.dma_semaphore, #tpu.memory_space<semaphore_mem>>)
    %dma_wait3A_233 = arith.constant 0 : i32
    %dma_wait3A_234 = tpu.memref_slice %arg2[%add3A_193, %dma_wait3A_233] : memref<4608x512xf32, #tpu.memory_space<hbm>> -> memref<16x512xf32, #tpu.memory_space<hbm>>
    %dma_wait3A_235 = arith.constant 0 : i32
    %dma_wait3A_236 = tpu.memref_slice %arg2[%add3A_193, %dma_wait3A_235] : memref<4608x512xf32, #tpu.memory_space<hbm>> -> memref<16x512xf32, #tpu.memory_space<hbm>>
    tpu.wait_dma2 semaphore(%arg14 : memref<!tpu.dma_semaphore, #tpu.memory_space<semaphore_mem>>) src(%dma_wait3A_236 : memref<16x512xf32, #tpu.memory_space<hbm>>) dst(%arg8 : memref<16x512xf32, #tpu.memory_space<vmem>>)
    %dma_wait3A_237 = arith.constant 0 : i32
    %dma_wait3A_238 = tpu.memref_slice %arg3[%add3A_193, %dma_wait3A_237] : memref<4608x512xf32, #tpu.memory_space<hbm>> -> memref<16x512xf32, #tpu.memory_space<hbm>>
    %dma_wait3A_239 = arith.constant 0 : i32
    %dma_wait3A_240 = tpu.memref_slice %arg3[%add3A_193, %dma_wait3A_239] : memref<4608x512xf32, #tpu.memory_space<hbm>> -> memref<16x512xf32, #tpu.memory_space<hbm>>
    tpu.wait_dma2 semaphore(%arg14 : memref<!tpu.dma_semaphore, #tpu.memory_space<semaphore_mem>>) src(%dma_wait3A_240 : memref<16x512xf32, #tpu.memory_space<hbm>>) dst(%arg9 : memref<16x512xf32, #tpu.memory_space<vmem>>)
    %dma_wait3A_241 = arith.constant 0 : i32
    %dma_wait3A_242 = tpu.memref_slice %arg5[%add3A_187, %dma_wait3A_241] : memref<4608x512xf32, #tpu.memory_space<hbm>> -> memref<16x512xf32, #tpu.memory_space<hbm>>
    %dma_wait3A_243 = arith.constant 0 : i32
    %dma_wait3A_244 = tpu.memref_slice %arg5[%add3A_187, %dma_wait3A_243] : memref<4608x512xf32, #tpu.memory_space<hbm>> -> memref<16x512xf32, #tpu.memory_space<hbm>>
    tpu.wait_dma2 semaphore(%arg15 : memref<!tpu.dma_semaphore, #tpu.memory_space<semaphore_mem>>) src(%arg11 : memref<16x512xf32, #tpu.memory_space<vmem>>) dst(%dma_wait3A_244 : memref<16x512xf32, #tpu.memory_space<hbm>>)
    %parallel_loop3A_245 = arith.constant 0 : i32
    %parallel_loop3A_246 = arith.constant 512 : i32
    %parallel_loop3A_247 = arith.constant 1 : i32
    scf.for %parallel_loop3A_283 = %parallel_loop3A_245 to %parallel_loop3A_246 step %parallel_loop3A_247  : i32 {
      %parallel_loop3A_284 = arith.constant 5 : i32
      %parallel_loop3A_285 = arith.shrui %parallel_loop3A_283, %parallel_loop3A_284 : i32
      %parallel_loop3A_286 = arith.constant 31 : i32
      %parallel_loop3A_287 = arith.andi %parallel_loop3A_283, %parallel_loop3A_286 : i32
      %parallel_loop3A_288 = arith.constant 16 : i32
      %parallel_loop3A_289 = arith.muli %parallel_loop3A_287, %parallel_loop3A_288 : i32
      %parallel_loop3A_290 = arith.index_cast %parallel_loop3A_285 : i32 to index
      %parallel_loop3A_291 = arith.index_cast %parallel_loop3A_289 : i32 to index
      %parallel_loop3A_292 = tpu.vector_load %arg8[%parallel_loop3A_290, %parallel_loop3A_291] {strides = array<i32>} : memref<16x512xf32, #tpu.memory_space<vmem>>, vector<16xf32>,
      %parallel_loop3A_293 = arith.index_cast %parallel_loop3A_285 : i32 to index
      %parallel_loop3A_294 = arith.index_cast %parallel_loop3A_289 : i32 to index
      %parallel_loop3A_295 = tpu.vector_load %arg9[%parallel_loop3A_293, %parallel_loop3A_294] {strides = array<i32>} : memref<16x512xf32, #tpu.memory_space<vmem>>, vector<16xf32>,
      %parallel_loop3A_296 = arith.subf %parallel_loop3A_292, %parallel_loop3A_295 : vector<16xf32>
      %parallel_loop3A_297 = arith.index_cast %parallel_loop3A_285 : i32 to index
      %parallel_loop3A_298 = arith.index_cast %parallel_loop3A_289 : i32 to index
      %parallel_loop3A_299 = tpu.vector_load %arg11[%parallel_loop3A_297, %parallel_loop3A_298] {strides = array<i32>} : memref<16x512xf32, #tpu.memory_space<vmem>>, vector<16xf32>,
      tpu.vector_store %arg11[%parallel_loop3A_297, %parallel_loop3A_298], %parallel_loop3A_296 {strides = array<i32>} : memref<16x512xf32, #tpu.memory_space<vmem>>, vector<16xf32>,
      %parallel_loop3A_300 = math.absf %parallel_loop3A_296 : vector<16xf32>
      %parallel_loop3A_301 = vector.bitcast %parallel_loop3A_300 : vector<16xf32> to vector<16xi32>
      %parallel_loop3A_302 = arith.constant 16 : i32
      %parallel_loop3A_303 = vector.broadcast %parallel_loop3A_302 : i32 to vector<16xi32>
      %parallel_loop3A_304 = arith.shrui %parallel_loop3A_301, %parallel_loop3A_303 : vector<16xi32>
      %parallel_loop3A_305 = arith.constant 7 : i32
      %parallel_loop3A_306 = vector.broadcast %parallel_loop3A_305 : i32 to vector<16xi32>
      %parallel_loop3A_307 = arith.shrui %parallel_loop3A_304, %parallel_loop3A_306 : vector<16xi32>
      %parallel_loop3A_308 = arith.constant 127 : i32
      %parallel_loop3A_309 = vector.broadcast %parallel_loop3A_308 : i32 to vector<16xi32>
      %parallel_loop3A_310 = arith.andi %parallel_loop3A_304, %parallel_loop3A_309 : vector<16xi32>
      tpu.vector_store_idx %arg12[%parallel_loop3A_307, %parallel_loop3A_310], %broadcast_in_dim3A_5 {add = true} : memref<256x128xi32, #tpu.memory_space<vmem>>[vector<16xi32>, vector<16xi32>], vector<16xi32>,
    } {sc.loop_unroll_factor = 4 : i64, sc.parallel_access}
    %add3A_248 = arith.constant 112 : i32
    %add3A_249 = arith.addi %mul3A_2, %add3A_248 : i32
    %dma_start3A_250 = arith.constant 0 : i32
    %dma_start3A_251 = tpu.memref_slice %arg5[%add3A_249, %dma_start3A_250] : memref<4608x512xf32, #tpu.memory_space<hbm>> -> memref<16x512xf32, #tpu.memory_space<hbm>>
    %dma_start3A_252 = arith.constant 0 : i32
    %dma_start3A_253 = tpu.memref_slice %arg5[%add3A_249, %dma_start3A_252] : memref<4608x512xf32, #tpu.memory_space<hbm>> -> memref<16x512xf32, #tpu.memory_space<hbm>>
    tpu.enqueue_dma source(%arg11 : memref<16x512xf32, #tpu.memory_space<vmem>>) target(%dma_start3A_253 : memref<16x512xf32, #tpu.memory_space<hbm>>) target_semaphore(%arg15 : memref<!tpu.dma_semaphore, #tpu.memory_space<semaphore_mem>>)
    %dma_wait3A_254 = arith.constant 0 : i32
    %dma_wait3A_255 = tpu.memref_slice %arg2[%add3A_224, %dma_wait3A_254] : memref<4608x512xf32, #tpu.memory_space<hbm>> -> memref<16x512xf32, #tpu.memory_space<hbm>>
    %dma_wait3A_256 = arith.constant 0 : i32
    %dma_wait3A_257 = tpu.memref_slice %arg2[%add3A_224, %dma_wait3A_256] : memref<4608x512xf32, #tpu.memory_space<hbm>> -> memref<16x512xf32, #tpu.memory_space<hbm>>
    tpu.wait_dma2 semaphore(%arg13 : memref<!tpu.dma_semaphore, #tpu.memory_space<semaphore_mem>>) src(%dma_wait3A_257 : memref<16x512xf32, #tpu.memory_space<hbm>>) dst(%arg6 : memref<16x512xf32, #tpu.memory_space<vmem>>)
    %dma_wait3A_258 = arith.constant 0 : i32
    %dma_wait3A_259 = tpu.memref_slice %arg3[%add3A_224, %dma_wait3A_258] : memref<4608x512xf32, #tpu.memory_space<hbm>> -> memref<16x512xf32, #tpu.memory_space<hbm>>
    %dma_wait3A_260 = arith.constant 0 : i32
    %dma_wait3A_261 = tpu.memref_slice %arg3[%add3A_224, %dma_wait3A_260] : memref<4608x512xf32, #tpu.memory_space<hbm>> -> memref<16x512xf32, #tpu.memory_space<hbm>>
    tpu.wait_dma2 semaphore(%arg13 : memref<!tpu.dma_semaphore, #tpu.memory_space<semaphore_mem>>) src(%dma_wait3A_261 : memref<16x512xf32, #tpu.memory_space<hbm>>) dst(%arg7 : memref<16x512xf32, #tpu.memory_space<vmem>>)
    %dma_wait3A_262 = arith.constant 0 : i32
    %dma_wait3A_263 = tpu.memref_slice %arg5[%add3A_218, %dma_wait3A_262] : memref<4608x512xf32, #tpu.memory_space<hbm>> -> memref<16x512xf32, #tpu.memory_space<hbm>>
    %dma_wait3A_264 = arith.constant 0 : i32
    %dma_wait3A_265 = tpu.memref_slice %arg5[%add3A_218, %dma_wait3A_264] : memref<4608x512xf32, #tpu.memory_space<hbm>> -> memref<16x512xf32, #tpu.memory_space<hbm>>
    tpu.wait_dma2 semaphore(%arg15 : memref<!tpu.dma_semaphore, #tpu.memory_space<semaphore_mem>>) src(%arg10 : memref<16x512xf32, #tpu.memory_space<vmem>>) dst(%dma_wait3A_265 : memref<16x512xf32, #tpu.memory_space<hbm>>)
    %parallel_loop3A_266 = arith.constant 0 : i32
    %parallel_loop3A_267 = arith.constant 512 : i32
    %parallel_loop3A_268 = arith.constant 1 : i32
    scf.for %parallel_loop3A_283 = %parallel_loop3A_266 to %parallel_loop3A_267 step %parallel_loop3A_268  : i32 {
      %parallel_loop3A_284 = arith.constant 5 : i32
      %parallel_loop3A_285 = arith.shrui %parallel_loop3A_283, %parallel_loop3A_284 : i32
      %parallel_loop3A_286 = arith.constant 31 : i32
      %parallel_loop3A_287 = arith.andi %parallel_loop3A_283, %parallel_loop3A_286 : i32
      %parallel_loop3A_288 = arith.constant 16 : i32
      %parallel_loop3A_289 = arith.muli %parallel_loop3A_287, %parallel_loop3A_288 : i32
      %parallel_loop3A_290 = arith.index_cast %parallel_loop3A_285 : i32 to index
      %parallel_loop3A_291 = arith.index_cast %parallel_loop3A_289 : i32 to index
      %parallel_loop3A_292 = tpu.vector_load %arg6[%parallel_loop3A_290, %parallel_loop3A_291] {strides = array<i32>} : memref<16x512xf32, #tpu.memory_space<vmem>>, vector<16xf32>,
      %parallel_loop3A_293 = arith.index_cast %parallel_loop3A_285 : i32 to index
      %parallel_loop3A_294 = arith.index_cast %parallel_loop3A_289 : i32 to index
      %parallel_loop3A_295 = tpu.vector_load %arg7[%parallel_loop3A_293, %parallel_loop3A_294] {strides = array<i32>} : memref<16x512xf32, #tpu.memory_space<vmem>>, vector<16xf32>,
      %parallel_loop3A_296 = arith.subf %parallel_loop3A_292, %parallel_loop3A_295 : vector<16xf32>
      %parallel_loop3A_297 = arith.index_cast %parallel_loop3A_285 : i32 to index
      %parallel_loop3A_298 = arith.index_cast %parallel_loop3A_289 : i32 to index
      %parallel_loop3A_299 = tpu.vector_load %arg10[%parallel_loop3A_297, %parallel_loop3A_298] {strides = array<i32>} : memref<16x512xf32, #tpu.memory_space<vmem>>, vector<16xf32>,
      tpu.vector_store %arg10[%parallel_loop3A_297, %parallel_loop3A_298], %parallel_loop3A_296 {strides = array<i32>} : memref<16x512xf32, #tpu.memory_space<vmem>>, vector<16xf32>,
      %parallel_loop3A_300 = math.absf %parallel_loop3A_296 : vector<16xf32>
      %parallel_loop3A_301 = vector.bitcast %parallel_loop3A_300 : vector<16xf32> to vector<16xi32>
      %parallel_loop3A_302 = arith.constant 16 : i32
      %parallel_loop3A_303 = vector.broadcast %parallel_loop3A_302 : i32 to vector<16xi32>
      %parallel_loop3A_304 = arith.shrui %parallel_loop3A_301, %parallel_loop3A_303 : vector<16xi32>
      %parallel_loop3A_305 = arith.constant 7 : i32
      %parallel_loop3A_306 = vector.broadcast %parallel_loop3A_305 : i32 to vector<16xi32>
      %parallel_loop3A_307 = arith.shrui %parallel_loop3A_304, %parallel_loop3A_306 : vector<16xi32>
      %parallel_loop3A_308 = arith.constant 127 : i32
      %parallel_loop3A_309 = vector.broadcast %parallel_loop3A_308 : i32 to vector<16xi32>
      %parallel_loop3A_310 = arith.andi %parallel_loop3A_304, %parallel_loop3A_309 : vector<16xi32>
      tpu.vector_store_idx %arg12[%parallel_loop3A_307, %parallel_loop3A_310], %broadcast_in_dim3A_5 {add = true} : memref<256x128xi32, #tpu.memory_space<vmem>>[vector<16xi32>, vector<16xi32>], vector<16xi32>,
    } {sc.loop_unroll_factor = 4 : i64, sc.parallel_access}
    %add3A_269 = arith.constant 128 : i32
    %add3A_270 = arith.addi %mul3A_2, %add3A_269 : i32
    %dma_start3A_271 = arith.constant 0 : i32
    %dma_start3A_272 = tpu.memref_slice %arg5[%add3A_270, %dma_start3A_271] : memref<4608x512xf32, #tpu.memory_space<hbm>> -> memref<16x512xf32, #tpu.memory_space<hbm>>
    %dma_start3A_273 = arith.constant 0 : i32
    %dma_start3A_274 = tpu.memref_slice %arg5[%add3A_270, %dma_start3A_273] : memref<4608x512xf32, #tpu.memory_space<hbm>> -> memref<16x512xf32, #tpu.memory_space<hbm>>
    tpu.enqueue_dma source(%arg10 : memref<16x512xf32, #tpu.memory_space<vmem>>) target(%dma_start3A_274 : memref<16x512xf32, #tpu.memory_space<hbm>>) target_semaphore(%arg15 : memref<!tpu.dma_semaphore, #tpu.memory_space<semaphore_mem>>)
    "tpu.region"() ({
      %run_scoped3A = tpu.sem_alloc : memref<!tpu.dma_semaphore, #tpu.memory_space<semaphore_mem>>
      %dma_start3A_283 = arith.constant 0 : i32
      %dma_start3A_284 = arith.constant 0 : i32
      %dma_start3A_285 = tpu.memref_slice %arg4[%add3A, %dma_start3A_283, %dma_start3A_284] : memref<32x256x128xi32, #tpu.memory_space<hbm>> -> memref<1x256x128xi32, #tpu.memory_space<hbm>>
      %dma_start3A_286 = tpu.memref_squeeze %dma_start3A_285 : memref<1x256x128xi32, #tpu.memory_space<hbm>> -> memref<256x128xi32, #tpu.memory_space<hbm>>
      %dma_start3A_287 = arith.constant 0 : i32
      %dma_start3A_288 = arith.constant 0 : i32
      %dma_start3A_289 = tpu.memref_slice %arg4[%add3A, %dma_start3A_287, %dma_start3A_288] : memref<32x256x128xi32, #tpu.memory_space<hbm>> -> memref<1x256x128xi32, #tpu.memory_space<hbm>>
      %dma_start3A_290 = tpu.memref_squeeze %dma_start3A_289 : memref<1x256x128xi32, #tpu.memory_space<hbm>> -> memref<256x128xi32, #tpu.memory_space<hbm>>
      tpu.enqueue_dma source(%arg12 : memref<256x128xi32, #tpu.memory_space<vmem>>) target(%dma_start3A_290 : memref<256x128xi32, #tpu.memory_space<hbm>>) target_semaphore(%run_scoped3A : memref<!tpu.dma_semaphore, #tpu.memory_space<semaphore_mem>>)
      %dma_wait3A_291 = arith.constant 0 : i32
      %dma_wait3A_292 = arith.constant 0 : i32
      %dma_wait3A_293 = tpu.memref_slice %arg4[%add3A, %dma_wait3A_291, %dma_wait3A_292] : memref<32x256x128xi32, #tpu.memory_space<hbm>> -> memref<1x256x128xi32, #tpu.memory_space<hbm>>
      %dma_wait3A_294 = tpu.memref_squeeze %dma_wait3A_293 : memref<1x256x128xi32, #tpu.memory_space<hbm>> -> memref<256x128xi32, #tpu.memory_space<hbm>>
      %dma_wait3A_295 = arith.constant 0 : i32
      %dma_wait3A_296 = arith.constant 0 : i32
      %dma_wait3A_297 = tpu.memref_slice %arg4[%add3A, %dma_wait3A_295, %dma_wait3A_296] : memref<32x256x128xi32, #tpu.memory_space<hbm>> -> memref<1x256x128xi32, #tpu.memory_space<hbm>>
      %dma_wait3A_298 = tpu.memref_squeeze %dma_wait3A_297 : memref<1x256x128xi32, #tpu.memory_space<hbm>> -> memref<256x128xi32, #tpu.memory_space<hbm>>
      tpu.wait_dma2 semaphore(%run_scoped3A : memref<!tpu.dma_semaphore, #tpu.memory_space<semaphore_mem>>) src(%arg12 : memref<256x128xi32, #tpu.memory_space<vmem>>) dst(%dma_wait3A_298 : memref<256x128xi32, #tpu.memory_space<hbm>>)
      tpu.yield
    }) : () -> ()
    %dma_wait3A_275 = arith.constant 0 : i32
    %dma_wait3A_276 = tpu.memref_slice %arg5[%add3A_270, %dma_wait3A_275] : memref<4608x512xf32, #tpu.memory_space<hbm>> -> memref<16x512xf32, #tpu.memory_space<hbm>>
    %dma_wait3A_277 = arith.constant 0 : i32
    %dma_wait3A_278 = tpu.memref_slice %arg5[%add3A_270, %dma_wait3A_277] : memref<4608x512xf32, #tpu.memory_space<hbm>> -> memref<16x512xf32, #tpu.memory_space<hbm>>
    tpu.wait_dma2 semaphore(%arg15 : memref<!tpu.dma_semaphore, #tpu.memory_space<semaphore_mem>>) src(%arg10 : memref<16x512xf32, #tpu.memory_space<vmem>>) dst(%dma_wait3A_278 : memref<16x512xf32, #tpu.memory_space<hbm>>)
    %dma_wait3A_279 = arith.constant 0 : i32
    %dma_wait3A_280 = tpu.memref_slice %arg5[%add3A_249, %dma_wait3A_279] : memref<4608x512xf32, #tpu.memory_space<hbm>> -> memref<16x512xf32, #tpu.memory_space<hbm>>
    %dma_wait3A_281 = arith.constant 0 : i32
    %dma_wait3A_282 = tpu.memref_slice %arg5[%add3A_249, %dma_wait3A_281] : memref<4608x512xf32, #tpu.memory_space<hbm>> -> memref<16x512xf32, #tpu.memory_space<hbm>>
    tpu.wait_dma2 semaphore(%arg15 : memref<!tpu.dma_semaphore, #tpu.memory_space<semaphore_mem>>) src(%arg11 : memref<16x512xf32, #tpu.memory_space<vmem>>) dst(%dma_wait3A_282 : memref<16x512xf32, #tpu.memory_space<hbm>>)
    return
  }
}

module attributes {stable_mosaic.version = 14 : i64} {
  func.func @_sel_hi_tc(%arg0: memref<32x256x128xi32, #tpu.memory_space<vmem>>, %arg1: memref<8x128xi32, #tpu.memory_space<vmem>>) attributes {dimension_semantics = [], scalar_prefetch = 0 : i64, scratch_operands = 0 : i64, tpu.core_type = #tpu.core_type<tc>} {
    %get3A = arith.constant 0 : index
    %get3A_0 = arith.constant 0 : index
    %get3A_1 = arith.constant 0 : index
    %get3A_2 = vector.load %arg0[%get3A, %get3A_0, %get3A_1] : memref<32x256x128xi32, #tpu.memory_space<vmem>>, vector<32x256x128xi32>
    %convert_element_type3A = arith.sitofp %get3A_2 : vector<32x256x128xi32> to vector<32x256x128xf32>
    %reduce_sum3A = arith.constant dense<0.000000e+00> : vector<256x128xf32>
    %reduce_sum3A_3 = vector.multi_reduction <add>, %convert_element_type3A, %reduce_sum3A [0] : vector<32x256x128xf32> to vector<256x128xf32>
    %iota3A = tpu.iota {dimensions = array<i32: 0>} : vector<256x256xi32>
    %iota3A_4 = tpu.iota {dimensions = array<i32: 1>} : vector<256x256xi32>
    %gt3A = arith.cmpi sgt, %iota3A, %iota3A_4 : vector<256x256xi32>
    %convert_element_type3A_5 = arith.extui %gt3A : vector<256x256xi1> to vector<256x256xi32>
    %convert_element_type3A_6 = arith.sitofp %convert_element_type3A_5 : vector<256x256xi32> to vector<256x256xf32>
    %iota3A_7 = tpu.iota {dimensions = array<i32: 0>} : vector<128x128xi32>
    %iota3A_8 = tpu.iota {dimensions = array<i32: 1>} : vector<128x128xi32>
    %le3A = arith.cmpi sle, %iota3A_7, %iota3A_8 : vector<128x128xi32>
    %convert_element_type3A_9 = arith.extui %le3A : vector<128x128xi1> to vector<128x128xi32>
    %convert_element_type3A_10 = arith.sitofp %convert_element_type3A_9 : vector<128x128xi32> to vector<128x128xf32>
    %broadcast_in_dim3A = arith.constant 1.000000e+00 : f32
    %broadcast_in_dim3A_11 = vector.broadcast %broadcast_in_dim3A : f32 to vector<128x128xf32>
    %dot_general3A = arith.constant dense<0.000000e+00> : vector<256x128xf32>
    %dot_general3A_12 = tpu.matmul %convert_element_type3A_6, %reduce_sum3A_3, %dot_general3A {dimension_numbers = #tpu.dot_dimension_numbers<[1], [0], [0], [1], [0, 0, 1, 1], [], []>, precision = #tpu.contract_precision<fp32>, transpose_lhs_hint = false} : vector<256x256xf32>, vector<256x128xf32>, vector<256x128xf32> -> vector<256x128xf32>
    %dot_general3A_13 = arith.constant dense<0.000000e+00> : vector<256x128xf32>
    %dot_general3A_14 = tpu.matmul %dot_general3A_12, %broadcast_in_dim3A_11, %dot_general3A_13 {dimension_numbers = #tpu.dot_dimension_numbers<[1], [0], [0], [1], [0, 0, 1, 1], [], []>, precision = #tpu.contract_precision<fp32>, transpose_lhs_hint = false} : vector<256x128xf32>, vector<128x128xf32>, vector<256x128xf32> -> vector<256x128xf32>
    %dot_general3A_15 = arith.constant dense<0.000000e+00> : vector<256x128xf32>
    %dot_general3A_16 = tpu.matmul %reduce_sum3A_3, %convert_element_type3A_10, %dot_general3A_15 {dimension_numbers = #tpu.dot_dimension_numbers<[1], [0], [0], [1], [0, 0, 1, 1], [], []>, precision = #tpu.contract_precision<fp32>, transpose_lhs_hint = false} : vector<256x128xf32>, vector<128x128xf32>, vector<256x128xf32> -> vector<256x128xf32>
    %add3A = arith.addf %dot_general3A_14, %dot_general3A_16 : vector<256x128xf32>
    %lt3A = arith.constant 0x4A0E8F5C : f32
    %lt3A_17 = vector.broadcast %lt3A : f32 to vector<256x128xf32>
    %lt3A_18 = arith.cmpf olt, %add3A, %lt3A_17 : vector<256x128xf32>
    %convert_element_type3A_19 = arith.extui %lt3A_18 : vector<256x128xi1> to vector<256x128xi32>
    %convert_element_type3A_20 = arith.sitofp %convert_element_type3A_19 : vector<256x128xi32> to vector<256x128xf32>
    %reduce_sum3A_21 = vector.shape_cast %convert_element_type3A_20 : vector<256x128xf32> to vector<1x256x128xf32>
    %reduce_sum3A_22 = arith.constant dense<0.000000e+00> : vector<1xf32>
    %reduce_sum3A_23 = vector.multi_reduction <add>, %reduce_sum3A_21, %reduce_sum3A_22 [1, 2] : vector<1x256x128xf32> to vector<1xf32>
    %reduce_sum3A_24 = vector.shape_cast %reduce_sum3A_23 : vector<1xf32> to vector<1x1x1xf32>
    %reduce_sum3A_25 = vector.extract %reduce_sum3A_24[0, 0, 0] : f32 from vector<1x1x1xf32>
    %mul3A = arith.mulf %reduce_sum3A_3, %convert_element_type3A_20 : vector<256x128xf32>
    %reduce_sum3A_26 = vector.shape_cast %mul3A : vector<256x128xf32> to vector<1x256x128xf32>
    %reduce_sum3A_27 = arith.constant dense<0.000000e+00> : vector<1xf32>
    %reduce_sum3A_28 = vector.multi_reduction <add>, %reduce_sum3A_26, %reduce_sum3A_27 [1, 2] : vector<1x256x128xf32> to vector<1xf32>
    %reduce_sum3A_29 = vector.shape_cast %reduce_sum3A_28 : vector<1xf32> to vector<1x1x1xf32>
    %reduce_sum3A_30 = vector.extract %reduce_sum3A_29[0, 0, 0] : f32 from vector<1x1x1xf32>
    %iota3A_31 = tpu.iota {dimensions = array<i32: 0>} : vector<8x128xi32>
    %eq3A = arith.constant 0 : i32
    %eq3A_32 = vector.broadcast %eq3A : i32 to vector<8x128xi32>
    %eq3A_33 = arith.cmpi eq, %iota3A_31, %eq3A_32 : vector<8x128xi32>
    %convert_element_type3A_34 = arith.fptosi %reduce_sum3A_25 : f32 to i32
    %convert_element_type3A_35 = arith.fptosi %reduce_sum3A_30 : f32 to i32
    %broadcast_in_dim3A_36 = vector.broadcast %convert_element_type3A_34 : i32 to vector<8x128xi32>
    %broadcast_in_dim3A_37 = vector.broadcast %convert_element_type3A_35 : i32 to vector<8x128xi32>
    %select_n3A = arith.select %eq3A_33, %broadcast_in_dim3A_36, %broadcast_in_dim3A_37 : vector<8x128xi1>, vector<8x128xi32>
    %swap3A = arith.constant 0 : index
    %swap3A_38 = arith.constant 0 : index
    %swap3A_39 = vector.load %arg1[%swap3A, %swap3A_38] : memref<8x128xi32, #tpu.memory_space<vmem>>, vector<8x128xi32>
    tpu.vector_store %arg1[%swap3A, %swap3A_38], %select_n3A {strides = array<i32>} : memref<8x128xi32, #tpu.memory_space<vmem>>, vector<8x128xi32>,
    return
  }
}

module attributes {stable_mosaic.version = 14 : i64} {
  func.func @_final_body(%arg0: i32, %arg1: memref<32x512x128xi32, #tpu.memory_space<vmem>>, %arg2: memref<8x128xi32, #tpu.memory_space<vmem>>, %arg3: memref<8x128xf32, #tpu.memory_space<vmem>>, %arg4: memref<1152x512xf32, #tpu.memory_space<vmem>>, %arg5: memref<1152x512xf32, #tpu.memory_space<vmem>>, %arg6: memref<1152x512xf32, #tpu.memory_space<vmem>>, %arg7: memref<1x1xf32, #tpu.memory_space<vmem>>, %arg8: memref<2xf32, #tpu.memory_space<smem>>, %arg9: memref<1xf32, #tpu.memory_space<smem>>) attributes {dimension_semantics = [#tpu.dimension_semantics<arbitrary>], iteration_bounds = array<i64: 4>, scalar_prefetch = 0 : i64, scratch_operands = 2 : i64, tpu.core_type = #tpu.core_type<tc>, window_params = [{pipeline_mode = #tpu.pipeline_mode<synchronous>, transform_indices = @transform_0, window_bounds = array<i64: 32, 512, 128>}, {pipeline_mode = #tpu.pipeline_mode<synchronous>, transform_indices = @transform_1, window_bounds = array<i64: 8, 128>}, {pipeline_mode = #tpu.pipeline_mode<synchronous>, transform_indices = @transform_2, window_bounds = array<i64: 8, 128>}, {transform_indices = @transform_3, window_bounds = array<i64: 1152, 512>}, {transform_indices = @transform_4, window_bounds = array<i64: 1152, 512>}, {transform_indices = @transform_5, window_bounds = array<i64: 1152, 512>}, {pipeline_mode = #tpu.pipeline_mode<synchronous>, transform_indices = @transform_6, window_bounds = array<i64: 1, 1>}]} {
    %eq3A = arith.constant 0 : i32
    %eq3A_0 = arith.cmpi eq, %arg0, %eq3A : i32
    %convert_element_type3A = arith.extui %eq3A_0 : i1 to i32
    %cond3A = arith.constant 0 : i32
    %cond3A_1 = arith.cmpi ne, %convert_element_type3A, %cond3A : i32
    scf.if %cond3A_1 {
      %swap3A_153 = arith.constant 0.000000e+00 : f32
      %swap3A_154 = arith.constant 0 : index
      %swap3A_155 = memref.load %arg8[%swap3A_154] : memref<2xf32, #tpu.memory_space<smem>>
      memref.store %swap3A_153, %arg8[%swap3A_154] : memref<2xf32, #tpu.memory_space<smem>>
      %swap3A_156 = arith.constant 0.000000e+00 : f32
      %swap3A_157 = arith.constant 1 : index
      %swap3A_158 = memref.load %arg8[%swap3A_157] : memref<2xf32, #tpu.memory_space<smem>>
      memref.store %swap3A_156, %arg8[%swap3A_157] : memref<2xf32, #tpu.memory_space<smem>>
      %get3A_159 = arith.constant 0 : index
      %get3A_160 = arith.constant 0 : index
      %get3A_161 = arith.constant 0 : index
      %get3A_162 = vector.load %arg1[%get3A_159, %get3A_160, %get3A_161] : memref<32x512x128xi32, #tpu.memory_space<vmem>>, vector<32x512x128xi32>
      %convert_element_type3A_163 = arith.sitofp %get3A_162 : vector<32x512x128xi32> to vector<32x512x128xf32>
      %reduce_sum3A_164 = arith.constant dense<0.000000e+00> : vector<512x128xf32>
      %reduce_sum3A_165 = vector.multi_reduction <add>, %convert_element_type3A_163, %reduce_sum3A_164 [0] : vector<32x512x128xf32> to vector<512x128xf32>
      %get3A_166 = arith.constant 0 : index
      %get3A_167 = arith.constant 0 : index
      %get3A_168 = vector.load %arg2[%get3A_166, %get3A_167] : memref<8x128xi32, #tpu.memory_space<vmem>>, vector<1x128xi32>
      %reduce_max3A_169 = vector.shape_cast %get3A_168 : vector<1x128xi32> to vector<1x1x128xi32>
      %reduce_max3A_170 = arith.constant dense<-2147483648> : vector<1xi32>
      %reduce_max3A_171 = vector.multi_reduction <maxsi>, %reduce_max3A_169, %reduce_max3A_170 [1, 2] : vector<1x1x128xi32> to vector<1xi32>
      %reduce_max3A_172 = vector.shape_cast %reduce_max3A_171 : vector<1xi32> to vector<1x1x1xi32>
      %reduce_max3A_173 = vector.extract %reduce_max3A_172[0, 0, 0] : i32 from vector<1x1x1xi32>
      %get3A_174 = arith.constant 1 : index
      %get3A_175 = arith.constant 0 : index
      %get3A_176 = vector.load %arg2[%get3A_174, %get3A_175] : memref<8x128xi32, #tpu.memory_space<vmem>>, vector<1x128xi32>
      %reduce_max3A_177 = vector.shape_cast %get3A_176 : vector<1x128xi32> to vector<1x1x128xi32>
      %reduce_max3A_178 = arith.constant dense<-2147483648> : vector<1xi32>
      %reduce_max3A_179 = vector.multi_reduction <maxsi>, %reduce_max3A_177, %reduce_max3A_178 [1, 2] : vector<1x1x128xi32> to vector<1xi32>
      %reduce_max3A_180 = vector.shape_cast %reduce_max3A_179 : vector<1xi32> to vector<1x1x1xi32>
      %reduce_max3A_181 = vector.extract %reduce_max3A_180[0, 0, 0] : i32 from vector<1x1x1xi32>
      %convert_element_type3A_182 = arith.sitofp %reduce_max3A_181 : i32 to f32
      %sub3A = arith.constant 0x4A0E8F5C : f32
      %sub3A_183 = arith.subf %sub3A, %convert_element_type3A_182 : f32
      %iota3A = tpu.iota {dimensions = array<i32: 0>} : vector<512x512xi32>
      %iota3A_184 = tpu.iota {dimensions = array<i32: 1>} : vector<512x512xi32>
      %gt3A_185 = arith.cmpi sgt, %iota3A, %iota3A_184 : vector<512x512xi32>
      %convert_element_type3A_186 = arith.extui %gt3A_185 : vector<512x512xi1> to vector<512x512xi32>
      %convert_element_type3A_187 = arith.sitofp %convert_element_type3A_186 : vector<512x512xi32> to vector<512x512xf32>
      %iota3A_188 = tpu.iota {dimensions = array<i32: 0>} : vector<128x128xi32>
      %iota3A_189 = tpu.iota {dimensions = array<i32: 1>} : vector<128x128xi32>
      %le3A = arith.cmpi sle, %iota3A_188, %iota3A_189 : vector<128x128xi32>
      %convert_element_type3A_190 = arith.extui %le3A : vector<128x128xi1> to vector<128x128xi32>
      %convert_element_type3A_191 = arith.sitofp %convert_element_type3A_190 : vector<128x128xi32> to vector<128x128xf32>
      %broadcast_in_dim3A_192 = arith.constant 1.000000e+00 : f32
      %broadcast_in_dim3A_193 = vector.broadcast %broadcast_in_dim3A_192 : f32 to vector<128x128xf32>
      %dot_general3A = arith.constant dense<0.000000e+00> : vector<512x128xf32>
      %dot_general3A_194 = tpu.matmul %convert_element_type3A_187, %reduce_sum3A_165, %dot_general3A {dimension_numbers = #tpu.dot_dimension_numbers<[1], [0], [0], [1], [0, 0, 1, 1], [], []>, precision = #tpu.contract_precision<fp32>, transpose_lhs_hint = false} : vector<512x512xf32>, vector<512x128xf32>, vector<512x128xf32> -> vector<512x128xf32>
      %dot_general3A_195 = arith.constant dense<0.000000e+00> : vector<512x128xf32>
      %dot_general3A_196 = tpu.matmul %dot_general3A_194, %broadcast_in_dim3A_193, %dot_general3A_195 {dimension_numbers = #tpu.dot_dimension_numbers<[1], [0], [0], [1], [0, 0, 1, 1], [], []>, precision = #tpu.contract_precision<fp32>, transpose_lhs_hint = false} : vector<512x128xf32>, vector<128x128xf32>, vector<512x128xf32> -> vector<512x128xf32>
      %dot_general3A_197 = arith.constant dense<0.000000e+00> : vector<512x128xf32>
      %dot_general3A_198 = tpu.matmul %reduce_sum3A_165, %convert_element_type3A_191, %dot_general3A_197 {dimension_numbers = #tpu.dot_dimension_numbers<[1], [0], [0], [1], [0, 0, 1, 1], [], []>, precision = #tpu.contract_precision<fp32>, transpose_lhs_hint = false} : vector<512x128xf32>, vector<128x128xf32>, vector<512x128xf32> -> vector<512x128xf32>
      %add3A_199 = arith.addf %dot_general3A_196, %dot_general3A_198 : vector<512x128xf32>
      %lt3A = vector.broadcast %sub3A_183 : f32 to vector<512x128xf32>
      %lt3A_200 = arith.cmpf olt, %add3A_199, %lt3A : vector<512x128xf32>
      %convert_element_type3A_201 = arith.extui %lt3A_200 : vector<512x128xi1> to vector<512x128xi32>
      %convert_element_type3A_202 = arith.sitofp %convert_element_type3A_201 : vector<512x128xi32> to vector<512x128xf32>
      %reduce_sum3A_203 = vector.shape_cast %convert_element_type3A_202 : vector<512x128xf32> to vector<1x512x128xf32>
      %reduce_sum3A_204 = arith.constant dense<0.000000e+00> : vector<1xf32>
      %reduce_sum3A_205 = vector.multi_reduction <add>, %reduce_sum3A_203, %reduce_sum3A_204 [1, 2] : vector<1x512x128xf32> to vector<1xf32>
      %reduce_sum3A_206 = vector.shape_cast %reduce_sum3A_205 : vector<1xf32> to vector<1x1x1xf32>
      %reduce_sum3A_207 = vector.extract %reduce_sum3A_206[0, 0, 0] : f32 from vector<1x1x1xf32>
      %convert_element_type3A_208 = arith.fptosi %reduce_sum3A_207 : f32 to i32
      %shift_left3A = arith.constant 16 : i32
      %shift_left3A_209 = arith.shli %reduce_max3A_173, %shift_left3A : i32
      %or3A = arith.ori %shift_left3A_209, %convert_element_type3A_208 : i32
      %bitcast_convert_type3A = arith.bitcast %or3A : i32 to f32
      %swap3A_210 = arith.constant 0 : index
      %swap3A_211 = memref.load %arg9[%swap3A_210] : memref<1xf32, #tpu.memory_space<smem>>
      memref.store %bitcast_convert_type3A, %arg9[%swap3A_210] : memref<1xf32, #tpu.memory_space<smem>>
    } else {
    }
    %get3A = arith.constant 0 : index
    %get3A_2 = memref.load %arg9[%get3A] : memref<1xf32, #tpu.memory_space<smem>>
    %get3A_3 = arith.constant 0 : index
    %get3A_4 = arith.constant 0 : index
    %get3A_5 = vector.load %arg3[%get3A_3, %get3A_4] : memref<8x128xf32, #tpu.memory_space<vmem>>, vector<8x128xf32>
    %reduce_max3A = vector.shape_cast %get3A_5 : vector<8x128xf32> to vector<1x8x128xf32>
    %reduce_max3A_6 = arith.constant dense<0xFF800000> : vector<1xf32>
    %reduce_max3A_7 = vector.multi_reduction <maximumf>, %reduce_max3A, %reduce_max3A_6 [1, 2] : vector<1x8x128xf32> to vector<1xf32>
    %reduce_max3A_8 = vector.shape_cast %reduce_max3A_7 : vector<1xf32> to vector<1x1x1xf32>
    %reduce_max3A_9 = vector.extract %reduce_max3A_8[0, 0, 0] : f32 from vector<1x1x1xf32>
    %div3A = arith.constant 1.000000e+00 : f32
    %div3A_10 = arith.divf %div3A, %reduce_max3A_9 : f32
    %get3A_11 = arith.constant 0 : index
    %get3A_12 = arith.constant 0 : index
    %get3A_13 = vector.load %arg4[%get3A_11, %get3A_12] : memref<1152x512xf32, #tpu.memory_space<vmem>>, vector<1152x512xf32>
    %neg3A = arith.constant 0.000000e+00 : f32
    %neg3A_14 = arith.subf %neg3A, %get3A_2 : f32
    %max3A = vector.broadcast %neg3A_14 : f32 to vector<1152x512xf32>
    %max3A_15 = arith.maximumf %max3A, %get3A_13 : vector<1152x512xf32>
    %min3A = vector.broadcast %get3A_2 : f32 to vector<1152x512xf32>
    %min3A_16 = arith.minimumf %min3A, %max3A_15 : vector<1152x512xf32>
    %get3A_17 = arith.constant 0 : index
    %get3A_18 = memref.load %arg8[%get3A_17] : memref<2xf32, #tpu.memory_space<smem>>
    %reduce_sum3A = vector.shape_cast %min3A_16 : vector<1152x512xf32> to vector<1x1152x512xf32>
    %reduce_sum3A_19 = arith.constant dense<0.000000e+00> : vector<1xf32>
    %reduce_sum3A_20 = vector.multi_reduction <add>, %reduce_sum3A, %reduce_sum3A_19 [1, 2] : vector<1x1152x512xf32> to vector<1xf32>
    %reduce_sum3A_21 = vector.shape_cast %reduce_sum3A_20 : vector<1xf32> to vector<1x1x1xf32>
    %reduce_sum3A_22 = vector.extract %reduce_sum3A_21[0, 0, 0] : f32 from vector<1x1x1xf32>
    %add3A = arith.addf %get3A_18, %reduce_sum3A_22 : f32
    %swap3A = arith.constant 0 : index
    %swap3A_23 = memref.load %arg8[%swap3A] : memref<2xf32, #tpu.memory_space<smem>>
    memref.store %add3A, %arg8[%swap3A] : memref<2xf32, #tpu.memory_space<smem>>
    %get3A_24 = arith.constant 1 : index
    %get3A_25 = memref.load %arg8[%get3A_24] : memref<2xf32, #tpu.memory_space<smem>>
    %mul3A = arith.mulf %min3A_16, %min3A_16 : vector<1152x512xf32>
    %reduce_sum3A_26 = vector.shape_cast %mul3A : vector<1152x512xf32> to vector<1x1152x512xf32>
    %reduce_sum3A_27 = arith.constant dense<0.000000e+00> : vector<1xf32>
    %reduce_sum3A_28 = vector.multi_reduction <add>, %reduce_sum3A_26, %reduce_sum3A_27 [1, 2] : vector<1x1152x512xf32> to vector<1xf32>
    %reduce_sum3A_29 = vector.shape_cast %reduce_sum3A_28 : vector<1xf32> to vector<1x1x1xf32>
    %reduce_sum3A_30 = vector.extract %reduce_sum3A_29[0, 0, 0] : f32 from vector<1x1x1xf32>
    %add3A_31 = arith.addf %get3A_25, %reduce_sum3A_30 : f32
    %swap3A_32 = arith.constant 1 : index
    %swap3A_33 = memref.load %arg8[%swap3A_32] : memref<2xf32, #tpu.memory_space<smem>>
    memref.store %add3A_31, %arg8[%swap3A_32] : memref<2xf32, #tpu.memory_space<smem>>
    %mul3A_34 = vector.broadcast %div3A_10 : f32 to vector<1152x512xf32>
    %mul3A_35 = arith.mulf %min3A_16, %mul3A_34 : vector<1152x512xf32>
    %mul3A_36 = arith.constant -2.653600e+00 : f32
    %mul3A_37 = arith.mulf %reduce_max3A_9, %mul3A_36 : f32
    %broadcast_in_dim3A = vector.broadcast %mul3A_37 : f32 to vector<1152x512xf32>
    %gt3A = arith.constant -2.313550e+00 : f32
    %gt3A_38 = vector.broadcast %gt3A : f32 to vector<1152x512xf32>
    %gt3A_39 = arith.cmpf ogt, %mul3A_35, %gt3A_38 : vector<1152x512xf32>
    %mul3A_40 = arith.constant -1.973500e+00 : f32
    %mul3A_41 = arith.mulf %reduce_max3A_9, %mul3A_40 : f32
    %broadcast_in_dim3A_42 = vector.broadcast %mul3A_41 : f32 to vector<1152x512xf32>
    %select_n3A = arith.select %gt3A_39, %broadcast_in_dim3A_42, %broadcast_in_dim3A : vector<1152x512xi1>, vector<1152x512xf32>
    %gt3A_43 = arith.constant -1.74075007 : f32
    %gt3A_44 = vector.broadcast %gt3A_43 : f32 to vector<1152x512xf32>
    %gt3A_45 = arith.cmpf ogt, %mul3A_35, %gt3A_44 : vector<1152x512xf32>
    %mul3A_46 = arith.constant -1.508000e+00 : f32
    %mul3A_47 = arith.mulf %reduce_max3A_9, %mul3A_46 : f32
    %broadcast_in_dim3A_48 = vector.broadcast %mul3A_47 : f32 to vector<1152x512xf32>
    %select_n3A_49 = arith.select %gt3A_45, %broadcast_in_dim3A_48, %select_n3A : vector<1152x512xi1>, vector<1152x512xf32>
    %gt3A_50 = arith.constant -1.328500e+00 : f32
    %gt3A_51 = vector.broadcast %gt3A_50 : f32 to vector<1152x512xf32>
    %gt3A_52 = arith.cmpf ogt, %mul3A_35, %gt3A_51 : vector<1152x512xf32>
    %mul3A_53 = arith.constant -1.149000e+00 : f32
    %mul3A_54 = arith.mulf %reduce_max3A_9, %mul3A_53 : f32
    %broadcast_in_dim3A_55 = vector.broadcast %mul3A_54 : f32 to vector<1152x512xf32>
    %select_n3A_56 = arith.select %gt3A_52, %broadcast_in_dim3A_55, %select_n3A_49 : vector<1152x512xi1>, vector<1152x512xf32>
    %gt3A_57 = arith.constant -0.991350054 : f32
    %gt3A_58 = vector.broadcast %gt3A_57 : f32 to vector<1152x512xf32>
    %gt3A_59 = arith.cmpf ogt, %mul3A_35, %gt3A_58 : vector<1152x512xf32>
    %mul3A_60 = arith.constant -8.337000e-01 : f32
    %mul3A_61 = arith.mulf %reduce_max3A_9, %mul3A_60 : f32
    %broadcast_in_dim3A_62 = vector.broadcast %mul3A_61 : f32 to vector<1152x512xf32>
    %select_n3A_63 = arith.select %gt3A_59, %broadcast_in_dim3A_62, %select_n3A_56 : vector<1152x512xi1>, vector<1152x512xf32>
    %gt3A_64 = arith.constant -6.888000e-01 : f32
    %gt3A_65 = vector.broadcast %gt3A_64 : f32 to vector<1152x512xf32>
    %gt3A_66 = arith.cmpf ogt, %mul3A_35, %gt3A_65 : vector<1152x512xf32>
    %mul3A_67 = arith.constant -5.439000e-01 : f32
    %mul3A_68 = arith.mulf %reduce_max3A_9, %mul3A_67 : f32
    %broadcast_in_dim3A_69 = vector.broadcast %mul3A_68 : f32 to vector<1152x512xf32>
    %select_n3A_70 = arith.select %gt3A_66, %broadcast_in_dim3A_69, %select_n3A_63 : vector<1152x512xi1>, vector<1152x512xf32>
    %gt3A_71 = arith.constant -4.062500e-01 : f32
    %gt3A_72 = vector.broadcast %gt3A_71 : f32 to vector<1152x512xf32>
    %gt3A_73 = arith.cmpf ogt, %mul3A_35, %gt3A_72 : vector<1152x512xf32>
    %mul3A_74 = arith.constant -2.686000e-01 : f32
    %mul3A_75 = arith.mulf %reduce_max3A_9, %mul3A_74 : f32
    %broadcast_in_dim3A_76 = vector.broadcast %mul3A_75 : f32 to vector<1152x512xf32>
    %select_n3A_77 = arith.select %gt3A_73, %broadcast_in_dim3A_76, %select_n3A_70 : vector<1152x512xi1>, vector<1152x512xf32>
    %gt3A_78 = arith.constant -1.343000e-01 : f32
    %gt3A_79 = vector.broadcast %gt3A_78 : f32 to vector<1152x512xf32>
    %gt3A_80 = arith.cmpf ogt, %mul3A_35, %gt3A_79 : vector<1152x512xf32>
    %mul3A_81 = arith.constant 0.000000e+00 : f32
    %mul3A_82 = arith.mulf %reduce_max3A_9, %mul3A_81 : f32
    %broadcast_in_dim3A_83 = vector.broadcast %mul3A_82 : f32 to vector<1152x512xf32>
    %select_n3A_84 = arith.select %gt3A_80, %broadcast_in_dim3A_83, %select_n3A_77 : vector<1152x512xi1>, vector<1152x512xf32>
    %gt3A_85 = arith.constant 1.151500e-01 : f32
    %gt3A_86 = vector.broadcast %gt3A_85 : f32 to vector<1152x512xf32>
    %gt3A_87 = arith.cmpf ogt, %mul3A_35, %gt3A_86 : vector<1152x512xf32>
    %mul3A_88 = arith.constant 2.303000e-01 : f32
    %mul3A_89 = arith.mulf %reduce_max3A_9, %mul3A_88 : f32
    %broadcast_in_dim3A_90 = vector.broadcast %mul3A_89 : f32 to vector<1152x512xf32>
    %select_n3A_91 = arith.select %gt3A_87, %broadcast_in_dim3A_90, %select_n3A_84 : vector<1152x512xi1>, vector<1152x512xf32>
    %gt3A_92 = arith.constant 3.475500e-01 : f32
    %gt3A_93 = vector.broadcast %gt3A_92 : f32 to vector<1152x512xf32>
    %gt3A_94 = arith.cmpf ogt, %mul3A_35, %gt3A_93 : vector<1152x512xf32>
    %mul3A_95 = arith.constant 4.648000e-01 : f32
    %mul3A_96 = arith.mulf %reduce_max3A_9, %mul3A_95 : f32
    %broadcast_in_dim3A_97 = vector.broadcast %mul3A_96 : f32 to vector<1152x512xf32>
    %select_n3A_98 = arith.select %gt3A_94, %broadcast_in_dim3A_97, %select_n3A_91 : vector<1152x512xi1>, vector<1152x512xf32>
    %gt3A_99 = arith.constant 5.864500e-01 : f32
    %gt3A_100 = vector.broadcast %gt3A_99 : f32 to vector<1152x512xf32>
    %gt3A_101 = arith.cmpf ogt, %mul3A_35, %gt3A_100 : vector<1152x512xf32>
    %mul3A_102 = arith.constant 7.081000e-01 : f32
    %mul3A_103 = arith.mulf %reduce_max3A_9, %mul3A_102 : f32
    %broadcast_in_dim3A_104 = vector.broadcast %mul3A_103 : f32 to vector<1152x512xf32>
    %select_n3A_105 = arith.select %gt3A_101, %broadcast_in_dim3A_104, %select_n3A_98 : vector<1152x512xi1>, vector<1152x512xf32>
    %gt3A_106 = arith.constant 0.837200045 : f32
    %gt3A_107 = vector.broadcast %gt3A_106 : f32 to vector<1152x512xf32>
    %gt3A_108 = arith.cmpf ogt, %mul3A_35, %gt3A_107 : vector<1152x512xf32>
    %mul3A_109 = arith.constant 9.663000e-01 : f32
    %mul3A_110 = arith.mulf %reduce_max3A_9, %mul3A_109 : f32
    %broadcast_in_dim3A_111 = vector.broadcast %mul3A_110 : f32 to vector<1152x512xf32>
    %select_n3A_112 = arith.select %gt3A_108, %broadcast_in_dim3A_111, %select_n3A_105 : vector<1152x512xi1>, vector<1152x512xf32>
    %gt3A_113 = arith.constant 1.107200e+00 : f32
    %gt3A_114 = vector.broadcast %gt3A_113 : f32 to vector<1152x512xf32>
    %gt3A_115 = arith.cmpf ogt, %mul3A_35, %gt3A_114 : vector<1152x512xf32>
    %mul3A_116 = arith.constant 1.248100e+00 : f32
    %mul3A_117 = arith.mulf %reduce_max3A_9, %mul3A_116 : f32
    %broadcast_in_dim3A_118 = vector.broadcast %mul3A_117 : f32 to vector<1152x512xf32>
    %select_n3A_119 = arith.select %gt3A_115, %broadcast_in_dim3A_118, %select_n3A_112 : vector<1152x512xi1>, vector<1152x512xf32>
    %gt3A_120 = arith.constant 1.407850e+00 : f32
    %gt3A_121 = vector.broadcast %gt3A_120 : f32 to vector<1152x512xf32>
    %gt3A_122 = arith.cmpf ogt, %mul3A_35, %gt3A_121 : vector<1152x512xf32>
    %mul3A_123 = arith.constant 1.567600e+00 : f32
    %mul3A_124 = arith.mulf %reduce_max3A_9, %mul3A_123 : f32
    %broadcast_in_dim3A_125 = vector.broadcast %mul3A_124 : f32 to vector<1152x512xf32>
    %select_n3A_126 = arith.select %gt3A_122, %broadcast_in_dim3A_125, %select_n3A_119 : vector<1152x512xi1>, vector<1152x512xf32>
    %gt3A_127 = arith.constant 1.767750e+00 : f32
    %gt3A_128 = vector.broadcast %gt3A_127 : f32 to vector<1152x512xf32>
    %gt3A_129 = arith.cmpf ogt, %mul3A_35, %gt3A_128 : vector<1152x512xf32>
    %mul3A_130 = arith.constant 1.967900e+00 : f32
    %mul3A_131 = arith.mulf %reduce_max3A_9, %mul3A_130 : f32
    %broadcast_in_dim3A_132 = vector.broadcast %mul3A_131 : f32 to vector<1152x512xf32>
    %select_n3A_133 = arith.select %gt3A_129, %broadcast_in_dim3A_132, %select_n3A_126 : vector<1152x512xi1>, vector<1152x512xf32>
    %gt3A_134 = arith.constant 2.308350e+00 : f32
    %gt3A_135 = vector.broadcast %gt3A_134 : f32 to vector<1152x512xf32>
    %gt3A_136 = arith.cmpf ogt, %mul3A_35, %gt3A_135 : vector<1152x512xf32>
    %mul3A_137 = arith.constant 2.648800e+00 : f32
    %mul3A_138 = arith.mulf %reduce_max3A_9, %mul3A_137 : f32
    %broadcast_in_dim3A_139 = vector.broadcast %mul3A_138 : f32 to vector<1152x512xf32>
    %select_n3A_140 = arith.select %gt3A_136, %broadcast_in_dim3A_139, %select_n3A_133 : vector<1152x512xi1>, vector<1152x512xf32>
    %get3A_141 = arith.constant 0 : index
    %get3A_142 = arith.constant 0 : index
    %get3A_143 = vector.load %arg5[%get3A_141, %get3A_142] : memref<1152x512xf32, #tpu.memory_space<vmem>>, vector<1152x512xf32>
    %add3A_144 = arith.addf %get3A_143, %select_n3A_140 : vector<1152x512xf32>
    %swap3A_145 = arith.constant 0 : index
    %swap3A_146 = arith.constant 0 : index
    %swap3A_147 = vector.load %arg6[%swap3A_145, %swap3A_146] : memref<1152x512xf32, #tpu.memory_space<vmem>>, vector<1152x512xf32>
    tpu.vector_store %arg6[%swap3A_145, %swap3A_146], %add3A_144 {strides = array<i32>} : memref<1152x512xf32, #tpu.memory_space<vmem>>, vector<1152x512xf32>,
    %eq3A_148 = arith.constant 3 : i32
    %eq3A_149 = arith.cmpi eq, %arg0, %eq3A_148 : i32
    %convert_element_type3A_150 = arith.extui %eq3A_149 : i1 to i32
    %cond3A_151 = arith.constant 0 : i32
    %cond3A_152 = arith.cmpi ne, %convert_element_type3A_150, %cond3A_151 : i32
    scf.if %cond3A_152 {
      %get3A_153 = arith.constant 1 : index
      %get3A_154 = memref.load %arg8[%get3A_153] : memref<2xf32, #tpu.memory_space<smem>>
      %get3A_155 = arith.constant 0 : index
      %get3A_156 = memref.load %arg8[%get3A_155] : memref<2xf32, #tpu.memory_space<smem>>
      %get3A_157 = arith.constant 0 : index
      %get3A_158 = memref.load %arg8[%get3A_157] : memref<2xf32, #tpu.memory_space<smem>>
      %mul3A_159 = arith.mulf %get3A_156, %get3A_158 : f32
      %div3A_160 = arith.constant 0x4A100000 : f32
      %div3A_161 = arith.divf %mul3A_159, %div3A_160 : f32
      %sub3A = arith.subf %get3A_154, %div3A_161 : f32
      %sub3A_162 = arith.constant 0x4A100000 : f32
      %sub3A_163 = arith.constant 1.000000e+00 : f32
      %sub3A_164 = arith.subf %sub3A_162, %sub3A_163 : f32
      %div3A_165 = arith.divf %sub3A, %sub3A_164 : f32
      %sqrt3A = math.sqrt %div3A_165 : f32
      %broadcast_in_dim3A_166 = vector.broadcast %sqrt3A : f32 to vector<1x1xf32>
      %swap3A_167 = arith.constant 0 : index
      %swap3A_168 = arith.constant 0 : index
      %swap3A_169 = vector.load %arg7[%swap3A_167, %swap3A_168] : memref<1x1xf32, #tpu.memory_space<vmem>>, vector<1x1xf32>
      tpu.vector_store %arg7[%swap3A_167, %swap3A_168], %broadcast_in_dim3A_166 {strides = array<i32>} : memref<1x1xf32, #tpu.memory_space<vmem>>, vector<1x1xf32>,
    } else {
    }
    return
  }
  func.func @transform_0(%arg0: i32) -> (i32, i32, i32) {
    %c0_i32 = arith.constant 0 : i32
    %c0_i32_0 = arith.constant 0 : i32
    %c0_i32_1 = arith.constant 0 : i32
    %c0_i32_2 = arith.constant 0 : i32
    return %c0_i32, %c0_i32_0, %c0_i32_1 : i32, i32, i32
  }
  func.func @transform_1(%arg0: i32) -> (i32, i32) {
    %c0_i32 = arith.constant 0 : i32
    %c0_i32_0 = arith.constant 0 : i32
    %c0_i32_1 = arith.constant 0 : i32
    return %c0_i32, %c0_i32_0 : i32, i32
  }
  func.func @transform_2(%arg0: i32) -> (i32, i32) {
    %c0_i32 = arith.constant 0 : i32
    %c0_i32_0 = arith.constant 0 : i32
    %c0_i32_1 = arith.constant 0 : i32
    return %c0_i32, %c0_i32_0 : i32, i32
  }
  func.func @transform_3(%arg0: i32) -> (i32, i32) {
    %c0_i32 = arith.constant 0 : i32
    %c0_i32_0 = arith.constant 0 : i32
    return %arg0, %c0_i32 : i32, i32
  }
  func.func @transform_4(%arg0: i32) -> (i32, i32) {
    %c0_i32 = arith.constant 0 : i32
    %c0_i32_0 = arith.constant 0 : i32
    return %arg0, %c0_i32 : i32, i32
  }
  func.func @transform_5(%arg0: i32) -> (i32, i32) {
    %c0_i32 = arith.constant 0 : i32
    %c0_i32_0 = arith.constant 0 : i32
    return %arg0, %c0_i32 : i32, i32
  }
  func.func @transform_6(%arg0: i32) -> (i32, i32) {
    %c0_i32 = arith.constant 0 : i32
    %c0_i32_0 = arith.constant 0 : i32
    %c0_i32_1 = arith.constant 0 : i32
    return %c0_i32, %c0_i32_0 : i32, i32
  }
}

</mosaic_0001>

<sc_bundles>
// kernel: kernel.6.cloned.1.call-start
scs
__scs_entry_jumppad:
0x0: {  	(pc) =	sbr.rel $0x88, $3  }
0x1: {  	(tag) =	ssettag $0x0;
	lr =	simm.s32 $0x1  }
0x2: {  	[smem:$0x3F9E] =	sst lr;
	_ =	strace $0xD0000000  }
0x3: {  	_ = 	snop  }
0x4: {  	_ = 	snop  }
0x5: {  	_ = 	snop  }
0x6: {  	_ = 	snop  }
0x7: {  	_ = 	snop  }
__scs_overlays_trampoline_lowered:
0x8: {  	[smem:$0x3FAD] =	sst s0  }
0x9: {  	[smem:$0x3FAE] =	sst s1  }
0xa: {  	[smem:$0x3FAF] =	sst s2  }
0xb: {  	[smem:$0x3FB0] =	sst s3  }
0xc: {  	[smem:$0x3FB1] =	sst s4  }
0xd: {  	[smem:$0x3FB2] =	sst s5  }
0xe: {  	[smem:$0x3FB3] =	sst s6  }
0xf: {  	[smem:$0x3FB4] =	sst s7  }
0x10: {  	[smem:$0x3FB5] =	sst s8  }
0x11: {  	[smem:$0x3FB6] =	sst s9;
	s0 =	simm.s32 @!p0 $0x0  }
0x12: {  	s1 =	sld [smem:$0x3F9C];
	s0 =	simm.s32 @p0 $0x1  }
0x13: {  	[smem:$0x3FB7] =	sst s0;
	s0 =	simm.s32 @!p1 $0x0  }
0x14: {  	s2 =	sld [smem:$0x3F9B];
	s0 =	simm.s32 @p1 $0x1  }
0x15: {  	[smem:$0x3FB8] =	sst s0;
	s0 =	simm.s32 @!p2 $0x0  }
0x16: {  	s3 =	sld [smem:$0x3FDB];
	s0 =	simm.s32 @p2 $0x1  }
0x17: {  	s4 =	simm.s32 $0x1BF5;
	[smem:$0x3FBA] =	sst s0  }
0x18: {  	s0 =	sld [smem:$0x3F9D];
	_ =	swait.ge [sflag:s4], $0x0  }
0x19: {  	s7 =	sld [smem:$0x3F9E]  }
0x1a: {  	s8 =	sadd.s32 $0xFFFFE003, lr  }
0x1b: {  	s9 =	sadd.s32 $0xFFFFFEF7, lr;
	s5 =	simm.s32 $0xFFFFFFFF;
	p2 =	slt.u32 s8, $0xFFFFF086  }
0x1c: {  	p1 =	slt.u32 s9, $0xF7A;
	s5 =	simm.s32 @!p2 $0x0  }
0x1d: {  	s5 =	simm.s32 @p1 $0x1;
	p0 =	seq.s32 s7, s2  }
0x1e: {  	s7 =	smul.u32 @!p0 $0xF7A, s2;
	p2 =	seq.s32 @!p0 s5, $0x0  }
0x1f: {  	s9 =	smul.u32 $0xF7A, s1;
	s8 =	simm.s32 @!p0 $0x1BF5;
	p2 =	por !p2, p0  }
0x20: {  	[sflag:s8] =	ssyncset.s32 @!p0 $0xFFFFF086;
	s6 =	sadd.s32 @!p0 s3, s7;
	s7 =	simm.s32 @!p0 $0x108  }
0x21: {  	s3 =	sadd.s32 s3, s9;
	s6 =	sadd.s32 @!p0 $0x88, s6;
	s7 =	simm.s32 @p2 $0x1082  }
0x22: {  	[simem:s7], [sflag:s8] =	dma.local @!p0 [hbm:s6], $0xF7A  }
0x23: {  	s9 =	sor.u32 $0xD0000000, s2;
	s6 =	simm.s32 $0x108;
	_ =	swait.ge @!p0 [sflag:s8], $0x0  }
0x24: {  	s3 =	sadd.s32 $0x88, s3;
	s6 =	simm.s32 @!p1 $0x1082;
	[sflag:s4] =	ssyncset.s32 $0xFFFFF086  }
0x25: {  	[simem:s6], [sflag:s4] =	dma.local [hbm:s3], $0xF7A  }
0x26: {  	[smem:$0x3F9E] =	sst s1;
	(tag) =	ssettag s2;
	_ =	strace s9  }
0x27: {  	s1 =	sld [smem:$0x3FAE]  }
0x28: {  	s2 =	sld [smem:$0x3FAF]  }
0x29: {  	s4 =	sld [smem:$0x3FB1]  }
0x2a: {  	p0 =	seq.s32 s5, $0x0;
	s5 =	sld [smem:$0x3FB2]  }
0x2b: {  	s6 =	sld [smem:$0x3FB3]  }
0x2c: {  	s7 =	sld [smem:$0x3FB4]  }
0x2d: {  	s3 =	simm.s32 $0x108;
	s8 =	sld [smem:$0x3FB5]  }
0x2e: {  	s3 =	simm.s32 @!p0 $0x1082;
	s9 =	sld [smem:$0x3FB6]  }
0x2f: {  	lr =	sadd.s32 s0, s3;
	s0 =	sld [smem:$0x3FAD]  }
0x30: {  	s3 =	sld [smem:$0x3FB0]  }
0x31: {  	[smem:$0x3FB9] =	sst s10  }
0x32: {  	s10 =	sld [smem:$0x3FB7];
	_ =	sdelay $0x3  }
0x33: {  	p0 =	seq.s32 s10, $0x1;
	s10 =	sld [smem:$0x3FB9];
	_ =	sdelay $0x3  }
0x34: {  	[smem:$0x3FB9] =	sst s10  }
0x35: {  	s10 =	sld [smem:$0x3FB8];
	_ =	sdelay $0x3  }
0x36: {  	p1 =	seq.s32 s10, $0x1;
	s10 =	sld [smem:$0x3FB9];
	_ =	sdelay $0x3  }
0x37: {  	[smem:$0x3FB9] =	sst s10  }
0x38: {  	s10 =	sld [smem:$0x3FBA]  }
0x39: {  	_ = 	snop;
	(pc) =	sbr.ind lr, $3  }
0x3a: {  	_ = 	snop  }
0x3b: {  	_ = 	snop  }
0x3c: {  	p2 =	seq.s32 s10, $0x1;
	s10 =	sld [smem:$0x3FB9]  }
0x3d: {  	_ =	shalt  }
0x3e: {  	_ =	shalt  }
0x3f: {  	_ =	shalt  }
0x40: {  	_ =	shalt  }
0x41: {  	_ =	shalt  }
0x42: {  	_ =	shalt  }
0x43: {  	_ =	shalt  }
0x44: {  	_ =	shalt  }
0x45: {  	_ =	shalt  }
0x46: {  	_ =	shalt  }
0x47: {  	_ =	shalt  }
0x48: {  	_ =	shalt  }
0x49: {  	_ =	shalt  }
0x4a: {  	_ =	shalt  }
0x4b: {  	_ =	shalt  }
0x4c: {  	_ =	shalt  }
0x4d: {  	_ =	shalt  }
0x4e: {  	_ =	shalt  }
0x4f: {  	_ =	shalt  }
0x50: {  	_ =	shalt  }
0x51: {  	_ =	shalt  }
0x52: {  	_ =	shalt  }
0x53: {  	_ =	shalt  }
0x54: {  	_ =	shalt  }
0x55: {  	_ =	shalt  }
0x56: {  	_ =	shalt  }
0x57: {  	_ =	shalt  }
0x58: {  	_ =	shalt  }
0x59: {  	_ =	shalt  }
0x5a: {  	_ =	shalt  }
0x5b: {  	_ =	shalt  }
0x5c: {  	_ =	shalt  }
0x5d: {  	_ =	shalt  }
0x5e: {  	_ =	shalt  }
0x5f: {  	_ =	shalt  }
0x60: {  	_ =	shalt  }
0x61: {  	_ =	shalt  }
0x62: {  	_ =	shalt  }
0x63: {  	_ =	shalt  }
0x64: {  	_ =	shalt  }
0x65: {  	_ =	shalt  }
0x66: {  	_ =	shalt  }
0x67: {  	_ =	shalt  }
0x68: {  	_ =	shalt  }
0x69: {  	_ =	shalt  }
0x6a: {  	_ =	shalt  }
0x6b: {  	_ =	shalt  }
0x6c: {  	_ =	shalt  }
0x6d: {  	_ =	shalt  }
0x6e: {  	_ =	shalt  }
0x6f: {  	_ =	shalt  }
0x70: {  	_ =	shalt  }
0x71: {  	_ =	shalt  }
0x72: {  	_ =	shalt  }
0x73: {  	_ =	shalt  }
0x74: {  	_ =	shalt  }
0x75: {  	_ =	shalt  }
0x76: {  	_ =	shalt  }
0x77: {  	_ =	shalt  }
0x78: {  	_ =	shalt  }
0x79: {  	_ =	shalt  }
0x7a: {  	_ =	shalt  }
0x7b: {  	_ =	shalt  }
0x7c: {  	_ =	shalt  }
0x7d: {  	_ =	shalt  }
0x7e: {  	_ =	shalt  }
0x7f: {  	_ =	shalt  }
0x80: {  	_ =	shalt  }
0x81: {  	_ =	shalt  }
0x82: {  	_ =	shalt  }
0x83: {  	_ =	shalt  }
0x84: {  	_ =	shalt  }
0x85: {  	_ =	shalt  }
0x86: {  	_ =	shalt  }
0x87: {  	_ =	shalt  }
.Lfunc_end0:
.L_simem_size_0:
called_computation_lowered:
.L_overlay_start_0:
0x88: {  	s2 =	sld [smem:$0x3FD9]  }
0x89: {  	s3 =	sld [smem:$0x3FFE];
	_ =	sdelay $0x1  }
0x8a: {  	s1 =	srdreg.scid  }
0x8b: {  	s0 =	sand.u32 $0x1, s1  }
0x8c: {  	s14 =	sshll.u32 s0, $0xA;
	s2 =	sadd.s32 s3, s2  }
0x8d: {  	s2 =	sadd.s32 s2, s14  }
0x8e: {  	[smem:$0x3FC5] =	sst s2  }
0x8f: {  	_ = 	snop  }
0x90: {  	s2 =	sld [smem:$0x3FD0];
	_ =	sdelay $0x1  }
0x91: {  	s15 =	sld [smem:$0x3FC9]  }
0x92: {  	s5 =	simm.s32 $0xA;
	s6 =	simm.s32 $0x10;
	s4 =	sld [smem:$0x3FC8]  }
0x93: {  	[smem:s6], [sflag:s5] =	dma.local [hbm:s2], $0x1  }
0x94: {  	_ =	swait.eq [sflag:s5], $0x1  }
0x95: {  	[sflag:s5] =	ssyncset.done $0x0  }
0x96: {  	[sflag:s5] =	ssyncadd.s32 $0xFFFFFFFF  }
0x97: {  	s16 =	sld [smem:$0x10];
	(tm) =	ssettm $0x1  }
0x98: {  	s17 =	sld [smem:$0x3FFB];
	_ =	sdelay $0x3  }
0x99: {  	_ =	strace s17  }
0x9a: {  	s5 =	sld [smem:$0x3FFC];
	_ =	sdelay $0x3  }
0x9b: {  	_ =	strace s5  }
0x9c: {  	s5 =	sld [smem:$0x3FFD];
	_ =	sdelay $0x3  }
0x9d: {  	_ =	strace s5  }
0x9e: {  	_ =	strace $0x8FFFFFFF  }
0x9f: {  	s18 =	sld [smem:$0x3FDB];
	_ =	sdelay $0x1  }
0xa0: {  	s19 =	simm.s32 $_scs_section_size  }
0xa1: {  	s7 =	simm.s32 $_size__tile_overlayer_lowered;
	s8 =	simm.s32 $_tile_overlayer_lowered  }
0xa2: {  	s22 =	simm.s32 $0x1BFF;
	s21 =	sshll.u32 s8, $0x1;
	s5 =	sadd.s32 s19, s18  }
0xa3: {  	s9 =	simm.s32 $0x0;
	s20 =	sshll.u32 s7, $0x1;
	s7 =	sadd.s32 s21, s5  }
0xa4: {  	[timem:s9], [sflag:s22] =	dma.local [hbm:s7], s20  }
0xa5: {  	_ =	swait.ge [sflag:s22], s20  }
0xa6: {  	s6 =	ssub.s32 $0x0, s20;
	[sflag:s22] =	ssyncset.done $0x0  }
0xa7: {  	[sflag:s22] =	ssyncadd.s32 s6;
	_ =	sdelay $0x1  }
0xa8: {  	s23 =	simm.s32 $0x1B8B  }
0xa9: {  	_ =	swait.ge [sflag:s23], $0x1  }
0xaa: {  	[sflag:s23] =	ssyncset.done $0x0  }
0xab: {  	s25 =	simm.s32 $0x1B8E;
	s24 =	sld [smem:$0x3FFE];
	[sflag:s23] =	ssyncadd.s32 $0xFFFFFFFF  }
0xac: {  	s26 =	simm.s32 $execute0_lowered;
	[smem:$0x3FD2] =	sst s25  }
0xad: {  	s7 =	sshll.u32 s26, $0x1;
	_ =	strace $0x80000046;
	[dreg:$0x1] =	wrdreg $0xFFFFFFFF  }
0xae: {  	s28 =	simm.s32 $_size_execute0_lowered;
	s5 =	sadd.s32 s5, s7;
	[dreg:$0x0] =	wrdreg $0x0  }
0xaf: {  	s7 =	sshll.u32 s28, $0x1;
	[dreg:$0x2] =	wrdreg s5  }
0xb0: {  	[dreg:$0x3] =	wrdreg s7  }
0xb1: {  	[dreg:$0x4] =	wrdreg $0xC0  }
0xb2: {  	_ =	task [dreg:s9], $0x5FFFF  }
0xb3: {  	[dreg:$0x1] =	wrdreg $0xFFFFFFFF  }
0xb4: {  	[dreg:$0x0] =	wrdreg $0x60  }
0xb5: {  	[dreg:$0x2] =	wrdreg s15  }
0xb6: {  	[dreg:$0x3] =	wrdreg s4  }
0xb7: {  	[dreg:$0x4] =	wrdreg s24  }
0xb8: {  	[dreg:$0x5] =	wrdreg s16  }
0xb9: {  	[dreg:$0x6] =	wrdreg $0x9  }
0xba: {  	_ =	task.clear_ibuf [dreg:s9], $0x7FFFF;
	_ =	strace $0x90000046  }
0xbb: {  	s29 =	simm.s32 $0x9;
	_ =	strace $0x80000048  }
0xbc: {  	_ =	swait.ge [sflag:s29], $0x1  }
0xbd: {  	[sflag:s29] =	ssyncadd.s32 $0xFFFFFFFF  }
0xbe: {  	_ =	strace $0x90000048  }
0xbf: {  	_ =	sfence  }
0xc0: {  	s30 =	sld [smem:$0x0];
	_ =	sdelay $0x2  }
0xc1: {  	s31 =	sshll.u32 s1, $0xD;
	s1 =	sshrl.u32 s1, $0x2  }
0xc2: {  	s3 =	sand.u32 $0x4000, s31;
	s1 =	sadd.s32 s1, s30  }
0xc3: {  	s0 =	sor.u32 s3, s0;
	s1 =	sshll.u32 s1, $0x11  }
0xc4: {  	s0 =	sor.u32 s1, s0  }
0xc5: {  	s0 =	sadd.s32 $0x8F2B, s0  }
0xc6: {  	[sflag:s0] =	ssyncadd.remote.s32 $0x1  }
0xc7: {  	_ =	sfence.sel $0xFFFF  }
0xc8: {  	[dreg:$0x0] =	wrdreg $0xFFFFFFFF;
	(pc) =	sbr.abs _section_cstart, $3  }
0xc9: {  	[dreg:$0x1] =	wrdreg $0xFFFFFFFF  }
0xca: {  	_ =	task.clear_ibuf [dreg:s9], $0x2FFFF;
	_ =	strace $0x9FFFFFFF  }
0xcb: {  	(tm) =	ssettm $0x7FFFFFFF  }
tec
execute0_lowered:
.L_overlay_start_1:
0x0: {  	(tag) =	ssettag $0x1  }
0x1: {  	s1 =	srdreg.scid;
	s5 =	stileid.u32  }
0x2: {  	s4 =	sand.u32 $0x1, s1;
	s5 =	sshll.u32 s5, $0x1  }
0x3: {  	s0 =	rddreg [dreg:$0x0];
	s5 =	sor.u32 s4, s5  }
0x4: {  	s2 =	rddreg [dreg:$0x1];
	s7 =	smul.u32 $0x12000, s5  }
0x5: {  	s3 =	rddreg [dreg:$0x2];
	s8 =	sshll.u32 s5, $0xC;
	s5 =	smul.u32 $0x2400, s5  }
0x6: {  	s6 =	rddreg [dreg:$0x3];
	s1 =	simm.s32 $0x0  }
0x7: {  	[smem:$0x7FF] =	sst s1;
	s19 =	sadd.s32 s0, s5  }
0x8: {  	s7 =	sshrl.u32 s7, $0x3;
	s9 =	sadd.s32 s2, s5;
	[dreg:$0x5] =	wrdreg s19  }
0x9: {  	s5 =	sadd.s32 s6, s5;
	s20 =	sadd.s32 $0x400, s7;
	[dreg:$0x6] =	wrdreg s9  }
0xa: {  	[dreg:$0x9] =	wrdreg s5;
	s21 =	sadd.s32 s0, s20  }
0xb: {  	s22 =	sadd.s32 $0x800, s7;
	s10 =	sadd.s32 s2, s20;
	[dreg:$0x7] =	wrdreg s21  }
0xc: {  	s4 =	ssub.s32 $0x2, s4;
	s23 =	sadd.s32 s0, s22;
	[dreg:$0x8] =	wrdreg s10  }
0xd: {  	s18 =	sshrl.u32 s4, $0x1;
	s24 =	sadd.s32 s2, s22;
	[dreg:$0xa] =	wrdreg s23  }
0xe: {  	s26 =	sadd.s32 $0xC00, s7;
	s25 =	sadd.s32 s6, s20;
	[dreg:$0xb] =	wrdreg s24  }
0xf: {  	s3 =	sadd.s32 s8, s3;
	s11 =	sadd.s32 s2, s26;
	[dreg:$0xc] =	wrdreg s25  }
0x10: {  	s12 =	sadd.s32 $0x1000, s7;
	s9 =	sadd.s32 s6, s22;
	[dreg:$0xe] =	wrdreg s11  }
0x11: {  	s4 =	ssub.s32 s4, s18;
	s13 =	sadd.s32 s0, s12;
	[dreg:$0xf] =	wrdreg s9  }
0x12: {  	s8 =	simm.s32 $0xA000;
	s15 =	sadd.s32 s2, s12;
	[dreg:$0x10] =	wrdreg s13  }
0x13: {  	s14 =	sadd.s32 $0x1400, s7;
	s5 =	sadd.s32 s6, s26;
	[dreg:$0x11] =	wrdreg s15  }
0x14: {  	s31 =	sadd.s32 $0x2200, s3;
	s16 =	sadd.s32 s0, s14;
	[dreg:$0x12] =	wrdreg s5  }
0x15: {  	s3 =	simm.s32 $0x6000;
	s17 =	sadd.s32 s2, s14;
	[dreg:$0x13] =	wrdreg s16  }
0x16: {  	s19 =	sadd.s32 $0x1800, s7;
	s18 =	sadd.s32 s6, s12;
	[dreg:$0x14] =	wrdreg s17  }
0x17: {  	s22 =	sadd.s32 s6, s14;
	s20 =	sadd.s32 s0, s19;
	[dreg:$0x15] =	wrdreg s18  }
0x18: {  	s10 =	sadd.s32 s0, s26;
	[dreg:$0x16] =	wrdreg s22;
	s21 =	sadd.s32 s2, s19  }
0x19: {  	s22 =	sadd.s32 s6, s19;
	s23 =	sadd.s32 $0x1C00, s7;
	s7 =	sadd.s32 $0x2000, s7  }
0x1a: {  	s5 =	simm.s32 $0xC000;
	s9 =	simm.s32 $0x3;
	s11 =	simm.s32 $0x0  }
0x1b: {  	[dreg:$0xd] =	wrdreg s10;
	s24 =	sadd.s32 s0, s23;
	s25 =	sadd.s32 s0, s7  }
0x1c: {  	s26 =	sadd.s32 s2, s23;
	s28 =	sadd.s32 s2, s7;
	s29 =	sadd.s32 s6, s23  }
0x1d: {  	s30 =	sadd.s32 s6, s7;
	s23 =	smax.u32 s4, $0x1;
	s0 =	simm.s32 $0x2000  }
0x1e: {  	s2 =	simm.s32 $0x4000;
	s4 =	simm.s32 $0x1;
	s6 =	simm.s32 $0x8000  }
0x1f: {  	v0 =	vimm.s32 $0x0;
	v1 =	vimm.s32 $0x1;
	s7 =	simm.s32 $0x2;
	s10 =	simm.s32 $0x4;
	_ =	strace $0x80000047  }
.LBB2_1:
0x20: {  	s12 =	rddreg [dreg:$0x5]  }
0x21: {  	[tilespmem:s1], [sflag:$0x1] =	stream.linear.gather [hbm4b:s12+s1], $0x2000, $0x38;
	[tilespmem:$0x14000] =	vst v63  }
0x22: {  	s19 =	rddreg [dreg:$0x6];
	s12 =	simm.s32 $0xC040  }
0x23: {  	[tilespmem:s0], [sflag:$0x1] =	stream.linear.gather [hbm4b:s19+s1], $0x2000, $0x38;
	[tilespmem:$0x14000] =	vst v63  }
0x24: {  	[tilespmem:s12+$0xFFFFFFC0] =	vst v0  }
0x25: {  	[tilespmem:s12+$0x30] =	vst v0  }
0x26: {  	[tilespmem:s12+$0x20] =	vst v0  }
0x27: {  	[tilespmem:s12+$0x10] =	vst v0  }
0x28: {  	[tilespmem:s12+$0x0] =	vst v0  }
0x29: {  	[tilespmem:s12+$0xFFFFFFF0] =	vst v0  }
0x2a: {  	s13 =	simm.s32 $0x0;
	[tilespmem:s12+$0xFFFFFFE0] =	vst v0  }
.LBB2_2:
0x2b: {  	s13 =	sadd.s32 $0x8, s13;
	[tilespmem:s12+$0xFFFFFFD0] =	vst v0;
	s12 =	sadd.s32 $0x80, s12  }
0x2c: {  	[tilespmem:s12+$0xFFFFFFC0] =	vst v0;
	p0 =	slt.u32 s13, $0x7F8  }
0x2d: {  	[tilespmem:s12+$0x30] =	vst v0  }
.Ltmp0:
0x2e: {  	[tilespmem:s12+$0x20] =	vst v0;
	(pc) =	sbr.rel @p0 .LBB2_2-.Ltmp0, $4  }
0x2f: {  	[tilespmem:s12+$0x10] =	vst v0  }
0x30: {  	[tilespmem:s12+$0x0] =	vst v0  }
0x31: {  	[tilespmem:s12+$0xFFFFFFF0] =	vst v0  }
0x32: {  	[tilespmem:s12+$0xFFFFFFE0] =	vst v0  }
0x33: {  	[tilespmem:s12+$0xFFFFFFD0] =	vst v0  }
0x34: {  	s19 =	simm.s32 $0x0;
	s13 =	rddreg [dreg:$0x7]  }
0x35: {  	[tilespmem:s2], [sflag:$0x2] =	stream.linear.gather [hbm4b:s13+s19], $0x2000, $0x38;
	[tilespmem:$0x14000] =	vst v63  }
0x36: {  	s15 =	rddreg [dreg:$0x8]  }
0x37: {  	[tilespmem:s3], [sflag:$0x2] =	stream.linear.gather [hbm4b:s15+s19], $0x2000, $0x38;
	[tilespmem:$0x14000] =	vst v63  }
0x38: {  	_ =	swait.ge [sflag:s4], $0x2000  }
0x39: {  	[sflag:s4] =	ssyncset.done $0x0  }
0x3a: {  	s16 =	sand.u32 $0x1000, s19;
	s14 =	sand.u32 $0xC00, s19;
	[sflag:s4] =	ssyncadd.s32 $0xFFFFE000  }
0x3b: {  	s17 =	sand.u32 $0x380, s19;
	s13 =	sor.u32 s14, s16;
	_ =	swait.ge [sflag:s4], $0x2000  }
0x3c: {  	s12 =	sand.u32 $0x40, s19;
	s13 =	sor.u32 s17, s13;
	[sflag:s4] =	ssyncset.done $0x0  }
0x3d: {  	s14 =	sor.u32 s12, s13;
	[sflag:s4] =	ssyncadd.s32 $0xFFFFE000  }
0x3e: {  	v5 =	vld [tilespmem:s14+$0x2030]  }
0x3f: {  	v2 =	vld [tilespmem:s14+$0x2010]  }
0x40: {  	v3 =	vld [tilespmem:s14+$0x10]  }
0x41: {  	v7 =	vld [tilespmem:s14+$0x2000]  }
0x42: {  	s18 =	simm.s32 $0x200;
	s15 =	simm.s32 $0x40;
	v8 =	vld [tilespmem:s14+$0x0]  }
0x43: {  	s12 =	sand.u32 $0xC00, s18;
	s13 =	simm.s32 $0x10;
	s16 =	sand.u32 $0x1000, s15;
	v6 =	vld [tilespmem:s14+$0x30]  }
0x44: {  	s19 =	sand.u32 $0x380, s13;
	s12 =	sor.u32 s12, s16;
	v9 =	vld [tilespmem:s14+$0x2020]  }
0x45: {  	s15 =	sand.u32 $0x40, s15;
	s12 =	sor.u32 s19, s12;
	v11 =	vld [tilespmem:s14+$0x20]  }
0x46: {  	s12 =	sor.u32 s15, s12;
	v10 =	vsub.f32 v3, v2  }
0x47: {  	v4 =	vld [tilespmem:s12+$0x30];
	v7 =	vsub.f32 v8, v7  }
0x48: {  	v2 =	vld [tilespmem:s12+$0x2030];
	v12 =	vand.u32 $0x7FFFFFFF, v10;
	[tilespmem:s14+$0x8010] =	vst v10  }
0x49: {  	v3 =	vld [tilespmem:s12+$0x2020];
	v10 =	vsub.f32 v6, v5;
	[tilespmem:s14+$0x8000] =	vst v7;
	v7 =	vand.u32 $0x7FFFFFFF, v7;
	v12 =	vshrl.u32 v12, $0x10  }
0x4a: {  	v9 =	vsub.f32 v11, v9;
	v8 =	vld [tilespmem:s12+$0x10];
	v11 =	vshrl.u32 v7, $0x10  }
0x4b: {  	v5 =	vld [tilespmem:s12+$0x2010];
	v13 =	vand.u32 $0x7FFFFFFF, v10  }
0x4c: {  	v6 =	vld [tilespmem:s12+$0x2000];
	[tilespmem:s14+$0x8020] =	vst v9;
	v9 =	vand.u32 $0x7FFFFFFF, v9;
	v7 =	vshrl.u32 v13, $0x10  }
0x4d: {  	v9 =	vshrl.u32 v9, $0x10;
	[tilespmem:s14+$0x8030] =	vst v10;
	v10 =	vld [tilespmem:s12+$0x0]  }
0x4e: {  	s16 =	simm.s32 $0x80;
	s15 =	simm.s32 $0x400;
	s14 =	simm.s32 $0x4;
	[tilespmem:v12+s5+$0x0] =	vst.idx.add.s32.msk $0xffff, v1  }
.LBB2_4:
0x4f: {  	s17 =	sand.u32 $0x1000, s16;
	s18 =	sand.u32 $0xC00, s15;
	s13 =	sadd.s32 $0x10, s13;
	[tilespmem:v11+s5+$0x0] =	vst.idx.add.s32.msk $0xffff, v1  }
0x50: {  	s14 =	sadd.s32 $0x4, s14;
	s17 =	sor.u32 s18, s17;
	s18 =	sand.u32 $0x380, s13;
	v5 =	vsub.f32 v8, v5;
	v8 =	vld [tilespmem:s12+$0x20]  }
0x51: {  	s19 =	sand.u32 $0x40, s16;
	p0 =	slt.u32 s14, $0x1FC;
	s17 =	sor.u32 s18, s17;
	[tilespmem:v7+s5+$0x0] =	vst.idx.add.s32.msk $0xffff, v1  }
0x52: {  	s17 =	sor.u32 s19, s17;
	v6 =	vsub.f32 v10, v6;
	v7 =	vand.u32 $0x7FFFFFFF, v5;
	[tilespmem:v9+s5+$0x0] =	vst.idx.add.s32.msk $0xffff, v1  }
0x53: {  	[tilespmem:s12+$0x8010] =	vst v5;
	v5 =	vsub.f32 v4, v2;
	v2 =	vld [tilespmem:s17+$0x2030]  }
0x54: {  	v4 =	vld [tilespmem:s17+$0x30];
	[tilespmem:s12+$0x8000] =	vst v6;
	v6 =	vand.u32 $0x7FFFFFFF, v6  }
0x55: {  	v12 =	vshrl.u32 v7, $0x10;
	v9 =	vsub.f32 v8, v3;
	v3 =	vld [tilespmem:s17+$0x2020];
	[tilespmem:s12+$0x8030] =	vst v5;
	v7 =	vand.u32 $0x7FFFFFFF, v5  }
.Ltmp1:
0x56: {  	v11 =	vshrl.u32 v6, $0x10;
	v5 =	vld [tilespmem:s17+$0x2010];
	v7 =	vshrl.u32 v7, $0x10;
	(pc) =	sbr.rel @p0 .LBB2_4-.Ltmp1, $4  }
0x57: {  	v8 =	vld [tilespmem:s17+$0x10];
	[tilespmem:s12+$0x8020] =	vst v9;
	v9 =	vand.u32 $0x7FFFFFFF, v9;
	s12 =	smov.u32 s17  }
0x58: {  	v6 =	vld [tilespmem:s12+$0x2000];
	v9 =	vshrl.u32 v9, $0x10  }
0x59: {  	v10 =	vld [tilespmem:s12+$0x0]  }
0x5a: {  	s15 =	sadd.s32 $0x200, s15;
	s16 =	sadd.s32 $0x40, s16;
	[tilespmem:v12+s5+$0x0] =	vst.idx.add.s32.msk $0xffff, v1  }
0x5b: {  	_ = 	snop  }
0x5c: {  	v12 =	vld [tilespmem:s12+$0x20];
	_ =	sdelay $0x1  }
0x5d: {  	v5 =	vsub.f32 v8, v5  }
0x5e: {  	[tilespmem:v11+s5+$0x0] =	vst.idx.add.s32.msk $0xffff, v1;
	v2 =	vsub.f32 v4, v2  }
0x5f: {  	[tilespmem:v7+s5+$0x0] =	vst.idx.add.s32.msk $0xffff, v1;
	v6 =	vsub.f32 v10, v6;
	v7 =	vand.u32 $0x7FFFFFFF, v5  }
0x60: {  	[tilespmem:s12+$0x8010] =	vst v5;
	v5 =	vand.u32 $0x7FFFFFFF, v2;
	v7 =	vshrl.u32 v7, $0x10;
	v3 =	vsub.f32 v12, v3  }
0x61: {  	[tilespmem:v9+s5+$0x0] =	vst.idx.add.s32.msk $0xffff, v1;
	v5 =	vshrl.u32 v5, $0x10;
	v4 =	vand.u32 $0x7FFFFFFF, v6  }
0x62: {  	[tilespmem:s12+$0x8000] =	vst v6;
	v4 =	vshrl.u32 v4, $0x10;
	v6 =	vand.u32 $0x7FFFFFFF, v3  }
0x63: {  	[tilespmem:s12+$0x8030] =	vst v2;
	v2 =	vshrl.u32 v6, $0x10  }
0x64: {  	[tilespmem:s12+$0x8020] =	vst v3  }
0x65: {  	[tilespmem:v7+s5+$0x0] =	vst.idx.add.s32.msk $0xffff, v1  }
0x66: {  	[tilespmem:v5+s5+$0x0] =	vst.idx.add.s32.msk $0xffff, v1  }
0x67: {  	[tilespmem:v4+s5+$0x0] =	vst.idx.add.s32.msk $0xffff, v1  }
0x68: {  	[tilespmem:v2+s5+$0x0] =	vst.idx.add.s32.msk $0xffff, v1  }
0x69: {  	s19 =	simm.s32 $0x0;
	s13 =	rddreg [dreg:$0x9]  }
0x6a: {  	[hbm4b:s13+s19] =	stream.linear.scatter [tilespmem:s6], [sflag:$0x3], $0x2000, $0x38;
	[tilespmem:$0x14000] =	vst v63  }
0x6b: {  	s14 =	rddreg [dreg:$0xa]  }
0x6c: {  	[tilespmem:s19], [sflag:$0x1] =	stream.linear.gather [hbm4b:s14+s19], $0x2000, $0x38;
	[tilespmem:$0x14000] =	vst v63  }
0x6d: {  	s15 =	rddreg [dreg:$0xb]  }
0x6e: {  	[tilespmem:s0], [sflag:$0x1] =	stream.linear.gather [hbm4b:s15+s19], $0x2000, $0x38;
	[tilespmem:$0x14000] =	vst v63  }
0x6f: {  	_ =	swait.ge [sflag:s7], $0x2000  }
0x70: {  	[sflag:s7] =	ssyncset.done $0x0  }
0x71: {  	s16 =	sand.u32 $0x1000, s19;
	s14 =	sand.u32 $0xC00, s19;
	[sflag:s7] =	ssyncadd.s32 $0xFFFFE000  }
0x72: {  	s17 =	sand.u32 $0x380, s19;
	s13 =	sor.u32 s14, s16;
	_ =	swait.ge [sflag:s7], $0x2000  }
0x73: {  	s12 =	sand.u32 $0x40, s19;
	s13 =	sor.u32 s17, s13;
	[sflag:s7] =	ssyncset.done $0x0  }
0x74: {  	s14 =	sor.u32 s12, s13;
	[sflag:s7] =	ssyncadd.s32 $0xFFFFE000  }
0x75: {  	v5 =	vld [tilespmem:s14+$0x6030]  }
0x76: {  	v2 =	vld [tilespmem:s14+$0x6010]  }
0x77: {  	v3 =	vld [tilespmem:s14+$0x4010]  }
0x78: {  	v7 =	vld [tilespmem:s14+$0x6000]  }
0x79: {  	s18 =	simm.s32 $0x200;
	s15 =	simm.s32 $0x40;
	v8 =	vld [tilespmem:s14+$0x4000]  }
0x7a: {  	s16 =	sand.u32 $0x1000, s15;
	s12 =	sand.u32 $0xC00, s18;
	s13 =	simm.s32 $0x10;
	v6 =	vld [tilespmem:s14+$0x4030]  }
0x7b: {  	s12 =	sor.u32 s12, s16;
	s19 =	sand.u32 $0x380, s13;
	v9 =	vld [tilespmem:s14+$0x6020]  }
0x7c: {  	s15 =	sand.u32 $0x40, s15;
	s12 =	sor.u32 s19, s12;
	v11 =	vld [tilespmem:s14+$0x4020]  }
0x7d: {  	s12 =	sor.u32 s15, s12;
	v10 =	vsub.f32 v3, v2  }
0x7e: {  	v4 =	vld [tilespmem:s12+$0x4030];
	v7 =	vsub.f32 v8, v7  }
0x7f: {  	v2 =	vld [tilespmem:s12+$0x6030];
	v63 =	vand.u32 $0x7FFFFFFF, v10;
	[tilespmem:s14+$0xA010] =	vst v10  }
0x80: {  	v3 =	vld [tilespmem:s12+$0x6020];
	v10 =	vsub.f32 v6, v5;
	[tilespmem:s14+$0xA000] =	vst v7;
	v7 =	vand.u32 $0x7FFFFFFF, v7;
	v12 =	vshrl.u32 v63, $0x10  }
0x81: {  	v9 =	vsub.f32 v11, v9;
	v8 =	vld [tilespmem:s12+$0x4010];
	v11 =	vshrl.u32 v7, $0x10  }
0x82: {  	v5 =	vld [tilespmem:s12+$0x6010];
	v13 =	vand.u32 $0x7FFFFFFF, v10  }
0x83: {  	v6 =	vld [tilespmem:s12+$0x6000];
	[tilespmem:s14+$0xA020] =	vst v9;
	v9 =	vand.u32 $0x7FFFFFFF, v9;
	v7 =	vshrl.u32 v13, $0x10  }
0x84: {  	v9 =	vshrl.u32 v9, $0x10;
	[tilespmem:s14+$0xA030] =	vst v10;
	v10 =	vld [tilespmem:s12+$0x4000]  }
0x85: {  	s16 =	simm.s32 $0x80;
	s15 =	simm.s32 $0x400;
	s14 =	simm.s32 $0x4;
	[tilespmem:v12+s5+$0x0] =	vst.idx.add.s32.msk $0xffff, v1  }
.LBB2_6:
0x86: {  	s17 =	sand.u32 $0x1000, s16;
	s18 =	sand.u32 $0xC00, s15;
	s13 =	sadd.s32 $0x10, s13;
	[tilespmem:v11+s5+$0x0] =	vst.idx.add.s32.msk $0xffff, v1  }
0x87: {  	s14 =	sadd.s32 $0x4, s14;
	s17 =	sor.u32 s18, s17;
	s18 =	sand.u32 $0x380, s13;
	v5 =	vsub.f32 v8, v5;
	v8 =	vld [tilespmem:s12+$0x4020]  }
0x88: {  	s19 =	sand.u32 $0x40, s16;
	p0 =	slt.u32 s14, $0x1FC;
	s17 =	sor.u32 s18, s17;
	[tilespmem:v7+s5+$0x0] =	vst.idx.add.s32.msk $0xffff, v1  }
0x89: {  	s17 =	sor.u32 s19, s17;
	v6 =	vsub.f32 v10, v6;
	v7 =	vand.u32 $0x7FFFFFFF, v5;
	[tilespmem:v9+s5+$0x0] =	vst.idx.add.s32.msk $0xffff, v1  }
0x8a: {  	[tilespmem:s12+$0xA010] =	vst v5;
	v5 =	vsub.f32 v4, v2;
	v2 =	vld [tilespmem:s17+$0x6030]  }
0x8b: {  	v4 =	vld [tilespmem:s17+$0x4030];
	[tilespmem:s12+$0xA000] =	vst v6;
	v6 =	vand.u32 $0x7FFFFFFF, v6  }
0x8c: {  	v12 =	vshrl.u32 v7, $0x10;
	v9 =	vsub.f32 v8, v3;
	v3 =	vld [tilespmem:s17+$0x6020];
	[tilespmem:s12+$0xA030] =	vst v5;
	v7 =	vand.u32 $0x7FFFFFFF, v5  }
.Ltmp2:
0x8d: {  	v11 =	vshrl.u32 v6, $0x10;
	v5 =	vld [tilespmem:s17+$0x6010];
	v7 =	vshrl.u32 v7, $0x10;
	(pc) =	sbr.rel @p0 .LBB2_6-.Ltmp2, $4  }
0x8e: {  	v8 =	vld [tilespmem:s17+$0x4010];
	[tilespmem:s12+$0xA020] =	vst v9;
	v9 =	vand.u32 $0x7FFFFFFF, v9;
	s12 =	smov.u32 s17  }
0x8f: {  	v6 =	vld [tilespmem:s12+$0x6000];
	v9 =	vshrl.u32 v9, $0x10  }
0x90: {  	v10 =	vld [tilespmem:s12+$0x4000]  }
0x91: {  	s15 =	sadd.s32 $0x200, s15;
	s16 =	sadd.s32 $0x40, s16;
	[tilespmem:v12+s5+$0x0] =	vst.idx.add.s32.msk $0xffff, v1  }
0x92: {  	_ = 	snop  }
0x93: {  	v12 =	vld [tilespmem:s12+$0x4020];
	_ =	sdelay $0x1  }
0x94: {  	v5 =	vsub.f32 v8, v5  }
0x95: {  	[tilespmem:v11+s5+$0x0] =	vst.idx.add.s32.msk $0xffff, v1;
	v2 =	vsub.f32 v4, v2  }
0x96: {  	[tilespmem:v7+s5+$0x0] =	vst.idx.add.s32.msk $0xffff, v1;
	v6 =	vsub.f32 v10, v6;
	v7 =	vand.u32 $0x7FFFFFFF, v5  }
0x97: {  	[tilespmem:s12+$0xA010] =	vst v5;
	v5 =	vand.u32 $0x7FFFFFFF, v2;
	v7 =	vshrl.u32 v7, $0x10;
	v3 =	vsub.f32 v12, v3  }
0x98: {  	[tilespmem:v9+s5+$0x0] =	vst.idx.add.s32.msk $0xffff, v1;
	v5 =	vshrl.u32 v5, $0x10;
	v4 =	vand.u32 $0x7FFFFFFF, v6  }
0x99: {  	[tilespmem:s12+$0xA000] =	vst v6;
	v4 =	vshrl.u32 v4, $0x10;
	v6 =	vand.u32 $0x7FFFFFFF, v3  }
0x9a: {  	[tilespmem:s12+$0xA030] =	vst v2;
	v2 =	vshrl.u32 v6, $0x10  }
0x9b: {  	[tilespmem:s12+$0xA020] =	vst v3  }
0x9c: {  	[tilespmem:v7+s5+$0x0] =	vst.idx.add.s32.msk $0xffff, v1  }
0x9d: {  	[tilespmem:v5+s5+$0x0] =	vst.idx.add.s32.msk $0xffff, v1  }
0x9e: {  	[tilespmem:v4+s5+$0x0] =	vst.idx.add.s32.msk $0xffff, v1  }
0x9f: {  	[tilespmem:v2+s5+$0x0] =	vst.idx.add.s32.msk $0xffff, v1  }
0xa0: {  	s19 =	simm.s32 $0x0;
	s13 =	rddreg [dreg:$0xc]  }
0xa1: {  	[hbm4b:s13+s19] =	stream.linear.scatter [tilespmem:s8], [sflag:$0x3], $0x2000, $0x38;
	[tilespmem:$0x14000] =	vst v63  }
0xa2: {  	s14 =	rddreg [dreg:$0xd]  }
0xa3: {  	[tilespmem:s2], [sflag:$0x2] =	stream.linear.gather [hbm4b:s14+s19], $0x2000, $0x38;
	[tilespmem:$0x14000] =	vst v63  }
0xa4: {  	s15 =	rddreg [dreg:$0xe]  }
0xa5: {  	[tilespmem:s3], [sflag:$0x2] =	stream.linear.gather [hbm4b:s15+s19], $0x2000, $0x38;
	[tilespmem:$0x14000] =	vst v63  }
0xa6: {  	_ =	swait.ge [sflag:s4], $0x2000  }
0xa7: {  	[sflag:s4] =	ssyncset.done $0x0  }
0xa8: {  	[sflag:s4] =	ssyncadd.s32 $0xFFFFE000  }
0xa9: {  	_ =	swait.ge [sflag:s4], $0x2000  }
0xaa: {  	[sflag:s4] =	ssyncset.done $0x0  }
0xab: {  	s16 =	sand.u32 $0x1000, s19;
	s14 =	sand.u32 $0xC00, s19;
	[sflag:s4] =	ssyncadd.s32 $0xFFFFE000  }
0xac: {  	s17 =	sand.u32 $0x380, s19;
	s13 =	sor.u32 s14, s16;
	_ =	swait.ge [sflag:s9], $0x2000  }
0xad: {  	s12 =	sand.u32 $0x40, s19;
	s13 =	sor.u32 s17, s13;
	[sflag:s9] =	ssyncset.done $0x0  }
0xae: {  	s14 =	sor.u32 s12, s13;
	[sflag:s9] =	ssyncadd.s32 $0xFFFFE000  }
0xaf: {  	v5 =	vld [tilespmem:s14+$0x2030]  }
0xb0: {  	v2 =	vld [tilespmem:s14+$0x2010]  }
0xb1: {  	v3 =	vld [tilespmem:s14+$0x10]  }
0xb2: {  	v7 =	vld [tilespmem:s14+$0x2000]  }
0xb3: {  	s18 =	simm.s32 $0x200;
	s15 =	simm.s32 $0x40;
	v8 =	vld [tilespmem:s14+$0x0]  }
0xb4: {  	s16 =	sand.u32 $0x1000, s15;
	s12 =	sand.u32 $0xC00, s18;
	s13 =	simm.s32 $0x10;
	v6 =	vld [tilespmem:s14+$0x30]  }
0xb5: {  	s12 =	sor.u32 s12, s16;
	s19 =	sand.u32 $0x380, s13;
	v9 =	vld [tilespmem:s14+$0x2020]  }
0xb6: {  	s15 =	sand.u32 $0x40, s15;
	s12 =	sor.u32 s19, s12;
	v11 =	vld [tilespmem:s14+$0x20]  }
0xb7: {  	s12 =	sor.u32 s15, s12;
	v10 =	vsub.f32 v3, v2  }
0xb8: {  	v4 =	vld [tilespmem:s12+$0x30];
	v7 =	vsub.f32 v8, v7  }
0xb9: {  	v2 =	vld [tilespmem:s12+$0x2030];
	v63 =	vand.u32 $0x7FFFFFFF, v10;
	[tilespmem:s14+$0x8010] =	vst v10  }
0xba: {  	v3 =	vld [tilespmem:s12+$0x2020];
	v10 =	vsub.f32 v6, v5;
	[tilespmem:s14+$0x8000] =	vst v7;
	v7 =	vand.u32 $0x7FFFFFFF, v7;
	v12 =	vshrl.u32 v63, $0x10  }
0xbb: {  	v9 =	vsub.f32 v11, v9;
	v8 =	vld [tilespmem:s12+$0x10];
	v11 =	vshrl.u32 v7, $0x10  }
0xbc: {  	v5 =	vld [tilespmem:s12+$0x2010];
	v13 =	vand.u32 $0x7FFFFFFF, v10  }
0xbd: {  	v6 =	vld [tilespmem:s12+$0x2000];
	[tilespmem:s14+$0x8020] =	vst v9;
	v9 =	vand.u32 $0x7FFFFFFF, v9;
	v7 =	vshrl.u32 v13, $0x10  }
0xbe: {  	v9 =	vshrl.u32 v9, $0x10;
	[tilespmem:s14+$0x8030] =	vst v10;
	v10 =	vld [tilespmem:s12+$0x0]  }
0xbf: {  	s16 =	simm.s32 $0x80;
	s15 =	simm.s32 $0x400;
	s14 =	simm.s32 $0x4;
	[tilespmem:v12+s5+$0x0] =	vst.idx.add.s32.msk $0xffff, v1  }
.LBB2_8:
0xc0: {  	s17 =	sand.u32 $0x1000, s16;
	s18 =	sand.u32 $0xC00, s15;
	s13 =	sadd.s32 $0x10, s13;
	[tilespmem:v11+s5+$0x0] =	vst.idx.add.s32.msk $0xffff, v1  }
0xc1: {  	s14 =	sadd.s32 $0x4, s14;
	s17 =	sor.u32 s18, s17;
	s18 =	sand.u32 $0x380, s13;
	v5 =	vsub.f32 v8, v5;
	v8 =	vld [tilespmem:s12+$0x20]  }
0xc2: {  	s19 =	sand.u32 $0x40, s16;
	p0 =	slt.u32 s14, $0x1FC;
	s17 =	sor.u32 s18, s17;
	[tilespmem:v7+s5+$0x0] =	vst.idx.add.s32.msk $0xffff, v1  }
0xc3: {  	s17 =	sor.u32 s19, s17;
	v6 =	vsub.f32 v10, v6;
	v7 =	vand.u32 $0x7FFFFFFF, v5;
	[tilespmem:v9+s5+$0x0] =	vst.idx.add.s32.msk $0xffff, v1  }
0xc4: {  	[tilespmem:s12+$0x8010] =	vst v5;
	v5 =	vsub.f32 v4, v2;
	v2 =	vld [tilespmem:s17+$0x2030]  }
0xc5: {  	v4 =	vld [tilespmem:s17+$0x30];
	[tilespmem:s12+$0x8000] =	vst v6;
	v6 =	vand.u32 $0x7FFFFFFF, v6  }
0xc6: {  	v12 =	vshrl.u32 v7, $0x10;
	v9 =	vsub.f32 v8, v3;
	v3 =	vld [tilespmem:s17+$0x2020];
	[tilespmem:s12+$0x8030] =	vst v5;
	v7 =	vand.u32 $0x7FFFFFFF, v5  }
.Ltmp3:
0xc7: {  	v11 =	vshrl.u32 v6, $0x10;
	v5 =	vld [tilespmem:s17+$0x2010];
	v7 =	vshrl.u32 v7, $0x10;
	(pc) =	sbr.rel @p0 .LBB2_8-.Ltmp3, $4  }
0xc8: {  	v8 =	vld [tilespmem:s17+$0x10];
	[tilespmem:s12+$0x8020] =	vst v9;
	v9 =	vand.u32 $0x7FFFFFFF, v9;
	s12 =	smov.u32 s17  }
0xc9: {  	v6 =	vld [tilespmem:s12+$0x2000];
	v9 =	vshrl.u32 v9, $0x10  }
0xca: {  	v10 =	vld [tilespmem:s12+$0x0]  }
0xcb: {  	s15 =	sadd.s32 $0x200, s15;
	s16 =	sadd.s32 $0x40, s16;
	[tilespmem:v12+s5+$0x0] =	vst.idx.add.s32.msk $0xffff, v1  }
0xcc: {  	_ = 	snop  }
0xcd: {  	v12 =	vld [tilespmem:s12+$0x20];
	_ =	sdelay $0x1  }
0xce: {  	v5 =	vsub.f32 v8, v5  }
0xcf: {  	[tilespmem:v11+s5+$0x0] =	vst.idx.add.s32.msk $0xffff, v1;
	v2 =	vsub.f32 v4, v2  }
0xd0: {  	[tilespmem:v7+s5+$0x0] =	vst.idx.add.s32.msk $0xffff, v1;
	v6 =	vsub.f32 v10, v6;
	v7 =	vand.u32 $0x7FFFFFFF, v5  }
0xd1: {  	[tilespmem:s12+$0x8010] =	vst v5;
	v5 =	vand.u32 $0x7FFFFFFF, v2;
	v7 =	vshrl.u32 v7, $0x10;
	v3 =	vsub.f32 v12, v3  }
0xd2: {  	[tilespmem:v9+s5+$0x0] =	vst.idx.add.s32.msk $0xffff, v1;
	v5 =	vshrl.u32 v5, $0x10;
	v4 =	vand.u32 $0x7FFFFFFF, v6  }
0xd3: {  	[tilespmem:s12+$0x8000] =	vst v6;
	v4 =	vshrl.u32 v4, $0x10;
	v6 =	vand.u32 $0x7FFFFFFF, v3  }
0xd4: {  	[tilespmem:s12+$0x8030] =	vst v2;
	v2 =	vshrl.u32 v6, $0x10  }
0xd5: {  	[tilespmem:s12+$0x8020] =	vst v3  }
0xd6: {  	[tilespmem:v7+s5+$0x0] =	vst.idx.add.s32.msk $0xffff, v1  }
0xd7: {  	[tilespmem:v5+s5+$0x0] =	vst.idx.add.s32.msk $0xffff, v1  }
0xd8: {  	[tilespmem:v4+s5+$0x0] =	vst.idx.add.s32.msk $0xffff, v1  }
0xd9: {  	[tilespmem:v2+s5+$0x0] =	vst.idx.add.s32.msk $0xffff, v1  }
0xda: {  	s19 =	simm.s32 $0x0;
	s13 =	rddreg [dreg:$0xf]  }
0xdb: {  	[hbm4b:s13+s19] =	stream.linear.scatter [tilespmem:s6], [sflag:$0x3], $0x2000, $0x38;
	[tilespmem:$0x14000] =	vst v63  }
0xdc: {  	s14 =	rddreg [dreg:$0x10]  }
0xdd: {  	[tilespmem:s19], [sflag:$0x1] =	stream.linear.gather [hbm4b:s14+s19], $0x2000, $0x38;
	[tilespmem:$0x14000] =	vst v63  }
0xde: {  	s15 =	rddreg [dreg:$0x11]  }
0xdf: {  	[tilespmem:s0], [sflag:$0x1] =	stream.linear.gather [hbm4b:s15+s19], $0x2000, $0x38;
	[tilespmem:$0x14000] =	vst v63  }
0xe0: {  	_ =	swait.ge [sflag:s7], $0x2000  }
0xe1: {  	[sflag:s7] =	ssyncset.done $0x0  }
0xe2: {  	[sflag:s7] =	ssyncadd.s32 $0xFFFFE000  }
0xe3: {  	_ =	swait.ge [sflag:s7], $0x2000  }
0xe4: {  	[sflag:s7] =	ssyncset.done $0x0  }
0xe5: {  	s16 =	sand.u32 $0x1000, s19;
	s14 =	sand.u32 $0xC00, s19;
	[sflag:s7] =	ssyncadd.s32 $0xFFFFE000  }
0xe6: {  	s17 =	sand.u32 $0x380, s19;
	s13 =	sor.u32 s14, s16;
	_ =	swait.ge [sflag:s9], $0x2000  }
0xe7: {  	s12 =	sand.u32 $0x40, s19;
	s13 =	sor.u32 s17, s13;
	[sflag:s9] =	ssyncset.done $0x0  }
0xe8: {  	s14 =	sor.u32 s12, s13;
	[sflag:s9] =	ssyncadd.s32 $0xFFFFE000  }
0xe9: {  	v5 =	vld [tilespmem:s14+$0x6030]  }
0xea: {  	v2 =	vld [tilespmem:s14+$0x6010]  }
0xeb: {  	v3 =	vld [tilespmem:s14+$0x4010]  }
0xec: {  	v7 =	vld [tilespmem:s14+$0x6000]  }
0xed: {  	s18 =	simm.s32 $0x200;
	s15 =	simm.s32 $0x40;
	v8 =	vld [tilespmem:s14+$0x4000]  }
0xee: {  	s16 =	sand.u32 $0x1000, s15;
	s12 =	sand.u32 $0xC00, s18;
	s13 =	simm.s32 $0x10;
	v6 =	vld [tilespmem:s14+$0x4030]  }
0xef: {  	s12 =	sor.u32 s12, s16;
	s19 =	sand.u32 $0x380, s13;
	v9 =	vld [tilespmem:s14+$0x6020]  }
0xf0: {  	s15 =	sand.u32 $0x40, s15;
	s12 =	sor.u32 s19, s12;
	v11 =	vld [tilespmem:s14+$0x4020]  }
0xf1: {  	s12 =	sor.u32 s15, s12;
	v10 =	vsub.f32 v3, v2  }
0xf2: {  	v4 =	vld [tilespmem:s12+$0x4030];
	v7 =	vsub.f32 v8, v7  }
0xf3: {  	v2 =	vld [tilespmem:s12+$0x6030];
	v63 =	vand.u32 $0x7FFFFFFF, v10;
	[tilespmem:s14+$0xA010] =	vst v10  }
0xf4: {  	v3 =	vld [tilespmem:s12+$0x6020];
	v10 =	vsub.f32 v6, v5;
	[tilespmem:s14+$0xA000] =	vst v7;
	v7 =	vand.u32 $0x7FFFFFFF, v7;
	v12 =	vshrl.u32 v63, $0x10  }
0xf5: {  	v9 =	vsub.f32 v11, v9;
	v8 =	vld [tilespmem:s12+$0x4010];
	v11 =	vshrl.u32 v7, $0x10  }
0xf6: {  	v5 =	vld [tilespmem:s12+$0x6010];
	v13 =	vand.u32 $0x7FFFFFFF, v10  }
0xf7: {  	v6 =	vld [tilespmem:s12+$0x6000];
	[tilespmem:s14+$0xA020] =	vst v9;
	v9 =	vand.u32 $0x7FFFFFFF, v9;
	v7 =	vshrl.u32 v13, $0x10  }
0xf8: {  	v9 =	vshrl.u32 v9, $0x10;
	[tilespmem:s14+$0xA030] =	vst v10;
	v10 =	vld [tilespmem:s12+$0x4000]  }
0xf9: {  	s16 =	simm.s32 $0x80;
	s15 =	simm.s32 $0x400;
	s14 =	simm.s32 $0x4;
	[tilespmem:v12+s5+$0x0] =	vst.idx.add.s32.msk $0xffff, v1  }
.LBB2_10:
0xfa: {  	s17 =	sand.u32 $0x1000, s16;
	s18 =	sand.u32 $0xC00, s15;
	s13 =	sadd.s32 $0x10, s13;
	[tilespmem:v11+s5+$0x0] =	vst.idx.add.s32.msk $0xffff, v1  }
0xfb: {  	s14 =	sadd.s32 $0x4, s14;
	s17 =	sor.u32 s18, s17;
	s18 =	sand.u32 $0x380, s13;
	v5 =	vsub.f32 v8, v5;
	v8 =	vld [tilespmem:s12+$0x4020]  }
0xfc: {  	s19 =	sand.u32 $0x40, s16;
	p0 =	slt.u32 s14, $0x1FC;
	s17 =	sor.u32 s18, s17;
	[tilespmem:v7+s5+$0x0] =	vst.idx.add.s32.msk $0xffff, v1  }
0xfd: {  	s17 =	sor.u32 s19, s17;
	v6 =	vsub.f32 v10, v6;
	v7 =	vand.u32 $0x7FFFFFFF, v5;
	[tilespmem:v9+s5+$0x0] =	vst.idx.add.s32.msk $0xffff, v1  }
0xfe: {  	[tilespmem:s12+$0xA010] =	vst v5;
	v5 =	vsub.f32 v4, v2;
	v2 =	vld [tilespmem:s17+$0x6030]  }
0xff: {  	v4 =	vld [tilespmem:s17+$0x4030];
	[tilespmem:s12+$0xA000] =	vst v6;
	v6 =	vand.u32 $0x7FFFFFFF, v6  }
0x100: {  	v12 =	vshrl.u32 v7, $0x10;
	v9 =	vsub.f32 v8, v3;
	v3 =	vld [tilespmem:s17+$0x6020];
	[tilespmem:s12+$0xA030] =	vst v5;
	v7 =	vand.u32 $0x7FFFFFFF, v5  }
.Ltmp4:
0x101: {  	v11 =	vshrl.u32 v6, $0x10;
	v5 =	vld [tilespmem:s17+$0x6010];
	v7 =	vshrl.u32 v7, $0x10;
	(pc) =	sbr.rel @p0 .LBB2_10-.Ltmp4, $4  }
0x102: {  	v8 =	vld [tilespmem:s17+$0x4010];
	[tilespmem:s12+$0xA020] =	vst v9;
	v9 =	vand.u32 $0x7FFFFFFF, v9;
	s12 =	smov.u32 s17  }
0x103: {  	v6 =	vld [tilespmem:s12+$0x6000];
	v9 =	vshrl.u32 v9, $0x10  }
0x104: {  	v10 =	vld [tilespmem:s12+$0x4000]  }
0x105: {  	s15 =	sadd.s32 $0x200, s15;
	s16 =	sadd.s32 $0x40, s16;
	[tilespmem:v12+s5+$0x0] =	vst.idx.add.s32.msk $0xffff, v1  }
0x106: {  	_ = 	snop  }
0x107: {  	v12 =	vld [tilespmem:s12+$0x4020];
	_ =	sdelay $0x1  }
0x108: {  	v5 =	vsub.f32 v8, v5  }
0x109: {  	[tilespmem:v11+s5+$0x0] =	vst.idx.add.s32.msk $0xffff, v1;
	v2 =	vsub.f32 v4, v2  }
0x10a: {  	[tilespmem:v7+s5+$0x0] =	vst.idx.add.s32.msk $0xffff, v1;
	v6 =	vsub.f32 v10, v6;
	v7 =	vand.u32 $0x7FFFFFFF, v5  }
0x10b: {  	[tilespmem:s12+$0xA010] =	vst v5;
	v5 =	vand.u32 $0x7FFFFFFF, v2;
	v7 =	vshrl.u32 v7, $0x10;
	v3 =	vsub.f32 v12, v3  }
0x10c: {  	[tilespmem:v9+s5+$0x0] =	vst.idx.add.s32.msk $0xffff, v1;
	v5 =	vshrl.u32 v5, $0x10;
	v4 =	vand.u32 $0x7FFFFFFF, v6  }
0x10d: {  	[tilespmem:s12+$0xA000] =	vst v6;
	v4 =	vshrl.u32 v4, $0x10;
	v6 =	vand.u32 $0x7FFFFFFF, v3  }
0x10e: {  	[tilespmem:s12+$0xA030] =	vst v2;
	v2 =	vshrl.u32 v6, $0x10  }
0x10f: {  	[tilespmem:s12+$0xA020] =	vst v3  }
0x110: {  	[tilespmem:v7+s5+$0x0] =	vst.idx.add.s32.msk $0xffff, v1  }
0x111: {  	[tilespmem:v5+s5+$0x0] =	vst.idx.add.s32.msk $0xffff, v1  }
0x112: {  	[tilespmem:v4+s5+$0x0] =	vst.idx.add.s32.msk $0xffff, v1  }
0x113: {  	[tilespmem:v2+s5+$0x0] =	vst.idx.add.s32.msk $0xffff, v1  }
0x114: {  	s19 =	simm.s32 $0x0;
	s13 =	rddreg [dreg:$0x12]  }
0x115: {  	[hbm4b:s13+s19] =	stream.linear.scatter [tilespmem:s8], [sflag:$0x3], $0x2000, $0x38;
	[tilespmem:$0x14000] =	vst v63  }
0x116: {  	s14 =	rddreg [dreg:$0x13]  }
0x117: {  	[tilespmem:s2], [sflag:$0x2] =	stream.linear.gather [hbm4b:s14+s19], $0x2000, $0x38;
	[tilespmem:$0x14000] =	vst v63  }
0x118: {  	s15 =	rddreg [dreg:$0x14]  }
0x119: {  	[tilespmem:s3], [sflag:$0x2] =	stream.linear.gather [hbm4b:s15+s19], $0x2000, $0x38;
	[tilespmem:$0x14000] =	vst v63  }
0x11a: {  	_ =	swait.ge [sflag:s4], $0x2000  }
0x11b: {  	[sflag:s4] =	ssyncset.done $0x0  }
0x11c: {  	[sflag:s4] =	ssyncadd.s32 $0xFFFFE000  }
0x11d: {  	_ =	swait.ge [sflag:s4], $0x2000  }
0x11e: {  	[sflag:s4] =	ssyncset.done $0x0  }
0x11f: {  	s16 =	sand.u32 $0x1000, s19;
	s14 =	sand.u32 $0xC00, s19;
	[sflag:s4] =	ssyncadd.s32 $0xFFFFE000  }
0x120: {  	s17 =	sand.u32 $0x380, s19;
	s13 =	sor.u32 s14, s16;
	_ =	swait.ge [sflag:s9], $0x2000  }
0x121: {  	s12 =	sand.u32 $0x40, s19;
	s13 =	sor.u32 s17, s13;
	[sflag:s9] =	ssyncset.done $0x0  }
0x122: {  	s14 =	sor.u32 s12, s13;
	[sflag:s9] =	ssyncadd.s32 $0xFFFFE000  }
0x123: {  	v5 =	vld [tilespmem:s14+$0x2030]  }
0x124: {  	v2 =	vld [tilespmem:s14+$0x2010]  }
0x125: {  	v3 =	vld [tilespmem:s14+$0x10]  }
0x126: {  	v7 =	vld [tilespmem:s14+$0x2000]  }
0x127: {  	s18 =	simm.s32 $0x200;
	s15 =	simm.s32 $0x40;
	v8 =	vld [tilespmem:s14+$0x0]  }
0x128: {  	s16 =	sand.u32 $0x1000, s15;
	s12 =	sand.u32 $0xC00, s18;
	s13 =	simm.s32 $0x10;
	v6 =	vld [tilespmem:s14+$0x30]  }
0x129: {  	s12 =	sor.u32 s12, s16;
	s19 =	sand.u32 $0x380, s13;
	v9 =	vld [tilespmem:s14+$0x2020]  }
0x12a: {  	s15 =	sand.u32 $0x40, s15;
	s12 =	sor.u32 s19, s12;
	v11 =	vld [tilespmem:s14+$0x20]  }
0x12b: {  	s12 =	sor.u32 s15, s12;
	v10 =	vsub.f32 v3, v2  }
0x12c: {  	v4 =	vld [tilespmem:s12+$0x30];
	v7 =	vsub.f32 v8, v7  }
0x12d: {  	v2 =	vld [tilespmem:s12+$0x2030];
	v63 =	vand.u32 $0x7FFFFFFF, v10;
	[tilespmem:s14+$0x8010] =	vst v10  }
0x12e: {  	v3 =	vld [tilespmem:s12+$0x2020];
	v10 =	vsub.f32 v6, v5;
	[tilespmem:s14+$0x8000] =	vst v7;
	v7 =	vand.u32 $0x7FFFFFFF, v7;
	v12 =	vshrl.u32 v63, $0x10  }
0x12f: {  	v9 =	vsub.f32 v11, v9;
	v8 =	vld [tilespmem:s12+$0x10];
	v11 =	vshrl.u32 v7, $0x10  }
0x130: {  	v5 =	vld [tilespmem:s12+$0x2010];
	v13 =	vand.u32 $0x7FFFFFFF, v10  }
0x131: {  	v6 =	vld [tilespmem:s12+$0x2000];
	[tilespmem:s14+$0x8020] =	vst v9;
	v9 =	vand.u32 $0x7FFFFFFF, v9;
	v7 =	vshrl.u32 v13, $0x10  }
0x132: {  	v9 =	vshrl.u32 v9, $0x10;
	[tilespmem:s14+$0x8030] =	vst v10;
	v10 =	vld [tilespmem:s12+$0x0]  }
0x133: {  	s16 =	simm.s32 $0x80;
	s15 =	simm.s32 $0x400;
	s14 =	simm.s32 $0x4;
	[tilespmem:v12+s5+$0x0] =	vst.idx.add.s32.msk $0xffff, v1  }
.LBB2_12:
0x134: {  	s17 =	sand.u32 $0x1000, s16;
	s18 =	sand.u32 $0xC00, s15;
	s13 =	sadd.s32 $0x10, s13;
	[tilespmem:v11+s5+$0x0] =	vst.idx.add.s32.msk $0xffff, v1  }
0x135: {  	s14 =	sadd.s32 $0x4, s14;
	s17 =	sor.u32 s18, s17;
	s18 =	sand.u32 $0x380, s13;
	v5 =	vsub.f32 v8, v5;
	v8 =	vld [tilespmem:s12+$0x20]  }
0x136: {  	s19 =	sand.u32 $0x40, s16;
	p0 =	slt.u32 s14, $0x1FC;
	s17 =	sor.u32 s18, s17;
	[tilespmem:v7+s5+$0x0] =	vst.idx.add.s32.msk $0xffff, v1  }
0x137: {  	s17 =	sor.u32 s19, s17;
	v6 =	vsub.f32 v10, v6;
	v7 =	vand.u32 $0x7FFFFFFF, v5;
	[tilespmem:v9+s5+$0x0] =	vst.idx.add.s32.msk $0xffff, v1  }
0x138: {  	[tilespmem:s12+$0x8010] =	vst v5;
	v5 =	vsub.f32 v4, v2;
	v2 =	vld [tilespmem:s17+$0x2030]  }
0x139: {  	v4 =	vld [tilespmem:s17+$0x30];
	[tilespmem:s12+$0x8000] =	vst v6;
	v6 =	vand.u32 $0x7FFFFFFF, v6  }
0x13a: {  	v12 =	vshrl.u32 v7, $0x10;
	v9 =	vsub.f32 v8, v3;
	v3 =	vld [tilespmem:s17+$0x2020];
	[tilespmem:s12+$0x8030] =	vst v5;
	v7 =	vand.u32 $0x7FFFFFFF, v5  }
.Ltmp5:
0x13b: {  	v11 =	vshrl.u32 v6, $0x10;
	v5 =	vld [tilespmem:s17+$0x2010];
	v7 =	vshrl.u32 v7, $0x10;
	(pc) =	sbr.rel @p0 .LBB2_12-.Ltmp5, $4  }
0x13c: {  	v8 =	vld [tilespmem:s17+$0x10];
	[tilespmem:s12+$0x8020] =	vst v9;
	v9 =	vand.u32 $0x7FFFFFFF, v9;
	s12 =	smov.u32 s17  }
0x13d: {  	v6 =	vld [tilespmem:s12+$0x2000];
	v9 =	vshrl.u32 v9, $0x10  }
0x13e: {  	v10 =	vld [tilespmem:s12+$0x0]  }
0x13f: {  	s15 =	sadd.s32 $0x200, s15;
	s16 =	sadd.s32 $0x40, s16;
	[tilespmem:v12+s5+$0x0] =	vst.idx.add.s32.msk $0xffff, v1  }
0x140: {  	_ = 	snop  }
0x141: {  	v12 =	vld [tilespmem:s12+$0x20];
	_ =	sdelay $0x1  }
0x142: {  	v5 =	vsub.f32 v8, v5  }
0x143: {  	[tilespmem:v11+s5+$0x0] =	vst.idx.add.s32.msk $0xffff, v1;
	v2 =	vsub.f32 v4, v2  }
0x144: {  	[tilespmem:v7+s5+$0x0] =	vst.idx.add.s32.msk $0xffff, v1;
	v6 =	vsub.f32 v10, v6;
	v7 =	vand.u32 $0x7FFFFFFF, v5  }
0x145: {  	[tilespmem:s12+$0x8010] =	vst v5;
	v5 =	vand.u32 $0x7FFFFFFF, v2;
	v7 =	vshrl.u32 v7, $0x10;
	v3 =	vsub.f32 v12, v3  }
0x146: {  	[tilespmem:v9+s5+$0x0] =	vst.idx.add.s32.msk $0xffff, v1;
	v5 =	vshrl.u32 v5, $0x10;
	v4 =	vand.u32 $0x7FFFFFFF, v6  }
0x147: {  	[tilespmem:s12+$0x8000] =	vst v6;
	v4 =	vshrl.u32 v4, $0x10;
	v6 =	vand.u32 $0x7FFFFFFF, v3  }
0x148: {  	[tilespmem:s12+$0x8030] =	vst v2;
	v2 =	vshrl.u32 v6, $0x10  }
0x149: {  	[tilespmem:s12+$0x8020] =	vst v3  }
0x14a: {  	[tilespmem:v7+s5+$0x0] =	vst.idx.add.s32.msk $0xffff, v1  }
0x14b: {  	[tilespmem:v5+s5+$0x0] =	vst.idx.add.s32.msk $0xffff, v1  }
0x14c: {  	[tilespmem:v4+s5+$0x0] =	vst.idx.add.s32.msk $0xffff, v1  }
0x14d: {  	[tilespmem:v2+s5+$0x0] =	vst.idx.add.s32.msk $0xffff, v1  }
0x14e: {  	s15 =	simm.s32 $0x0;
	s13 =	rddreg [dreg:$0x15]  }
0x14f: {  	[hbm4b:s13+s15] =	stream.linear.scatter [tilespmem:s6], [sflag:$0x3], $0x2000, $0x38;
	[tilespmem:$0x14000] =	vst v63  }
0x150: {  	_ = 	snop  }
0x151: {  	[tilespmem:s15], [sflag:$0x1] =	stream.linear.gather [hbm4b:s20+s15], $0x2000, $0x38;
	[tilespmem:$0x14000] =	vst v63  }
0x152: {  	_ = 	snop  }
0x153: {  	[tilespmem:s0], [sflag:$0x1] =	stream.linear.gather [hbm4b:s21+s15], $0x2000, $0x38;
	[tilespmem:$0x14000] =	vst v63  }
0x154: {  	_ =	swait.ge [sflag:s7], $0x2000  }
0x155: {  	[sflag:s7] =	ssyncset.done $0x0  }
0x156: {  	[sflag:s7] =	ssyncadd.s32 $0xFFFFE000  }
0x157: {  	_ =	swait.ge [sflag:s7], $0x2000  }
0x158: {  	[sflag:s7] =	ssyncset.done $0x0  }
0x159: {  	s16 =	sand.u32 $0x1000, s15;
	s14 =	sand.u32 $0xC00, s15;
	[sflag:s7] =	ssyncadd.s32 $0xFFFFE000  }
0x15a: {  	s17 =	sand.u32 $0x380, s15;
	s13 =	sor.u32 s14, s16;
	_ =	swait.ge [sflag:s9], $0x2000  }
0x15b: {  	s12 =	sand.u32 $0x40, s15;
	s13 =	sor.u32 s17, s13;
	[sflag:s9] =	ssyncset.done $0x0  }
0x15c: {  	s14 =	sor.u32 s12, s13;
	[sflag:s9] =	ssyncadd.s32 $0xFFFFE000  }
0x15d: {  	v5 =	vld [tilespmem:s14+$0x6030]  }
0x15e: {  	v2 =	vld [tilespmem:s14+$0x6010]  }
0x15f: {  	v3 =	vld [tilespmem:s14+$0x4010]  }
0x160: {  	v7 =	vld [tilespmem:s14+$0x6000]  }
0x161: {  	s18 =	simm.s32 $0x200;
	s15 =	simm.s32 $0x40;
	v8 =	vld [tilespmem:s14+$0x4000]  }
0x162: {  	s12 =	sand.u32 $0xC00, s18;
	s13 =	simm.s32 $0x10;
	s16 =	sand.u32 $0x1000, s15;
	v6 =	vld [tilespmem:s14+$0x4030]  }
0x163: {  	s19 =	sand.u32 $0x380, s13;
	s12 =	sor.u32 s12, s16;
	v9 =	vld [tilespmem:s14+$0x6020]  }
0x164: {  	s15 =	sand.u32 $0x40, s15;
	s12 =	sor.u32 s19, s12;
	v11 =	vld [tilespmem:s14+$0x4020]  }
0x165: {  	s12 =	sor.u32 s15, s12;
	v10 =	vsub.f32 v3, v2  }
0x166: {  	v4 =	vld [tilespmem:s12+$0x4030];
	v7 =	vsub.f32 v8, v7  }
0x167: {  	v2 =	vld [tilespmem:s12+$0x6030];
	v63 =	vand.u32 $0x7FFFFFFF, v10;
	[tilespmem:s14+$0xA010] =	vst v10  }
0x168: {  	v3 =	vld [tilespmem:s12+$0x6020];
	v10 =	vsub.f32 v6, v5;
	[tilespmem:s14+$0xA000] =	vst v7;
	v7 =	vand.u32 $0x7FFFFFFF, v7;
	v12 =	vshrl.u32 v63, $0x10  }
0x169: {  	v9 =	vsub.f32 v11, v9;
	v8 =	vld [tilespmem:s12+$0x4010];
	v11 =	vshrl.u32 v7, $0x10  }
0x16a: {  	v5 =	vld [tilespmem:s12+$0x6010];
	v13 =	vand.u32 $0x7FFFFFFF, v10  }
0x16b: {  	v6 =	vld [tilespmem:s12+$0x6000];
	[tilespmem:s14+$0xA020] =	vst v9;
	v9 =	vand.u32 $0x7FFFFFFF, v9;
	v7 =	vshrl.u32 v13, $0x10  }
0x16c: {  	v9 =	vshrl.u32 v9, $0x10;
	[tilespmem:s14+$0xA030] =	vst v10;
	v10 =	vld [tilespmem:s12+$0x4000]  }
0x16d: {  	s16 =	simm.s32 $0x80;
	s15 =	simm.s32 $0x400;
	s14 =	simm.s32 $0x4;
	[tilespmem:v12+s5+$0x0] =	vst.idx.add.s32.msk $0xffff, v1  }
.LBB2_14:
0x16e: {  	s17 =	sand.u32 $0x1000, s16;
	s18 =	sand.u32 $0xC00, s15;
	s13 =	sadd.s32 $0x10, s13;
	[tilespmem:v11+s5+$0x0] =	vst.idx.add.s32.msk $0xffff, v1  }
0x16f: {  	s14 =	sadd.s32 $0x4, s14;
	s17 =	sor.u32 s18, s17;
	s18 =	sand.u32 $0x380, s13;
	v5 =	vsub.f32 v8, v5;
	v8 =	vld [tilespmem:s12+$0x4020]  }
0x170: {  	s19 =	sand.u32 $0x40, s16;
	p0 =	slt.u32 s14, $0x1FC;
	s17 =	sor.u32 s18, s17;
	[tilespmem:v7+s5+$0x0] =	vst.idx.add.s32.msk $0xffff, v1  }
0x171: {  	s17 =	sor.u32 s19, s17;
	v6 =	vsub.f32 v10, v6;
	v7 =	vand.u32 $0x7FFFFFFF, v5;
	[tilespmem:v9+s5+$0x0] =	vst.idx.add.s32.msk $0xffff, v1  }
0x172: {  	[tilespmem:s12+$0xA010] =	vst v5;
	v5 =	vsub.f32 v4, v2;
	v2 =	vld [tilespmem:s17+$0x6030]  }
0x173: {  	v4 =	vld [tilespmem:s17+$0x4030];
	[tilespmem:s12+$0xA000] =	vst v6;
	v6 =	vand.u32 $0x7FFFFFFF, v6  }
0x174: {  	v12 =	vshrl.u32 v7, $0x10;
	v9 =	vsub.f32 v8, v3;
	v3 =	vld [tilespmem:s17+$0x6020];
	[tilespmem:s12+$0xA030] =	vst v5;
	v7 =	vand.u32 $0x7FFFFFFF, v5  }
.Ltmp6:
0x175: {  	v11 =	vshrl.u32 v6, $0x10;
	v5 =	vld [tilespmem:s17+$0x6010];
	v7 =	vshrl.u32 v7, $0x10;
	(pc) =	sbr.rel @p0 .LBB2_14-.Ltmp6, $4  }
0x176: {  	v8 =	vld [tilespmem:s17+$0x4010];
	[tilespmem:s12+$0xA020] =	vst v9;
	v9 =	vand.u32 $0x7FFFFFFF, v9;
	s12 =	smov.u32 s17  }
0x177: {  	v6 =	vld [tilespmem:s12+$0x6000];
	v9 =	vshrl.u32 v9, $0x10  }
0x178: {  	v10 =	vld [tilespmem:s12+$0x4000]  }
0x179: {  	s15 =	sadd.s32 $0x200, s15;
	s16 =	sadd.s32 $0x40, s16;
	[tilespmem:v12+s5+$0x0] =	vst.idx.add.s32.msk $0xffff, v1  }
0x17a: {  	_ = 	snop  }
0x17b: {  	v12 =	vld [tilespmem:s12+$0x4020];
	_ =	sdelay $0x1  }
0x17c: {  	v5 =	vsub.f32 v8, v5  }
0x17d: {  	[tilespmem:v11+s5+$0x0] =	vst.idx.add.s32.msk $0xffff, v1;
	v2 =	vsub.f32 v4, v2  }
0x17e: {  	[tilespmem:v7+s5+$0x0] =	vst.idx.add.s32.msk $0xffff, v1;
	v6 =	vsub.f32 v10, v6;
	v7 =	vand.u32 $0x7FFFFFFF, v5  }
0x17f: {  	[tilespmem:s12+$0xA010] =	vst v5;
	v5 =	vand.u32 $0x7FFFFFFF, v2;
	v7 =	vshrl.u32 v7, $0x10;
	v3 =	vsub.f32 v12, v3  }
0x180: {  	[tilespmem:v9+s5+$0x0] =	vst.idx.add.s32.msk $0xffff, v1;
	v5 =	vshrl.u32 v5, $0x10;
	v4 =	vand.u32 $0x7FFFFFFF, v6  }
0x181: {  	[tilespmem:s12+$0xA000] =	vst v6;
	v4 =	vshrl.u32 v4, $0x10;
	v6 =	vand.u32 $0x7FFFFFFF, v3  }
0x182: {  	[tilespmem:s12+$0xA030] =	vst v2;
	v2 =	vshrl.u32 v6, $0x10  }
0x183: {  	[tilespmem:s12+$0xA020] =	vst v3  }
0x184: {  	[tilespmem:v7+s5+$0x0] =	vst.idx.add.s32.msk $0xffff, v1  }
0x185: {  	[tilespmem:v5+s5+$0x0] =	vst.idx.add.s32.msk $0xffff, v1  }
0x186: {  	[tilespmem:v4+s5+$0x0] =	vst.idx.add.s32.msk $0xffff, v1  }
0x187: {  	[tilespmem:v2+s5+$0x0] =	vst.idx.add.s32.msk $0xffff, v1  }
0x188: {  	s15 =	simm.s32 $0x0;
	s13 =	rddreg [dreg:$0x16]  }
0x189: {  	[hbm4b:s13+s15] =	stream.linear.scatter [tilespmem:s8], [sflag:$0x3], $0x2000, $0x38;
	[tilespmem:$0x14000] =	vst v63  }
0x18a: {  	_ = 	snop  }
0x18b: {  	[tilespmem:s2], [sflag:$0x2] =	stream.linear.gather [hbm4b:s24+s15], $0x2000, $0x38;
	[tilespmem:$0x14000] =	vst v63  }
0x18c: {  	_ = 	snop  }
0x18d: {  	[tilespmem:s3], [sflag:$0x2] =	stream.linear.gather [hbm4b:s26+s15], $0x2000, $0x38;
	[tilespmem:$0x14000] =	vst v63  }
0x18e: {  	_ =	swait.ge [sflag:s4], $0x2000  }
0x18f: {  	[sflag:s4] =	ssyncset.done $0x0  }
0x190: {  	[sflag:s4] =	ssyncadd.s32 $0xFFFFE000  }
0x191: {  	_ =	swait.ge [sflag:s4], $0x2000  }
0x192: {  	[sflag:s4] =	ssyncset.done $0x0  }
0x193: {  	s16 =	sand.u32 $0x1000, s15;
	s14 =	sand.u32 $0xC00, s15;
	[sflag:s4] =	ssyncadd.s32 $0xFFFFE000  }
0x194: {  	s17 =	sand.u32 $0x380, s15;
	s13 =	sor.u32 s14, s16;
	_ =	swait.ge [sflag:s9], $0x2000  }
0x195: {  	s12 =	sand.u32 $0x40, s15;
	s13 =	sor.u32 s17, s13;
	[sflag:s9] =	ssyncset.done $0x0  }
0x196: {  	s14 =	sor.u32 s12, s13;
	[sflag:s9] =	ssyncadd.s32 $0xFFFFE000  }
0x197: {  	v5 =	vld [tilespmem:s14+$0x2030]  }
0x198: {  	v2 =	vld [tilespmem:s14+$0x2010]  }
0x199: {  	v3 =	vld [tilespmem:s14+$0x10]  }
0x19a: {  	v7 =	vld [tilespmem:s14+$0x2000]  }
0x19b: {  	s18 =	simm.s32 $0x200;
	s15 =	simm.s32 $0x40;
	v8 =	vld [tilespmem:s14+$0x0]  }
0x19c: {  	s12 =	sand.u32 $0xC00, s18;
	s13 =	simm.s32 $0x10;
	s16 =	sand.u32 $0x1000, s15;
	v6 =	vld [tilespmem:s14+$0x30]  }
0x19d: {  	s19 =	sand.u32 $0x380, s13;
	s12 =	sor.u32 s12, s16;
	v9 =	vld [tilespmem:s14+$0x2020]  }
0x19e: {  	s15 =	sand.u32 $0x40, s15;
	s12 =	sor.u32 s19, s12;
	v11 =	vld [tilespmem:s14+$0x20]  }
0x19f: {  	s12 =	sor.u32 s15, s12;
	v10 =	vsub.f32 v3, v2  }
0x1a0: {  	v4 =	vld [tilespmem:s12+$0x30];
	v7 =	vsub.f32 v8, v7  }
0x1a1: {  	v2 =	vld [tilespmem:s12+$0x2030];
	v63 =	vand.u32 $0x7FFFFFFF, v10;
	[tilespmem:s14+$0x8010] =	vst v10  }
0x1a2: {  	v3 =	vld [tilespmem:s12+$0x2020];
	v10 =	vsub.f32 v6, v5;
	[tilespmem:s14+$0x8000] =	vst v7;
	v7 =	vand.u32 $0x7FFFFFFF, v7;
	v12 =	vshrl.u32 v63, $0x10  }
0x1a3: {  	v9 =	vsub.f32 v11, v9;
	v8 =	vld [tilespmem:s12+$0x10];
	v11 =	vshrl.u32 v7, $0x10  }
0x1a4: {  	v5 =	vld [tilespmem:s12+$0x2010];
	v13 =	vand.u32 $0x7FFFFFFF, v10  }
0x1a5: {  	v6 =	vld [tilespmem:s12+$0x2000];
	[tilespmem:s14+$0x8020] =	vst v9;
	v9 =	vand.u32 $0x7FFFFFFF, v9;
	v7 =	vshrl.u32 v13, $0x10  }
0x1a6: {  	v9 =	vshrl.u32 v9, $0x10;
	[tilespmem:s14+$0x8030] =	vst v10;
	v10 =	vld [tilespmem:s12+$0x0]  }
0x1a7: {  	s16 =	simm.s32 $0x80;
	s15 =	simm.s32 $0x400;
	s14 =	simm.s32 $0x4;
	[tilespmem:v12+s5+$0x0] =	vst.idx.add.s32.msk $0xffff, v1  }
.LBB2_16:
0x1a8: {  	s17 =	sand.u32 $0x1000, s16;
	s18 =	sand.u32 $0xC00, s15;
	s13 =	sadd.s32 $0x10, s13;
	[tilespmem:v11+s5+$0x0] =	vst.idx.add.s32.msk $0xffff, v1  }
0x1a9: {  	s14 =	sadd.s32 $0x4, s14;
	s17 =	sor.u32 s18, s17;
	s18 =	sand.u32 $0x380, s13;
	v5 =	vsub.f32 v8, v5;
	v8 =	vld [tilespmem:s12+$0x20]  }
0x1aa: {  	s19 =	sand.u32 $0x40, s16;
	p0 =	slt.u32 s14, $0x1FC;
	s17 =	sor.u32 s18, s17;
	[tilespmem:v7+s5+$0x0] =	vst.idx.add.s32.msk $0xffff, v1  }
0x1ab: {  	s17 =	sor.u32 s19, s17;
	v6 =	vsub.f32 v10, v6;
	v7 =	vand.u32 $0x7FFFFFFF, v5;
	[tilespmem:v9+s5+$0x0] =	vst.idx.add.s32.msk $0xffff, v1  }
0x1ac: {  	[tilespmem:s12+$0x8010] =	vst v5;
	v5 =	vsub.f32 v4, v2;
	v2 =	vld [tilespmem:s17+$0x2030]  }
0x1ad: {  	v4 =	vld [tilespmem:s17+$0x30];
	[tilespmem:s12+$0x8000] =	vst v6;
	v6 =	vand.u32 $0x7FFFFFFF, v6  }
0x1ae: {  	v12 =	vshrl.u32 v7, $0x10;
	v9 =	vsub.f32 v8, v3;
	v3 =	vld [tilespmem:s17+$0x2020];
	[tilespmem:s12+$0x8030] =	vst v5;
	v7 =	vand.u32 $0x7FFFFFFF, v5  }
.Ltmp7:
0x1af: {  	v11 =	vshrl.u32 v6, $0x10;
	v5 =	vld [tilespmem:s17+$0x2010];
	v7 =	vshrl.u32 v7, $0x10;
	(pc) =	sbr.rel @p0 .LBB2_16-.Ltmp7, $4  }
0x1b0: {  	v8 =	vld [tilespmem:s17+$0x10];
	[tilespmem:s12+$0x8020] =	vst v9;
	v9 =	vand.u32 $0x7FFFFFFF, v9;
	s12 =	smov.u32 s17  }
0x1b1: {  	v6 =	vld [tilespmem:s12+$0x2000];
	v9 =	vshrl.u32 v9, $0x10  }
0x1b2: {  	v10 =	vld [tilespmem:s12+$0x0]  }
0x1b3: {  	s15 =	sadd.s32 $0x200, s15;
	s16 =	sadd.s32 $0x40, s16;
	[tilespmem:v12+s5+$0x0] =	vst.idx.add.s32.msk $0xffff, v1  }
0x1b4: {  	_ = 	snop  }
0x1b5: {  	v12 =	vld [tilespmem:s12+$0x20];
	_ =	sdelay $0x1  }
0x1b6: {  	v5 =	vsub.f32 v8, v5  }
0x1b7: {  	[tilespmem:v11+s5+$0x0] =	vst.idx.add.s32.msk $0xffff, v1;
	v2 =	vsub.f32 v4, v2  }
0x1b8: {  	[tilespmem:v7+s5+$0x0] =	vst.idx.add.s32.msk $0xffff, v1;
	v6 =	vsub.f32 v10, v6;
	v7 =	vand.u32 $0x7FFFFFFF, v5  }
0x1b9: {  	[tilespmem:s12+$0x8010] =	vst v5;
	v5 =	vand.u32 $0x7FFFFFFF, v2;
	v7 =	vshrl.u32 v7, $0x10;
	v3 =	vsub.f32 v12, v3  }
0x1ba: {  	[tilespmem:v9+s5+$0x0] =	vst.idx.add.s32.msk $0xffff, v1;
	v5 =	vshrl.u32 v5, $0x10;
	v4 =	vand.u32 $0x7FFFFFFF, v6  }
0x1bb: {  	[tilespmem:s12+$0x8000] =	vst v6;
	v4 =	vshrl.u32 v4, $0x10;
	v6 =	vand.u32 $0x7FFFFFFF, v3  }
0x1bc: {  	[tilespmem:s12+$0x8030] =	vst v2;
	v2 =	vshrl.u32 v6, $0x10  }
0x1bd: {  	[tilespmem:s12+$0x8020] =	vst v3  }
0x1be: {  	[tilespmem:v7+s5+$0x0] =	vst.idx.add.s32.msk $0xffff, v1  }
0x1bf: {  	[tilespmem:v5+s5+$0x0] =	vst.idx.add.s32.msk $0xffff, v1  }
0x1c0: {  	[tilespmem:v4+s5+$0x0] =	vst.idx.add.s32.msk $0xffff, v1  }
0x1c1: {  	s16 =	simm.s32 $0x0;
	[tilespmem:v2+s5+$0x0] =	vst.idx.add.s32.msk $0xffff, v1  }
0x1c2: {  	[hbm4b:s22+s16] =	stream.linear.scatter [tilespmem:s6], [sflag:$0x3], $0x2000, $0x38;
	[tilespmem:$0x14000] =	vst v63  }
0x1c3: {  	_ = 	snop  }
0x1c4: {  	[tilespmem:s16], [sflag:$0x1] =	stream.linear.gather [hbm4b:s25+s16], $0x2000, $0x38;
	[tilespmem:$0x14000] =	vst v63  }
0x1c5: {  	_ = 	snop  }
0x1c6: {  	[tilespmem:s0], [sflag:$0x1] =	stream.linear.gather [hbm4b:s28+s16], $0x2000, $0x38;
	[tilespmem:$0x14000] =	vst v63  }
0x1c7: {  	_ =	swait.ge [sflag:s7], $0x2000  }
0x1c8: {  	[sflag:s7] =	ssyncset.done $0x0  }
0x1c9: {  	[sflag:s7] =	ssyncadd.s32 $0xFFFFE000  }
0x1ca: {  	_ =	swait.ge [sflag:s7], $0x2000  }
0x1cb: {  	[sflag:s7] =	ssyncset.done $0x0  }
0x1cc: {  	s13 =	sand.u32 $0x1000, s16;
	s14 =	sand.u32 $0xC00, s16;
	[sflag:s7] =	ssyncadd.s32 $0xFFFFE000  }
0x1cd: {  	s17 =	sand.u32 $0x380, s16;
	s13 =	sor.u32 s14, s13;
	_ =	swait.ge [sflag:s9], $0x2000  }
0x1ce: {  	s13 =	sor.u32 s17, s13;
	s12 =	sand.u32 $0x40, s16;
	[sflag:s9] =	ssyncset.done $0x0  }
0x1cf: {  	s14 =	sor.u32 s12, s13;
	[sflag:s9] =	ssyncadd.s32 $0xFFFFE000  }
0x1d0: {  	v5 =	vld [tilespmem:s14+$0x6030]  }
0x1d1: {  	v2 =	vld [tilespmem:s14+$0x6010]  }
0x1d2: {  	v3 =	vld [tilespmem:s14+$0x4010]  }
0x1d3: {  	v7 =	vld [tilespmem:s14+$0x6000]  }
0x1d4: {  	s18 =	simm.s32 $0x200;
	s15 =	simm.s32 $0x40;
	v8 =	vld [tilespmem:s14+$0x4000]  }
0x1d5: {  	s12 =	sand.u32 $0xC00, s18;
	s13 =	simm.s32 $0x10;
	s16 =	sand.u32 $0x1000, s15;
	v6 =	vld [tilespmem:s14+$0x4030]  }
0x1d6: {  	s19 =	sand.u32 $0x380, s13;
	s12 =	sor.u32 s12, s16;
	v9 =	vld [tilespmem:s14+$0x6020]  }
0x1d7: {  	s15 =	sand.u32 $0x40, s15;
	s12 =	sor.u32 s19, s12;
	v11 =	vld [tilespmem:s14+$0x4020]  }
0x1d8: {  	s12 =	sor.u32 s15, s12;
	v10 =	vsub.f32 v3, v2  }
0x1d9: {  	v4 =	vld [tilespmem:s12+$0x4030];
	v7 =	vsub.f32 v8, v7  }
0x1da: {  	v2 =	vld [tilespmem:s12+$0x6030];
	v63 =	vand.u32 $0x7FFFFFFF, v10;
	[tilespmem:s14+$0xA010] =	vst v10  }
0x1db: {  	v3 =	vld [tilespmem:s12+$0x6020];
	v10 =	vsub.f32 v6, v5;
	[tilespmem:s14+$0xA000] =	vst v7;
	v7 =	vand.u32 $0x7FFFFFFF, v7;
	v12 =	vshrl.u32 v63, $0x10  }
0x1dc: {  	v9 =	vsub.f32 v11, v9;
	v8 =	vld [tilespmem:s12+$0x4010];
	v11 =	vshrl.u32 v7, $0x10  }
0x1dd: {  	v5 =	vld [tilespmem:s12+$0x6010];
	v13 =	vand.u32 $0x7FFFFFFF, v10  }
0x1de: {  	v6 =	vld [tilespmem:s12+$0x6000];
	[tilespmem:s14+$0xA020] =	vst v9;
	v9 =	vand.u32 $0x7FFFFFFF, v9;
	v7 =	vshrl.u32 v13, $0x10  }
0x1df: {  	v9 =	vshrl.u32 v9, $0x10;
	[tilespmem:s14+$0xA030] =	vst v10;
	v10 =	vld [tilespmem:s12+$0x4000]  }
0x1e0: {  	s16 =	simm.s32 $0x80;
	s15 =	simm.s32 $0x400;
	s14 =	simm.s32 $0x4;
	[tilespmem:v12+s5+$0x0] =	vst.idx.add.s32.msk $0xffff, v1  }
.LBB2_18:
0x1e1: {  	s17 =	sand.u32 $0x1000, s16;
	s18 =	sand.u32 $0xC00, s15;
	s13 =	sadd.s32 $0x10, s13;
	[tilespmem:v11+s5+$0x0] =	vst.idx.add.s32.msk $0xffff, v1  }
0x1e2: {  	s14 =	sadd.s32 $0x4, s14;
	s17 =	sor.u32 s18, s17;
	s18 =	sand.u32 $0x380, s13;
	v5 =	vsub.f32 v8, v5;
	v8 =	vld [tilespmem:s12+$0x4020]  }
0x1e3: {  	s19 =	sand.u32 $0x40, s16;
	p0 =	slt.u32 s14, $0x1FC;
	s17 =	sor.u32 s18, s17;
	[tilespmem:v7+s5+$0x0] =	vst.idx.add.s32.msk $0xffff, v1  }
0x1e4: {  	s17 =	sor.u32 s19, s17;
	v6 =	vsub.f32 v10, v6;
	v7 =	vand.u32 $0x7FFFFFFF, v5;
	[tilespmem:v9+s5+$0x0] =	vst.idx.add.s32.msk $0xffff, v1  }
0x1e5: {  	[tilespmem:s12+$0xA010] =	vst v5;
	v5 =	vsub.f32 v4, v2;
	v2 =	vld [tilespmem:s17+$0x6030]  }
0x1e6: {  	v4 =	vld [tilespmem:s17+$0x4030];
	[tilespmem:s12+$0xA000] =	vst v6;
	v6 =	vand.u32 $0x7FFFFFFF, v6  }
0x1e7: {  	v12 =	vshrl.u32 v7, $0x10;
	v9 =	vsub.f32 v8, v3;
	v3 =	vld [tilespmem:s17+$0x6020];
	[tilespmem:s12+$0xA030] =	vst v5;
	v7 =	vand.u32 $0x7FFFFFFF, v5  }
.Ltmp8:
0x1e8: {  	v11 =	vshrl.u32 v6, $0x10;
	v5 =	vld [tilespmem:s17+$0x6010];
	v7 =	vshrl.u32 v7, $0x10;
	(pc) =	sbr.rel @p0 .LBB2_18-.Ltmp8, $4  }
0x1e9: {  	v8 =	vld [tilespmem:s17+$0x4010];
	[tilespmem:s12+$0xA020] =	vst v9;
	v9 =	vand.u32 $0x7FFFFFFF, v9;
	s12 =	smov.u32 s17  }
0x1ea: {  	v6 =	vld [tilespmem:s12+$0x6000];
	v9 =	vshrl.u32 v9, $0x10  }
0x1eb: {  	v10 =	vld [tilespmem:s12+$0x4000]  }
0x1ec: {  	s15 =	sadd.s32 $0x200, s15;
	s16 =	sadd.s32 $0x40, s16;
	[tilespmem:v12+s5+$0x0] =	vst.idx.add.s32.msk $0xffff, v1  }
0x1ed: {  	_ = 	snop  }
0x1ee: {  	v12 =	vld [tilespmem:s12+$0x4020];
	_ =	sdelay $0x1  }
0x1ef: {  	v5 =	vsub.f32 v8, v5  }
0x1f0: {  	[tilespmem:v11+s5+$0x0] =	vst.idx.add.s32.msk $0xffff, v1;
	v2 =	vsub.f32 v4, v2  }
0x1f1: {  	[tilespmem:v7+s5+$0x0] =	vst.idx.add.s32.msk $0xffff, v1;
	v6 =	vsub.f32 v10, v6;
	v7 =	vand.u32 $0x7FFFFFFF, v5  }
0x1f2: {  	[tilespmem:s12+$0xA010] =	vst v5;
	v5 =	vand.u32 $0x7FFFFFFF, v2;
	v7 =	vshrl.u32 v7, $0x10;
	v3 =	vsub.f32 v12, v3  }
0x1f3: {  	[tilespmem:v9+s5+$0x0] =	vst.idx.add.s32.msk $0xffff, v1;
	v5 =	vshrl.u32 v5, $0x10;
	v4 =	vand.u32 $0x7FFFFFFF, v6  }
0x1f4: {  	[tilespmem:s12+$0xA000] =	vst v6;
	v4 =	vshrl.u32 v4, $0x10;
	v6 =	vand.u32 $0x7FFFFFFF, v3  }
0x1f5: {  	[tilespmem:s12+$0xA030] =	vst v2;
	v2 =	vshrl.u32 v6, $0x10  }
0x1f6: {  	[tilespmem:s12+$0xA020] =	vst v3  }
0x1f7: {  	[tilespmem:v7+s5+$0x0] =	vst.idx.add.s32.msk $0xffff, v1  }
0x1f8: {  	[tilespmem:v5+s5+$0x0] =	vst.idx.add.s32.msk $0xffff, v1  }
0x1f9: {  	[tilespmem:v4+s5+$0x0] =	vst.idx.add.s32.msk $0xffff, v1  }
0x1fa: {  	s16 =	simm.s32 $0x0;
	[tilespmem:v2+s5+$0x0] =	vst.idx.add.s32.msk $0xffff, v1  }
0x1fb: {  	[hbm4b:s29+s16] =	stream.linear.scatter [tilespmem:s8], [sflag:$0x3], $0x2000, $0x38;
	[tilespmem:$0x14000] =	vst v63  }
0x1fc: {  	_ =	swait.ge [sflag:s4], $0x2000  }
0x1fd: {  	[sflag:s4] =	ssyncset.done $0x0  }
0x1fe: {  	[sflag:s4] =	ssyncadd.s32 $0xFFFFE000  }
0x1ff: {  	_ =	swait.ge [sflag:s4], $0x2000  }
0x200: {  	[sflag:s4] =	ssyncset.done $0x0  }
0x201: {  	s13 =	sand.u32 $0x1000, s16;
	s14 =	sand.u32 $0xC00, s16;
	[sflag:s4] =	ssyncadd.s32 $0xFFFFE000  }
0x202: {  	s17 =	sand.u32 $0x380, s16;
	s13 =	sor.u32 s14, s13;
	_ =	swait.ge [sflag:s9], $0x2000  }
0x203: {  	s13 =	sor.u32 s17, s13;
	s12 =	sand.u32 $0x40, s16;
	[sflag:s9] =	ssyncset.done $0x0  }
0x204: {  	s14 =	sor.u32 s12, s13;
	[sflag:s9] =	ssyncadd.s32 $0xFFFFE000  }
0x205: {  	v5 =	vld [tilespmem:s14+$0x2030]  }
0x206: {  	v2 =	vld [tilespmem:s14+$0x2010]  }
0x207: {  	v3 =	vld [tilespmem:s14+$0x10]  }
0x208: {  	v7 =	vld [tilespmem:s14+$0x2000]  }
0x209: {  	s18 =	simm.s32 $0x200;
	s15 =	simm.s32 $0x40;
	v8 =	vld [tilespmem:s14+$0x0]  }
0x20a: {  	s12 =	sand.u32 $0xC00, s18;
	s13 =	simm.s32 $0x10;
	s16 =	sand.u32 $0x1000, s15;
	v6 =	vld [tilespmem:s14+$0x30]  }
0x20b: {  	s19 =	sand.u32 $0x380, s13;
	s12 =	sor.u32 s12, s16;
	v9 =	vld [tilespmem:s14+$0x2020]  }
0x20c: {  	s15 =	sand.u32 $0x40, s15;
	s12 =	sor.u32 s19, s12;
	v11 =	vld [tilespmem:s14+$0x20]  }
0x20d: {  	s12 =	sor.u32 s15, s12;
	v10 =	vsub.f32 v3, v2  }
0x20e: {  	v4 =	vld [tilespmem:s12+$0x30];
	v7 =	vsub.f32 v8, v7  }
0x20f: {  	v2 =	vld [tilespmem:s12+$0x2030];
	v63 =	vand.u32 $0x7FFFFFFF, v10;
	[tilespmem:s14+$0x8010] =	vst v10  }
0x210: {  	v3 =	vld [tilespmem:s12+$0x2020];
	v10 =	vsub.f32 v6, v5;
	[tilespmem:s14+$0x8000] =	vst v7;
	v7 =	vand.u32 $0x7FFFFFFF, v7;
	v12 =	vshrl.u32 v63, $0x10  }
0x211: {  	v9 =	vsub.f32 v11, v9;
	v8 =	vld [tilespmem:s12+$0x10];
	v11 =	vshrl.u32 v7, $0x10  }
0x212: {  	v5 =	vld [tilespmem:s12+$0x2010];
	v13 =	vand.u32 $0x7FFFFFFF, v10  }
0x213: {  	v6 =	vld [tilespmem:s12+$0x2000];
	[tilespmem:s14+$0x8020] =	vst v9;
	v9 =	vand.u32 $0x7FFFFFFF, v9;
	v7 =	vshrl.u32 v13, $0x10  }
0x214: {  	v9 =	vshrl.u32 v9, $0x10;
	[tilespmem:s14+$0x8030] =	vst v10;
	v10 =	vld [tilespmem:s12+$0x0]  }
0x215: {  	s16 =	simm.s32 $0x80;
	s15 =	simm.s32 $0x400;
	s14 =	simm.s32 $0x4;
	[tilespmem:v12+s5+$0x0] =	vst.idx.add.s32.msk $0xffff, v1  }
.LBB2_20:
0x216: {  	s17 =	sand.u32 $0x1000, s16;
	s18 =	sand.u32 $0xC00, s15;
	s13 =	sadd.s32 $0x10, s13;
	[tilespmem:v11+s5+$0x0] =	vst.idx.add.s32.msk $0xffff, v1  }
0x217: {  	s14 =	sadd.s32 $0x4, s14;
	s17 =	sor.u32 s18, s17;
	s18 =	sand.u32 $0x380, s13;
	v5 =	vsub.f32 v8, v5;
	v8 =	vld [tilespmem:s12+$0x20]  }
0x218: {  	s19 =	sand.u32 $0x40, s16;
	p0 =	slt.u32 s14, $0x1FC;
	s17 =	sor.u32 s18, s17;
	[tilespmem:v7+s5+$0x0] =	vst.idx.add.s32.msk $0xffff, v1  }
0x219: {  	s17 =	sor.u32 s19, s17;
	v6 =	vsub.f32 v10, v6;
	v7 =	vand.u32 $0x7FFFFFFF, v5;
	[tilespmem:v9+s5+$0x0] =	vst.idx.add.s32.msk $0xffff, v1  }
0x21a: {  	[tilespmem:s12+$0x8010] =	vst v5;
	v5 =	vsub.f32 v4, v2;
	v2 =	vld [tilespmem:s17+$0x2030]  }
0x21b: {  	v4 =	vld [tilespmem:s17+$0x30];
	[tilespmem:s12+$0x8000] =	vst v6;
	v6 =	vand.u32 $0x7FFFFFFF, v6  }
0x21c: {  	v12 =	vshrl.u32 v7, $0x10;
	v9 =	vsub.f32 v8, v3;
	v3 =	vld [tilespmem:s17+$0x2020];
	[tilespmem:s12+$0x8030] =	vst v5;
	v7 =	vand.u32 $0x7FFFFFFF, v5  }
.Ltmp9:
0x21d: {  	v11 =	vshrl.u32 v6, $0x10;
	v5 =	vld [tilespmem:s17+$0x2010];
	v7 =	vshrl.u32 v7, $0x10;
	(pc) =	sbr.rel @p0 .LBB2_20-.Ltmp9, $4  }
0x21e: {  	v8 =	vld [tilespmem:s17+$0x10];
	[tilespmem:s12+$0x8020] =	vst v9;
	v9 =	vand.u32 $0x7FFFFFFF, v9;
	s12 =	smov.u32 s17  }
0x21f: {  	v6 =	vld [tilespmem:s12+$0x2000];
	v9 =	vshrl.u32 v9, $0x10  }
0x220: {  	v10 =	vld [tilespmem:s12+$0x0]  }
0x221: {  	s15 =	sadd.s32 $0x200, s15;
	s16 =	sadd.s32 $0x40, s16;
	[tilespmem:v12+s5+$0x0] =	vst.idx.add.s32.msk $0xffff, v1  }
0x222: {  	_ = 	snop  }
0x223: {  	v12 =	vld [tilespmem:s12+$0x20];
	_ =	sdelay $0x1  }
0x224: {  	v2 =	vsub.f32 v4, v2  }
0x225: {  	[tilespmem:v11+s5+$0x0] =	vst.idx.add.s32.msk $0xffff, v1;
	v5 =	vsub.f32 v8, v5  }
0x226: {  	[tilespmem:v7+s5+$0x0] =	vst.idx.add.s32.msk $0xffff, v1;
	v62 =	vand.u32 $0x7FFFFFFF, v2;
	v6 =	vsub.f32 v10, v6  }
0x227: {  	v60 =	vand.u32 $0x7FFFFFFF, v5;
	[tilespmem:s12+$0x8010] =	vst v5;
	v5 =	vshrl.u32 v62, $0x10;
	v3 =	vsub.f32 v12, v3  }
0x228: {  	[tilespmem:v9+s5+$0x0] =	vst.idx.add.s32.msk $0xffff, v1;
	v7 =	vshrl.u32 v60, $0x10;
	v61 =	vand.u32 $0x7FFFFFFF, v6  }
0x229: {  	[tilespmem:s12+$0x8030] =	vst v2;
	v4 =	vshrl.u32 v61, $0x10;
	v63 =	vand.u32 $0x7FFFFFFF, v3  }
0x22a: {  	[tilespmem:s12+$0x8000] =	vst v6;
	v2 =	vshrl.u32 v63, $0x10  }
0x22b: {  	[tilespmem:s12+$0x8020] =	vst v3  }
0x22c: {  	[tilespmem:v5+s5+$0x0] =	vst.idx.add.s32.msk $0xffff, v1  }
0x22d: {  	[tilespmem:v7+s5+$0x0] =	vst.idx.add.s32.msk $0xffff, v1  }
0x22e: {  	[tilespmem:v4+s5+$0x0] =	vst.idx.add.s32.msk $0xffff, v1  }
0x22f: {  	[tilespmem:v2+s5+$0x0] =	vst.idx.add.s32.msk $0xffff, v1  }
0x230: {  	[hbm4b:s30+s1] =	stream.linear.scatter [tilespmem:s6], [sflag:$0x3], $0x2000, $0x38;
	[tilespmem:$0x14000] =	vst v63  }
0x231: {  	_ = 	snop  }
0x232: {  	[hbm4b:s31+s1] =	stream.linear.scatter [tilespmem:s5], [sflag:$0x4], $0x8000, $0x38;
	[tilespmem:$0x14000] =	vst v63  }
0x233: {  	_ =	swait.ge [sflag:s10], $0x8000  }
0x234: {  	[sflag:s10] =	ssyncset.done $0x0  }
0x235: {  	s11 =	sadd.s32 $0x1, s11;
	[sflag:s10] =	ssyncadd.s32 $0xFFFF8000  }
0x236: {  	p0 =	sne.s32 s11, s23;
	_ =	swait.ge [sflag:s9], $0x2000  }
.Ltmp10:
0x237: {  	[sflag:s9] =	ssyncset.done $0x0;
	(pc) =	sbr.rel @p0 .LBB2_1-.Ltmp10, $4  }
0x238: {  	[sflag:s9] =	ssyncadd.s32 $0xFFFFE000  }
0x239: {  	_ =	swait.ge [sflag:s9], $0x2000  }
0x23a: {  	[sflag:s9] =	ssyncset.done $0x0  }
0x23b: {  	[sflag:s9] =	ssyncadd.s32 $0xFFFFE000  }
0x23c: {  	_ =	sfence.sel $0x180000  }
0x23d: {  	[bflag:$0x0] =	sbarrier.arrive $0xFFFF  }
0x23e: {  	_ =	strace $0x90000047  }
0x23f: {  	s0 =	stileid.u32;
	[bflag:$0x2] =	sbarrier.arrive $0xFFFF  }
0x240: {  	p0 =	sne.s32 s0, $0x0;
	s0 =	rddreg [dreg:$0x4]  }
0x241: {  	s0 =	sadd.s32 @!p0 $0x100000, s0  }
0x242: {  	[sflag:s0] =	ssyncadd.tile.s32 @!p0 $0x1;
	_ =	shalt  }
.Lfunc_end2:
_tile_overlayer_lowered:
.L_overlay_start_2:
0x243: {  	(tag) =	ssettag $0x2  }
0x244: {  	s0 =	rddreg [dreg:$0x0];
	s2 =	stileid.u32  }
0x245: {  	s1 =	rddreg [dreg:$0x1];
	p0 =	sne.s32 s2, $0x0  }
0x246: {  	s3 =	rddreg [dreg:$0x2];
	[bflag:$0x3] =	sbarrier.arrive $0xFFFF;
	s2 =	simm.s32 @!p0 $0x1C04  }
0x247: {  	[timem:s3], [sflag:s2] =	dma.local @!p0 [hbm:s0], s1  }
0x248: {  	s0 =	simm.s32 @!p0 $0x4  }
0x249: {  	_ =	swait.ge @!p0 [sflag:s0], s1  }
0x24a: {  	s1 =	ssub.s32 @!p0 $0x0, s1;
	[sflag:s0] =	ssyncset.done @!p0 $0x0  }
0x24b: {  	[sflag:s0] =	ssyncadd.s32 @!p0 s1  }
0x24c: {  	[bflag:$0x3] =	sbarrier.arrive $0xFFFF  }
0x24d: {  	_ =	shalt  }

// kernel: kernel.9.cloned.1.call-start
scs
__scs_entry_jumppad:
0x0: {  	(pc) =	sbr.rel $0x88, $3  }
0x1: {  	(tag) =	ssettag $0x0;
	lr =	simm.s32 $0x1  }
0x2: {  	[smem:$0x3F9E] =	sst lr;
	_ =	strace $0xD0000000  }
0x3: {  	_ = 	snop  }
0x4: {  	_ = 	snop  }
0x5: {  	_ = 	snop  }
0x6: {  	_ = 	snop  }
0x7: {  	_ = 	snop  }
__scs_overlays_trampoline_lowered:
0x8: {  	[smem:$0x3FAD] =	sst s0  }
0x9: {  	[smem:$0x3FAE] =	sst s1  }
0xa: {  	[smem:$0x3FAF] =	sst s2  }
0xb: {  	[smem:$0x3FB0] =	sst s3  }
0xc: {  	[smem:$0x3FB1] =	sst s4  }
0xd: {  	[smem:$0x3FB2] =	sst s5  }
0xe: {  	[smem:$0x3FB3] =	sst s6  }
0xf: {  	[smem:$0x3FB4] =	sst s7  }
0x10: {  	[smem:$0x3FB5] =	sst s8  }
0x11: {  	[smem:$0x3FB6] =	sst s9;
	s0 =	simm.s32 @!p0 $0x0  }
0x12: {  	s1 =	sld [smem:$0x3F9C];
	s0 =	simm.s32 @p0 $0x1  }
0x13: {  	[smem:$0x3FB7] =	sst s0;
	s0 =	simm.s32 @!p1 $0x0  }
0x14: {  	s2 =	sld [smem:$0x3F9B];
	s0 =	simm.s32 @p1 $0x1  }
0x15: {  	[smem:$0x3FB8] =	sst s0;
	s0 =	simm.s32 @!p2 $0x0  }
0x16: {  	s3 =	sld [smem:$0x3FDB];
	s0 =	simm.s32 @p2 $0x1  }
0x17: {  	s4 =	simm.s32 $0x1BF5;
	[smem:$0x3FBA] =	sst s0  }
0x18: {  	s0 =	sld [smem:$0x3F9D];
	_ =	swait.ge [sflag:s4], $0x0  }
0x19: {  	s7 =	sld [smem:$0x3F9E]  }
0x1a: {  	s8 =	sadd.s32 $0xFFFFE003, lr  }
0x1b: {  	s9 =	sadd.s32 $0xFFFFFEF7, lr;
	s5 =	simm.s32 $0xFFFFFFFF;
	p2 =	slt.u32 s8, $0xFFFFF086  }
0x1c: {  	p1 =	slt.u32 s9, $0xF7A;
	s5 =	simm.s32 @!p2 $0x0  }
0x1d: {  	s5 =	simm.s32 @p1 $0x1;
	p0 =	seq.s32 s7, s2  }
0x1e: {  	s7 =	smul.u32 @!p0 $0xF7A, s2;
	p2 =	seq.s32 @!p0 s5, $0x0  }
0x1f: {  	s9 =	smul.u32 $0xF7A, s1;
	s8 =	simm.s32 @!p0 $0x1BF5;
	p2 =	por !p2, p0  }
0x20: {  	[sflag:s8] =	ssyncset.s32 @!p0 $0xFFFFF086;
	s6 =	sadd.s32 @!p0 s3, s7;
	s7 =	simm.s32 @!p0 $0x108  }
0x21: {  	s3 =	sadd.s32 s3, s9;
	s6 =	sadd.s32 @!p0 $0x88, s6;
	s7 =	simm.s32 @p2 $0x1082  }
0x22: {  	[simem:s7], [sflag:s8] =	dma.local @!p0 [hbm:s6], $0xF7A  }
0x23: {  	s9 =	sor.u32 $0xD0000000, s2;
	s6 =	simm.s32 $0x108;
	_ =	swait.ge @!p0 [sflag:s8], $0x0  }
0x24: {  	s3 =	sadd.s32 $0x88, s3;
	s6 =	simm.s32 @!p1 $0x1082;
	[sflag:s4] =	ssyncset.s32 $0xFFFFF086  }
0x25: {  	[simem:s6], [sflag:s4] =	dma.local [hbm:s3], $0xF7A  }
0x26: {  	[smem:$0x3F9E] =	sst s1;
	(tag) =	ssettag s2;
	_ =	strace s9  }
0x27: {  	s1 =	sld [smem:$0x3FAE]  }
0x28: {  	s2 =	sld [smem:$0x3FAF]  }
0x29: {  	s4 =	sld [smem:$0x3FB1]  }
0x2a: {  	p0 =	seq.s32 s5, $0x0;
	s5 =	sld [smem:$0x3FB2]  }
0x2b: {  	s6 =	sld [smem:$0x3FB3]  }
0x2c: {  	s7 =	sld [smem:$0x3FB4]  }
0x2d: {  	s3 =	simm.s32 $0x108;
	s8 =	sld [smem:$0x3FB5]  }
0x2e: {  	s3 =	simm.s32 @!p0 $0x1082;
	s9 =	sld [smem:$0x3FB6]  }
0x2f: {  	lr =	sadd.s32 s0, s3;
	s0 =	sld [smem:$0x3FAD]  }
0x30: {  	s3 =	sld [smem:$0x3FB0]  }
0x31: {  	[smem:$0x3FB9] =	sst s10  }
0x32: {  	s10 =	sld [smem:$0x3FB7];
	_ =	sdelay $0x3  }
0x33: {  	p0 =	seq.s32 s10, $0x1;
	s10 =	sld [smem:$0x3FB9];
	_ =	sdelay $0x3  }
0x34: {  	[smem:$0x3FB9] =	sst s10  }
0x35: {  	s10 =	sld [smem:$0x3FB8];
	_ =	sdelay $0x3  }
0x36: {  	p1 =	seq.s32 s10, $0x1;
	s10 =	sld [smem:$0x3FB9];
	_ =	sdelay $0x3  }
0x37: {  	[smem:$0x3FB9] =	sst s10  }
0x38: {  	s10 =	sld [smem:$0x3FBA]  }
0x39: {  	_ = 	snop;
	(pc) =	sbr.ind lr, $3  }
0x3a: {  	_ = 	snop  }
0x3b: {  	_ = 	snop  }
0x3c: {  	p2 =	seq.s32 s10, $0x1;
	s10 =	sld [smem:$0x3FB9]  }
0x3d: {  	_ =	shalt  }
0x3e: {  	_ =	shalt  }
0x3f: {  	_ =	shalt  }
0x40: {  	_ =	shalt  }
0x41: {  	_ =	shalt  }
0x42: {  	_ =	shalt  }
0x43: {  	_ =	shalt  }
0x44: {  	_ =	shalt  }
0x45: {  	_ =	shalt  }
0x46: {  	_ =	shalt  }
0x47: {  	_ =	shalt  }
0x48: {  	_ =	shalt  }
0x49: {  	_ =	shalt  }
0x4a: {  	_ =	shalt  }
0x4b: {  	_ =	shalt  }
0x4c: {  	_ =	shalt  }
0x4d: {  	_ =	shalt  }
0x4e: {  	_ =	shalt  }
0x4f: {  	_ =	shalt  }
0x50: {  	_ =	shalt  }
0x51: {  	_ =	shalt  }
0x52: {  	_ =	shalt  }
0x53: {  	_ =	shalt  }
0x54: {  	_ =	shalt  }
0x55: {  	_ =	shalt  }
0x56: {  	_ =	shalt  }
0x57: {  	_ =	shalt  }
0x58: {  	_ =	shalt  }
0x59: {  	_ =	shalt  }
0x5a: {  	_ =	shalt  }
0x5b: {  	_ =	shalt  }
0x5c: {  	_ =	shalt  }
0x5d: {  	_ =	shalt  }
0x5e: {  	_ =	shalt  }
0x5f: {  	_ =	shalt  }
0x60: {  	_ =	shalt  }
0x61: {  	_ =	shalt  }
0x62: {  	_ =	shalt  }
0x63: {  	_ =	shalt  }
0x64: {  	_ =	shalt  }
0x65: {  	_ =	shalt  }
0x66: {  	_ =	shalt  }
0x67: {  	_ =	shalt  }
0x68: {  	_ =	shalt  }
0x69: {  	_ =	shalt  }
0x6a: {  	_ =	shalt  }
0x6b: {  	_ =	shalt  }
0x6c: {  	_ =	shalt  }
0x6d: {  	_ =	shalt  }
0x6e: {  	_ =	shalt  }
0x6f: {  	_ =	shalt  }
0x70: {  	_ =	shalt  }
0x71: {  	_ =	shalt  }
0x72: {  	_ =	shalt  }
0x73: {  	_ =	shalt  }
0x74: {  	_ =	shalt  }
0x75: {  	_ =	shalt  }
0x76: {  	_ =	shalt  }
0x77: {  	_ =	shalt  }
0x78: {  	_ =	shalt  }
0x79: {  	_ =	shalt  }
0x7a: {  	_ =	shalt  }
0x7b: {  	_ =	shalt  }
0x7c: {  	_ =	shalt  }
0x7d: {  	_ =	shalt  }
0x7e: {  	_ =	shalt  }
0x7f: {  	_ =	shalt  }
0x80: {  	_ =	shalt  }
0x81: {  	_ =	shalt  }
0x82: {  	_ =	shalt  }
0x83: {  	_ =	shalt  }
0x84: {  	_ =	shalt  }
0x85: {  	_ =	shalt  }
0x86: {  	_ =	shalt  }
0x87: {  	_ =	shalt  }
.Lfunc_end0:
.L_simem_size_0:
called_computation.1_lowered:
.L_overlay_start_0:
0x88: {  	s2 =	sld [smem:$0x3FD9]  }
0x89: {  	s3 =	sld [smem:$0x3FFE];
	_ =	sdelay $0x1  }
0x8a: {  	s1 =	srdreg.scid  }
0x8b: {  	s0 =	sand.u32 $0x1, s1  }
0x8c: {  	s14 =	sshll.u32 s0, $0xA;
	s2 =	sadd.s32 s3, s2  }
0x8d: {  	s2 =	sadd.s32 s2, s14  }
0x8e: {  	[smem:$0x3FC5] =	sst s2  }
0x8f: {  	_ = 	snop  }
0x90: {  	s2 =	sld [smem:$0x3FD0];
	_ =	sdelay $0x2  }
0x91: {  	s15 =	simm.s32 $0xA;
	s4 =	simm.s32 $0x10  }
0x92: {  	[smem:s4], [sflag:s15] =	dma.local [hbm:s2], $0x1  }
0x93: {  	_ =	swait.eq [sflag:s15], $0x1  }
0x94: {  	[sflag:s15] =	ssyncset.done $0x0  }
0x95: {  	[sflag:s15] =	ssyncadd.s32 $0xFFFFFFFF  }
0x96: {  	s16 =	sld [smem:$0x10];
	(tm) =	ssettm $0x1  }
0x97: {  	s17 =	sld [smem:$0x3FFB];
	_ =	sdelay $0x3  }
0x98: {  	_ =	strace s17  }
0x99: {  	s3 =	sld [smem:$0x3FFC];
	_ =	sdelay $0x3  }
0x9a: {  	_ =	strace s3  }
0x9b: {  	s3 =	sld [smem:$0x3FFD];
	_ =	sdelay $0x3  }
0x9c: {  	_ =	strace s3  }
0x9d: {  	_ =	strace $0x8FFFFFFF  }
0x9e: {  	s18 =	sld [smem:$0x3FDB];
	_ =	sdelay $0x1  }
0x9f: {  	s19 =	simm.s32 $_scs_section_size  }
0xa0: {  	s5 =	simm.s32 $_size__tile_overlayer_lowered;
	s6 =	simm.s32 $_tile_overlayer_lowered  }
0xa1: {  	s22 =	simm.s32 $0x1BFF;
	s21 =	sshll.u32 s6, $0x1;
	s3 =	sadd.s32 s19, s18  }
0xa2: {  	s7 =	simm.s32 $0x0;
	s20 =	sshll.u32 s5, $0x1;
	s5 =	sadd.s32 s21, s3  }
0xa3: {  	[timem:s7], [sflag:s22] =	dma.local [hbm:s5], s20  }
0xa4: {  	_ =	swait.ge [sflag:s22], s20  }
0xa5: {  	s4 =	ssub.s32 $0x0, s20;
	[sflag:s22] =	ssyncset.done $0x0  }
0xa6: {  	[sflag:s22] =	ssyncadd.s32 s4;
	_ =	sdelay $0x1  }
0xa7: {  	s23 =	simm.s32 $0x1B8B  }
0xa8: {  	_ =	swait.ge [sflag:s23], $0x1  }
0xa9: {  	[sflag:s23] =	ssyncset.done $0x0  }
0xaa: {  	s25 =	simm.s32 $0x1B8E;
	s24 =	sld [smem:$0x3FFE];
	[sflag:s23] =	ssyncadd.s32 $0xFFFFFFFF  }
0xab: {  	s26 =	simm.s32 $execute0_lowered;
	[smem:$0x3FD2] =	sst s25  }
0xac: {  	s5 =	sshll.u32 s26, $0x1;
	_ =	strace $0x80000049;
	[dreg:$0x1] =	wrdreg $0xFFFFFFFF  }
0xad: {  	s28 =	simm.s32 $_size_execute0_lowered;
	s3 =	sadd.s32 s3, s5;
	[dreg:$0x0] =	wrdreg $0x0  }
0xae: {  	s5 =	sshll.u32 s28, $0x1;
	[dreg:$0x2] =	wrdreg s3  }
0xaf: {  	[dreg:$0x3] =	wrdreg s5  }
0xb0: {  	[dreg:$0x4] =	wrdreg $0xC0  }
0xb1: {  	_ =	task [dreg:s7], $0x5FFFF  }
0xb2: {  	[dreg:$0x1] =	wrdreg $0xFFFFFFFF  }
0xb3: {  	[dreg:$0x0] =	wrdreg $0x60  }
0xb4: {  	[dreg:$0x2] =	wrdreg s16  }
0xb5: {  	[dreg:$0x3] =	wrdreg s24  }
0xb6: {  	[dreg:$0x4] =	wrdreg $0x9  }
0xb7: {  	_ =	task.clear_ibuf [dreg:s7], $0x5FFFF;
	_ =	strace $0x90000049  }
0xb8: {  	s29 =	simm.s32 $0x9;
	_ =	strace $0x8000004B  }
0xb9: {  	_ =	swait.ge [sflag:s29], $0x1  }
0xba: {  	[sflag:s29] =	ssyncadd.s32 $0xFFFFFFFF  }
0xbb: {  	_ =	strace $0x9000004B  }
0xbc: {  	_ =	sfence  }
0xbd: {  	s30 =	sld [smem:$0x0];
	_ =	sdelay $0x2  }
0xbe: {  	s31 =	sshll.u32 s1, $0xD;
	s1 =	sshrl.u32 s1, $0x2  }
0xbf: {  	s3 =	sand.u32 $0x4000, s31;
	s1 =	sadd.s32 s1, s30  }
0xc0: {  	s0 =	sor.u32 s3, s0;
	s1 =	sshll.u32 s1, $0x11  }
0xc1: {  	s0 =	sor.u32 s1, s0  }
0xc2: {  	s0 =	sadd.s32 $0x8F2B, s0  }
0xc3: {  	[sflag:s0] =	ssyncadd.remote.s32 $0x1  }
0xc4: {  	_ =	sfence.sel $0xFFFF  }
0xc5: {  	[dreg:$0x0] =	wrdreg $0xFFFFFFFF;
	(pc) =	sbr.abs _section_cstart, $3  }
0xc6: {  	[dreg:$0x1] =	wrdreg $0xFFFFFFFF  }
0xc7: {  	_ =	task.clear_ibuf [dreg:s7], $0x2FFFF;
	_ =	strace $0x9FFFFFFF  }
0xc8: {  	(tm) =	ssettm $0x7FFFFFFF  }
0xc9: {  	_ =	shalt  }
tec
execute0_lowered:
.L_overlay_start_1:
0x0: {  	(tag) =	ssettag $0x1  }
0x1: {  	s4 =	rddreg [dreg:$0x0]  }
0x2: {  	s5 =	rddreg [dreg:$0x1]  }
0x3: {  	s0 =	rddreg [dreg:$0x2]  }
0x4: {  	s3 =	srdreg.scid;
	s1 =	stileid.u32;
	s2 =	simm.s32 $0x0  }
0x5: {  	s15 =	simm.s32 $0x14000;
	s16 =	simm.s32 $0x3;
	s17 =	simm.s32 $0x2000  }
0x6: {  	s18 =	simm.s32 $0x1;
	s19 =	simm.s32 $0x4000;
	s20 =	simm.s32 $0x2  }
0x7: {  	s21 =	simm.s32 $0x0;
	s6 =	sand.u32 $0x1, s3;
	s31 =	sshll.u32 s1, $0x1  }
0x8: {  	[smem:$0x7FF] =	sst s2;
	s3 =	sadd.s32 $0x2200, s5;
	s7 =	sor.u32 s6, s31  }
0x9: {  	_ =	strace $0x8000004A;
	s6 =	ssub.s32 $0x2, s6;
	s8 =	smul.u32 $0x12000, s7  }
0xa: {  	s9 =	sshll.u32 s7, $0xD;
	s10 =	sshrl.u32 s6, $0x1;
	s7 =	smul.u32 $0x2400, s7  }
0xb: {  	s13 =	sadd.s32 s9, s5;
	s14 =	ssub.s32 s6, s10;
	s8 =	sshrl.u32 s8, $0x3  }
0xc: {  	s13 =	sadd.s32 $0x2400, s13;
	s14 =	smax.u32 s14, $0x1;
	s12 =	sadd.s32 s4, s8  }
0xd: {  	s4 =	sadd.s32 s4, s7;
	s5 =	sadd.s32 $0x400, s12;
	s6 =	sadd.s32 $0x800, s12  }
0xe: {  	s7 =	sadd.s32 $0xC00, s12;
	s8 =	sadd.s32 $0x1000, s12;
	s9 =	sadd.s32 $0x1400, s12  }
0xf: {  	v0 =	vimm.s32 $0x0;
	v1 =	vimm.s32 $0x1;
	s10 =	sadd.s32 $0x1800, s12;
	s11 =	sadd.s32 $0x1C00, s12;
	s12 =	sadd.s32 $0x2000, s12  }
.LBB2_1:
0x10: {  	[tilespmem:s2], [sflag:$0x1] =	stream.linear.gather [hbm4b:s4+s2], $0x2000, $0x38;
	[tilespmem:$0x14080] =	vst v63  }
0x11: {  	_ = 	snop  }
0x12: {  	[tilespmem:s15], [sflag:$0x3] =	stream.linear.gather [hbm4b:s3+s2], $0x10, $0x38;
	[tilespmem:$0x14080] =	vst v63  }
0x13: {  	_ =	swait.ge [sflag:s16], $0x10  }
0x14: {  	[sflag:s16] =	ssyncset.done $0x0  }
0x15: {  	s22 =	simm.s32 $0x4040;
	[sflag:s16] =	ssyncadd.s32 $0xFFFFFFF0  }
0x16: {  	v2 =	vld [tilespmem:$0x14000];
	[tilespmem:s22+$0xFFFFFFC0] =	vst v0  }
0x17: {  	[tilespmem:s22+$0x30] =	vst v0  }
0x18: {  	[tilespmem:s22+$0x20] =	vst v0  }
0x19: {  	[tilespmem:s22+$0x10] =	vst v0  }
0x1a: {  	[tilespmem:s22+$0x0] =	vst v0  }
0x1b: {  	[tilespmem:s22+$0xFFFFFFF0] =	vst v0  }
0x1c: {  	s23 =	simm.s32 $0x0;
	[tilespmem:s22+$0xFFFFFFE0] =	vst v0  }
.LBB2_2:
0x1d: {  	s23 =	sadd.s32 $0x8, s23;
	[tilespmem:s22+$0xFFFFFFD0] =	vst v0;
	s22 =	sadd.s32 $0x80, s22  }
0x1e: {  	[tilespmem:s22+$0xFFFFFFC0] =	vst v0;
	p0 =	slt.u32 s23, $0xFF8  }
0x1f: {  	[tilespmem:s22+$0x30] =	vst v0  }
.Ltmp0:
0x20: {  	[tilespmem:s22+$0x20] =	vst v0;
	(pc) =	sbr.rel @p0 .LBB2_2-.Ltmp0, $4  }
0x21: {  	[tilespmem:s22+$0x10] =	vst v0  }
0x22: {  	[tilespmem:s22+$0x0] =	vst v0  }
0x23: {  	[tilespmem:s22+$0xFFFFFFF0] =	vst v0  }
0x24: {  	[tilespmem:s22+$0xFFFFFFE0] =	vst v0  }
0x25: {  	[tilespmem:s22+$0xFFFFFFD0] =	vst v0;
	s28 =	simm.s32 $0x0  }
0x26: {  	[tilespmem:s17], [sflag:$0x2] =	stream.linear.gather [hbm4b:s5+s28], $0x2000, $0x38;
	[tilespmem:$0x14080] =	vst v63  }
0x27: {  	s23 =	sand.u32 $0x1000, s28;
	s24 =	sand.u32 $0xC00, s28  }
0x28: {  	s25 =	sand.u32 $0x380, s28;
	_ =	swait.ge [sflag:s18], $0x2000;
	s23 =	sor.u32 s24, s23  }
0x29: {  	s22 =	sand.u32 $0x40, s28;
	[sflag:s18] =	ssyncset.done $0x0;
	s23 =	sor.u32 s25, s23  }
0x2a: {  	[sflag:s18] =	ssyncadd.s32 $0xFFFFE000;
	s22 =	sor.u32 s22, s23  }
0x2b: {  	v3 =	vld [tilespmem:s22+$0x30]  }
0x2c: {  	v4 =	vld [tilespmem:s22+$0x0]  }
0x2d: {  	s29 =	simm.s32 $0x200;
	s30 =	simm.s32 $0x40  }
0x2e: {  	s31 =	simm.s32 $0x10;
	s26 =	sand.u32 $0x1000, s30;
	s23 =	sand.u32 $0xC00, s29  }
0x2f: {  	s25 =	sand.u32 $0x380, s31;
	v5 =	vld [tilespmem:s22+$0x10];
	s23 =	sor.u32 s23, s26  }
0x30: {  	v6 =	vld [tilespmem:s22+$0x20];
	s26 =	sand.u32 $0x40, s30;
	s23 =	sor.u32 s25, s23;
	v3 =	vand.u32 $0x7FFFFFFF, v3  }
0x31: {  	s22 =	sor.u32 s26, s23;
	v4 =	vand.u32 $0x7FFFFFFF, v4;
	v7 =	vshrl.u32 v3, $0x10  }
0x32: {  	v8 =	vshrl.u32 v4, $0x10;
	vm0 =	veq.s32 v7, v2;
	v7 =	vld [tilespmem:s22+$0x30]  }
0x33: {  	v9 =	vand.u32 $0xFFFF, v3;
	vm2 =	veq.s32 v8, v2  }
0x34: {  	v10 =	vld [tilespmem:s22+$0x0];
	v3 =	vand.u32 $0x7FFFFFFF, v5;
	v8 =	vand.u32 $0xFFFF, v4  }
0x35: {  	s28 =	simm.s32 $0x400;
	s29 =	simm.s32 $0x80;
	v6 =	vand.u32 $0x7FFFFFFF, v6;
	v5 =	vld [tilespmem:s22+$0x10];
	v4 =	vshrl.u32 v3, $0x10  }
0x36: {  	s30 =	simm.s32 $0x20;
	s31 =	sand.u32 $0x1000, s29;
	s23 =	sand.u32 $0xC00, s28;
	v12 =	vld [tilespmem:s22+$0x20];
	v11 =	vshrl.u32 v6, $0x10;
	vm1 =	veq.s32 v4, v2  }
0x37: {  	s23 =	sor.u32 s23, s31;
	s22 =	sand.u32 $0x380, s30;
	v4 =	vand.u32 $0xFFFF, v3;
	v3 =	vand.u32 $0xFFFF, v6;
	v6 =	vand.u32 $0x7FFFFFFF, v7  }
0x38: {  	s24 =	sand.u32 $0x40, s29;
	vm3 =	veq.s32 v11, v2;
	s22 =	sor.u32 s22, s23;
	vm1 =	vmmov vm1;
	[tilespmem:v9+s19+$0x0] =	vst.idx.add.s32.msk vm0, v1;
	v7 =	vshrl.u32 v6, $0x10  }
0x39: {  	s23 =	sor.u32 s24, s22;
	v9 =	vand.u32 $0x7FFFFFFF, v10;
	vm0 =	vmmov vm3;
	[tilespmem:v8+s19+$0x0] =	vst.idx.add.s32.msk vm2, v1;
	vm3 =	veq.s32 v7, v2  }
0x3a: {  	v11 =	vand.u32 $0x7FFFFFFF, v5;
	v6 =	vand.u32 $0xFFFF, v6;
	v5 =	vshrl.u32 v9, $0x10;
	v7 =	vld [tilespmem:s23+$0x30]  }
0x3b: {  	v13 =	vand.u32 $0x7FFFFFFF, v12;
	v8 =	vshrl.u32 v11, $0x10;
	v10 =	vld [tilespmem:s23+$0x0];
	vm2 =	veq.s32 v5, v2  }
0x3c: {  	s25 =	simm.s32 $0xC0;
	v14 =	vshrl.u32 v13, $0x10;
	vm5 =	veq.s32 v8, v2;
	v8 =	vld [tilespmem:s23+$0x10];
	v5 =	vand.u32 $0xFFFF, v9  }
0x3d: {  	s22 =	simm.s32 $0x8;
	s24 =	simm.s32 $0x600;
	vm4 =	veq.s32 v14, v2;
	v12 =	vand.u32 $0xFFFF, v11;
	v11 =	vand.u32 $0xFFFF, v13;
	v9 =	vld [tilespmem:s23+$0x20];
	s23 =	simm.s32 $0x30  }
.LBB2_4:
0x3e: {  	s26 =	sand.u32 $0x1000, s25;
	s28 =	sand.u32 $0xC00, s24;
	s22 =	sadd.s32 $0x4, s22;
	[tilespmem:v4+s19+$0x0] =	vst.idx.add.s32.msk vm1, v1;
	v4 =	vmov v12;
	vm1 =	vmmov vm5  }
0x3f: {  	s29 =	sand.u32 $0x380, s23;
	s26 =	sor.u32 s28, s26;
	p0 =	slt.u32 s22, $0x1FC;
	v12 =	vand.u32 $0x7FFFFFFF, v7;
	[tilespmem:v6+s19+$0x0] =	vst.idx.add.s32.msk vm3, v1  }
0x40: {  	s28 =	sand.u32 $0x40, s25;
	s26 =	sor.u32 s29, s26;
	v13 =	vand.u32 $0x7FFFFFFF, v10;
	v6 =	vshrl.u32 v12, $0x10;
	[tilespmem:v3+s19+$0x0] =	vst.idx.add.s32.msk vm0, v1;
	v3 =	vmovc v11;
	vm0 =	vmmov vm4  }
.Ltmp1:
0x41: {  	s26 =	sor.u32 s28, s26;
	v11 =	vshrl.u32 v13, $0x10;
	v14 =	vand.u32 $0x7FFFFFFF, v8;
	vm3 =	veq.s32 v6, v2;
	[tilespmem:v5+s19+$0x0] =	vst.idx.add.s32.msk vm2, v1;
	(pc) =	sbr.rel @p0 .LBB2_4-.Ltmp1, $4  }
0x42: {  	v6 =	vand.u32 $0xFFFF, v12;
	v7 =	vld [tilespmem:s26+$0x30];
	v5 =	vshrl.u32 v14, $0x10;
	v15 =	vand.u32 $0x7FFFFFFF, v9  }
0x43: {  	vm2 =	veq.s32 v11, v2;
	v10 =	vld [tilespmem:s26+$0x0];
	vm5 =	veq.s32 v5, v2;
	v9 =	vshrl.u32 v15, $0x10  }
0x44: {  	v12 =	vand.u32 $0xFFFF, v14;
	v5 =	vand.u32 $0xFFFF, v13;
	v8 =	vld [tilespmem:s26+$0x10];
	vm4 =	veq.s32 v9, v2  }
0x45: {  	s23 =	sadd.s32 $0x10, s23;
	s24 =	sadd.s32 $0x200, s24;
	s25 =	sadd.s32 $0x40, s25;
	v11 =	vand.u32 $0xFFFF, v15;
	v9 =	vld [tilespmem:s26+$0x20]  }
0x46: {  	_ =	sdelay $0x1  }
0x47: {  	vm5 =	vmmov vm5;
	v7 =	vand.u32 $0x7FFFFFFF, v7  }
0x48: {  	vm4 =	vmmov vm4;
	v10 =	vand.u32 $0x7FFFFFFF, v10;
	v13 =	vshrl.u32 v7, $0x10  }
0x49: {  	v7 =	vand.u32 $0xFFFF, v7;
	vm6 =	veq.s32 v13, v2;
	v8 =	vand.u32 $0x7FFFFFFF, v8  }
0x4a: {  	[tilespmem:v4+s19+$0x0] =	vst.idx.add.s32.msk vm1, v1;
	v13 =	vshrl.u32 v10, $0x10;
	v4 =	vshrl.u32 v8, $0x10;
	v9 =	vand.u32 $0x7FFFFFFF, v9  }
0x4b: {  	[tilespmem:v6+s19+$0x0] =	vst.idx.add.s32.msk vm3, v1;
	vm1 =	veq.s32 v13, v2;
	vm3 =	veq.s32 v4, v2;
	v4 =	vshrl.u32 v9, $0x10  }
0x4c: {  	[tilespmem:v3+s19+$0x0] =	vst.idx.add.s32.msk vm0, v1;
	v3 =	vand.u32 $0xFFFF, v10;
	vm0 =	veq.s32 v4, v2;
	vm3 =	vmmov vm3  }
0x4d: {  	[tilespmem:v5+s19+$0x0] =	vst.idx.add.s32.msk vm2, v1;
	v4 =	vand.u32 $0xFFFF, v8;
	vm0 =	vmmov vm0  }
0x4e: {  	v5 =	vand.u32 $0xFFFF, v9;
	[tilespmem:v12+s19+$0x0] =	vst.idx.add.s32.msk vm5, v1  }
0x4f: {  	[tilespmem:v11+s19+$0x0] =	vst.idx.add.s32.msk vm4, v1  }
0x50: {  	[tilespmem:v7+s19+$0x0] =	vst.idx.add.s32.msk vm6, v1  }
0x51: {  	[tilespmem:v3+s19+$0x0] =	vst.idx.add.s32.msk vm1, v1  }
0x52: {  	s22 =	simm.s32 $0x0;
	[tilespmem:v4+s19+$0x0] =	vst.idx.add.s32.msk vm3, v1  }
0x53: {  	s23 =	sand.u32 $0x1000, s22;
	s24 =	sand.u32 $0xC00, s22;
	[tilespmem:v5+s19+$0x0] =	vst.idx.add.s32.msk vm0, v1  }
0x54: {  	[tilespmem:s22], [sflag:$0x1] =	stream.linear.gather [hbm4b:s6+s22], $0x2000, $0x38;
	[tilespmem:$0x14080] =	vst v63  }
0x55: {  	s25 =	sand.u32 $0x380, s22;
	s23 =	sor.u32 s24, s23;
	_ =	swait.ge [sflag:s20], $0x2000  }
0x56: {  	s23 =	sor.u32 s25, s23;
	s22 =	sand.u32 $0x40, s22;
	[sflag:s20] =	ssyncset.done $0x0  }
0x57: {  	s22 =	sor.u32 s22, s23;
	[sflag:s20] =	ssyncadd.s32 $0xFFFFE000  }
0x58: {  	v3 =	vld [tilespmem:s22+$0x2030]  }
0x59: {  	v4 =	vld [tilespmem:s22+$0x2000]  }
0x5a: {  	s29 =	simm.s32 $0x200;
	s30 =	simm.s32 $0x40  }
0x5b: {  	s31 =	simm.s32 $0x10;
	s26 =	sand.u32 $0x1000, s30;
	s23 =	sand.u32 $0xC00, s29  }
0x5c: {  	s25 =	sand.u32 $0x380, s31;
	s23 =	sor.u32 s23, s26;
	v5 =	vld [tilespmem:s22+$0x2010]  }
0x5d: {  	s26 =	sand.u32 $0x40, s30;
	s23 =	sor.u32 s25, s23;
	v6 =	vld [tilespmem:s22+$0x2020];
	v3 =	vand.u32 $0x7FFFFFFF, v3  }
0x5e: {  	s22 =	sor.u32 s26, s23;
	v4 =	vand.u32 $0x7FFFFFFF, v4;
	v7 =	vshrl.u32 v3, $0x10  }
0x5f: {  	v8 =	vshrl.u32 v4, $0x10;
	vm0 =	veq.s32 v7, v2;
	v7 =	vld [tilespmem:s22+$0x2030]  }
0x60: {  	v9 =	vand.u32 $0xFFFF, v3;
	vm2 =	veq.s32 v8, v2  }
0x61: {  	v10 =	vld [tilespmem:s22+$0x2000];
	v3 =	vand.u32 $0x7FFFFFFF, v5;
	v8 =	vand.u32 $0xFFFF, v4  }
0x62: {  	s28 =	simm.s32 $0x400;
	s29 =	simm.s32 $0x80;
	v6 =	vand.u32 $0x7FFFFFFF, v6;
	v5 =	vld [tilespmem:s22+$0x2010];
	v4 =	vshrl.u32 v3, $0x10  }
0x63: {  	s30 =	simm.s32 $0x20;
	s31 =	sand.u32 $0x1000, s29;
	s23 =	sand.u32 $0xC00, s28;
	v12 =	vld [tilespmem:s22+$0x2020];
	v11 =	vshrl.u32 v6, $0x10;
	vm1 =	veq.s32 v4, v2  }
0x64: {  	s23 =	sor.u32 s23, s31;
	s22 =	sand.u32 $0x380, s30;
	v4 =	vand.u32 $0xFFFF, v3;
	v3 =	vand.u32 $0xFFFF, v6;
	v6 =	vand.u32 $0x7FFFFFFF, v7  }
0x65: {  	s24 =	sand.u32 $0x40, s29;
	vm3 =	veq.s32 v11, v2;
	s22 =	sor.u32 s22, s23;
	vm1 =	vmmov vm1;
	[tilespmem:v9+s19+$0x0] =	vst.idx.add.s32.msk vm0, v1;
	v7 =	vshrl.u32 v6, $0x10  }
0x66: {  	s23 =	sor.u32 s24, s22;
	v9 =	vand.u32 $0x7FFFFFFF, v10;
	vm0 =	vmmov vm3;
	[tilespmem:v8+s19+$0x0] =	vst.idx.add.s32.msk vm2, v1;
	vm3 =	veq.s32 v7, v2  }
0x67: {  	v11 =	vand.u32 $0x7FFFFFFF, v5;
	v6 =	vand.u32 $0xFFFF, v6;
	v5 =	vshrl.u32 v9, $0x10;
	v7 =	vld [tilespmem:s23+$0x2030]  }
0x68: {  	v13 =	vand.u32 $0x7FFFFFFF, v12;
	v8 =	vshrl.u32 v11, $0x10;
	v10 =	vld [tilespmem:s23+$0x2000];
	vm2 =	veq.s32 v5, v2  }
0x69: {  	s25 =	simm.s32 $0xC0;
	v14 =	vshrl.u32 v13, $0x10;
	vm5 =	veq.s32 v8, v2;
	v8 =	vld [tilespmem:s23+$0x2010];
	v5 =	vand.u32 $0xFFFF, v9  }
0x6a: {  	vm4 =	veq.s32 v14, v2;
	s22 =	simm.s32 $0x8;
	s24 =	simm.s32 $0x600;
	v12 =	vand.u32 $0xFFFF, v11;
	v11 =	vand.u32 $0xFFFF, v13;
	v9 =	vld [tilespmem:s23+$0x2020];
	s23 =	simm.s32 $0x30  }
.LBB2_6:
0x6b: {  	s26 =	sand.u32 $0x1000, s25;
	s28 =	sand.u32 $0xC00, s24;
	s22 =	sadd.s32 $0x4, s22;
	[tilespmem:v4+s19+$0x0] =	vst.idx.add.s32.msk vm1, v1;
	v4 =	vmov v12;
	vm1 =	vmmov vm5  }
0x6c: {  	s29 =	sand.u32 $0x380, s23;
	s26 =	sor.u32 s28, s26;
	p0 =	slt.u32 s22, $0x1FC;
	v12 =	vand.u32 $0x7FFFFFFF, v7;
	[tilespmem:v6+s19+$0x0] =	vst.idx.add.s32.msk vm3, v1  }
0x6d: {  	s28 =	sand.u32 $0x40, s25;
	s26 =	sor.u32 s29, s26;
	v13 =	vand.u32 $0x7FFFFFFF, v10;
	v6 =	vshrl.u32 v12, $0x10;
	[tilespmem:v3+s19+$0x0] =	vst.idx.add.s32.msk vm0, v1;
	v3 =	vmovc v11;
	vm0 =	vmmov vm4  }
.Ltmp2:
0x6e: {  	s26 =	sor.u32 s28, s26;
	v11 =	vshrl.u32 v13, $0x10;
	v14 =	vand.u32 $0x7FFFFFFF, v8;
	vm3 =	veq.s32 v6, v2;
	[tilespmem:v5+s19+$0x0] =	vst.idx.add.s32.msk vm2, v1;
	(pc) =	sbr.rel @p0 .LBB2_6-.Ltmp2, $4  }
0x6f: {  	v6 =	vand.u32 $0xFFFF, v12;
	v7 =	vld [tilespmem:s26+$0x2030];
	v5 =	vshrl.u32 v14, $0x10;
	v15 =	vand.u32 $0x7FFFFFFF, v9  }
0x70: {  	vm2 =	veq.s32 v11, v2;
	v10 =	vld [tilespmem:s26+$0x2000];
	vm5 =	veq.s32 v5, v2;
	v9 =	vshrl.u32 v15, $0x10  }
0x71: {  	v12 =	vand.u32 $0xFFFF, v14;
	v5 =	vand.u32 $0xFFFF, v13;
	v8 =	vld [tilespmem:s26+$0x2010];
	vm4 =	veq.s32 v9, v2  }
0x72: {  	s23 =	sadd.s32 $0x10, s23;
	s24 =	sadd.s32 $0x200, s24;
	s25 =	sadd.s32 $0x40, s25;
	v11 =	vand.u32 $0xFFFF, v15;
	v9 =	vld [tilespmem:s26+$0x2020]  }
0x73: {  	_ =	sdelay $0x1  }
0x74: {  	vm5 =	vmmov vm5;
	v7 =	vand.u32 $0x7FFFFFFF, v7  }
0x75: {  	vm4 =	vmmov vm4;
	v10 =	vand.u32 $0x7FFFFFFF, v10;
	v13 =	vshrl.u32 v7, $0x10  }
0x76: {  	v7 =	vand.u32 $0xFFFF, v7;
	vm6 =	veq.s32 v13, v2;
	v8 =	vand.u32 $0x7FFFFFFF, v8  }
0x77: {  	[tilespmem:v4+s19+$0x0] =	vst.idx.add.s32.msk vm1, v1;
	v13 =	vshrl.u32 v10, $0x10;
	v4 =	vshrl.u32 v8, $0x10;
	v9 =	vand.u32 $0x7FFFFFFF, v9  }
0x78: {  	[tilespmem:v6+s19+$0x0] =	vst.idx.add.s32.msk vm3, v1;
	vm1 =	veq.s32 v13, v2;
	vm3 =	veq.s32 v4, v2;
	v4 =	vshrl.u32 v9, $0x10  }
0x79: {  	[tilespmem:v3+s19+$0x0] =	vst.idx.add.s32.msk vm0, v1;
	v3 =	vand.u32 $0xFFFF, v10;
	vm0 =	veq.s32 v4, v2;
	vm3 =	vmmov vm3  }
0x7a: {  	[tilespmem:v5+s19+$0x0] =	vst.idx.add.s32.msk vm2, v1;
	v4 =	vand.u32 $0xFFFF, v8;
	vm0 =	vmmov vm0  }
0x7b: {  	v5 =	vand.u32 $0xFFFF, v9;
	[tilespmem:v12+s19+$0x0] =	vst.idx.add.s32.msk vm5, v1  }
0x7c: {  	[tilespmem:v11+s19+$0x0] =	vst.idx.add.s32.msk vm4, v1  }
0x7d: {  	[tilespmem:v7+s19+$0x0] =	vst.idx.add.s32.msk vm6, v1  }
0x7e: {  	[tilespmem:v3+s19+$0x0] =	vst.idx.add.s32.msk vm1, v1  }
0x7f: {  	s22 =	simm.s32 $0x0;
	[tilespmem:v4+s19+$0x0] =	vst.idx.add.s32.msk vm3, v1  }
0x80: {  	s23 =	sand.u32 $0x1000, s22;
	s24 =	sand.u32 $0xC00, s22;
	[tilespmem:v5+s19+$0x0] =	vst.idx.add.s32.msk vm0, v1  }
0x81: {  	[tilespmem:s17], [sflag:$0x2] =	stream.linear.gather [hbm4b:s7+s22], $0x2000, $0x38;
	[tilespmem:$0x14080] =	vst v63  }
0x82: {  	s25 =	sand.u32 $0x380, s22;
	s23 =	sor.u32 s24, s23;
	_ =	swait.ge [sflag:s18], $0x2000  }
0x83: {  	s23 =	sor.u32 s25, s23;
	s22 =	sand.u32 $0x40, s22;
	[sflag:s18] =	ssyncset.done $0x0  }
0x84: {  	s22 =	sor.u32 s22, s23;
	[sflag:s18] =	ssyncadd.s32 $0xFFFFE000  }
0x85: {  	v3 =	vld [tilespmem:s22+$0x30]  }
0x86: {  	v4 =	vld [tilespmem:s22+$0x0]  }
0x87: {  	s29 =	simm.s32 $0x200;
	s30 =	simm.s32 $0x40  }
0x88: {  	s31 =	simm.s32 $0x10;
	s26 =	sand.u32 $0x1000, s30;
	s23 =	sand.u32 $0xC00, s29  }
0x89: {  	s25 =	sand.u32 $0x380, s31;
	s23 =	sor.u32 s23, s26;
	v5 =	vld [tilespmem:s22+$0x10]  }
0x8a: {  	s26 =	sand.u32 $0x40, s30;
	s23 =	sor.u32 s25, s23;
	v6 =	vld [tilespmem:s22+$0x20];
	v3 =	vand.u32 $0x7FFFFFFF, v3  }
0x8b: {  	s22 =	sor.u32 s26, s23;
	v4 =	vand.u32 $0x7FFFFFFF, v4;
	v7 =	vshrl.u32 v3, $0x10  }
0x8c: {  	v8 =	vshrl.u32 v4, $0x10;
	vm0 =	veq.s32 v7, v2;
	v7 =	vld [tilespmem:s22+$0x30]  }
0x8d: {  	v9 =	vand.u32 $0xFFFF, v3;
	vm2 =	veq.s32 v8, v2  }
0x8e: {  	v10 =	vld [tilespmem:s22+$0x0];
	v3 =	vand.u32 $0x7FFFFFFF, v5;
	v8 =	vand.u32 $0xFFFF, v4  }
0x8f: {  	s28 =	simm.s32 $0x400;
	s29 =	simm.s32 $0x80;
	v6 =	vand.u32 $0x7FFFFFFF, v6;
	v5 =	vld [tilespmem:s22+$0x10];
	v4 =	vshrl.u32 v3, $0x10  }
0x90: {  	s30 =	simm.s32 $0x20;
	s31 =	sand.u32 $0x1000, s29;
	s23 =	sand.u32 $0xC00, s28;
	v12 =	vld [tilespmem:s22+$0x20];
	v11 =	vshrl.u32 v6, $0x10;
	vm1 =	veq.s32 v4, v2  }
0x91: {  	s23 =	sor.u32 s23, s31;
	s22 =	sand.u32 $0x380, s30;
	v4 =	vand.u32 $0xFFFF, v3;
	v3 =	vand.u32 $0xFFFF, v6;
	v6 =	vand.u32 $0x7FFFFFFF, v7  }
0x92: {  	s24 =	sand.u32 $0x40, s29;
	vm3 =	veq.s32 v11, v2;
	s22 =	sor.u32 s22, s23;
	vm1 =	vmmov vm1;
	[tilespmem:v9+s19+$0x0] =	vst.idx.add.s32.msk vm0, v1;
	v7 =	vshrl.u32 v6, $0x10  }
0x93: {  	s23 =	sor.u32 s24, s22;
	v9 =	vand.u32 $0x7FFFFFFF, v10;
	vm0 =	vmmov vm3;
	[tilespmem:v8+s19+$0x0] =	vst.idx.add.s32.msk vm2, v1;
	vm3 =	veq.s32 v7, v2  }
0x94: {  	v11 =	vand.u32 $0x7FFFFFFF, v5;
	v6 =	vand.u32 $0xFFFF, v6;
	v5 =	vshrl.u32 v9, $0x10;
	v7 =	vld [tilespmem:s23+$0x30]  }
0x95: {  	v13 =	vand.u32 $0x7FFFFFFF, v12;
	v8 =	vshrl.u32 v11, $0x10;
	v10 =	vld [tilespmem:s23+$0x0];
	vm2 =	veq.s32 v5, v2  }
0x96: {  	s25 =	simm.s32 $0xC0;
	v14 =	vshrl.u32 v13, $0x10;
	vm5 =	veq.s32 v8, v2;
	v8 =	vld [tilespmem:s23+$0x10];
	v5 =	vand.u32 $0xFFFF, v9  }
0x97: {  	vm4 =	veq.s32 v14, v2;
	s22 =	simm.s32 $0x8;
	s24 =	simm.s32 $0x600;
	v12 =	vand.u32 $0xFFFF, v11;
	v11 =	vand.u32 $0xFFFF, v13;
	v9 =	vld [tilespmem:s23+$0x20];
	s23 =	simm.s32 $0x30  }
.LBB2_8:
0x98: {  	s26 =	sand.u32 $0x1000, s25;
	s28 =	sand.u32 $0xC00, s24;
	s22 =	sadd.s32 $0x4, s22;
	[tilespmem:v4+s19+$0x0] =	vst.idx.add.s32.msk vm1, v1;
	v4 =	vmov v12;
	vm1 =	vmmov vm5  }
0x99: {  	s29 =	sand.u32 $0x380, s23;
	s26 =	sor.u32 s28, s26;
	p0 =	slt.u32 s22, $0x1FC;
	v12 =	vand.u32 $0x7FFFFFFF, v7;
	[tilespmem:v6+s19+$0x0] =	vst.idx.add.s32.msk vm3, v1  }
0x9a: {  	s28 =	sand.u32 $0x40, s25;
	s26 =	sor.u32 s29, s26;
	v13 =	vand.u32 $0x7FFFFFFF, v10;
	v6 =	vshrl.u32 v12, $0x10;
	[tilespmem:v3+s19+$0x0] =	vst.idx.add.s32.msk vm0, v1;
	v3 =	vmovc v11;
	vm0 =	vmmov vm4  }
.Ltmp3:
0x9b: {  	s26 =	sor.u32 s28, s26;
	v11 =	vshrl.u32 v13, $0x10;
	v14 =	vand.u32 $0x7FFFFFFF, v8;
	vm3 =	veq.s32 v6, v2;
	[tilespmem:v5+s19+$0x0] =	vst.idx.add.s32.msk vm2, v1;
	(pc) =	sbr.rel @p0 .LBB2_8-.Ltmp3, $4  }
0x9c: {  	v6 =	vand.u32 $0xFFFF, v12;
	v7 =	vld [tilespmem:s26+$0x30];
	v5 =	vshrl.u32 v14, $0x10;
	v15 =	vand.u32 $0x7FFFFFFF, v9  }
0x9d: {  	vm2 =	veq.s32 v11, v2;
	v10 =	vld [tilespmem:s26+$0x0];
	vm5 =	veq.s32 v5, v2;
	v9 =	vshrl.u32 v15, $0x10  }
0x9e: {  	v12 =	vand.u32 $0xFFFF, v14;
	v5 =	vand.u32 $0xFFFF, v13;
	v8 =	vld [tilespmem:s26+$0x10];
	vm4 =	veq.s32 v9, v2  }
0x9f: {  	s23 =	sadd.s32 $0x10, s23;
	s24 =	sadd.s32 $0x200, s24;
	s25 =	sadd.s32 $0x40, s25;
	v11 =	vand.u32 $0xFFFF, v15;
	v9 =	vld [tilespmem:s26+$0x20]  }
0xa0: {  	_ =	sdelay $0x1  }
0xa1: {  	vm5 =	vmmov vm5;
	v7 =	vand.u32 $0x7FFFFFFF, v7  }
0xa2: {  	vm4 =	vmmov vm4;
	v10 =	vand.u32 $0x7FFFFFFF, v10;
	v13 =	vshrl.u32 v7, $0x10  }
0xa3: {  	v7 =	vand.u32 $0xFFFF, v7;
	vm6 =	veq.s32 v13, v2;
	v8 =	vand.u32 $0x7FFFFFFF, v8  }
0xa4: {  	[tilespmem:v4+s19+$0x0] =	vst.idx.add.s32.msk vm1, v1;
	v13 =	vshrl.u32 v10, $0x10;
	v4 =	vshrl.u32 v8, $0x10;
	v9 =	vand.u32 $0x7FFFFFFF, v9  }
0xa5: {  	[tilespmem:v6+s19+$0x0] =	vst.idx.add.s32.msk vm3, v1;
	vm1 =	veq.s32 v13, v2;
	vm3 =	veq.s32 v4, v2;
	v4 =	vshrl.u32 v9, $0x10  }
0xa6: {  	[tilespmem:v3+s19+$0x0] =	vst.idx.add.s32.msk vm0, v1;
	v3 =	vand.u32 $0xFFFF, v10;
	vm0 =	veq.s32 v4, v2;
	vm3 =	vmmov vm3  }
0xa7: {  	[tilespmem:v5+s19+$0x0] =	vst.idx.add.s32.msk vm2, v1;
	v4 =	vand.u32 $0xFFFF, v8;
	vm0 =	vmmov vm0  }
0xa8: {  	v5 =	vand.u32 $0xFFFF, v9;
	[tilespmem:v12+s19+$0x0] =	vst.idx.add.s32.msk vm5, v1  }
0xa9: {  	[tilespmem:v11+s19+$0x0] =	vst.idx.add.s32.msk vm4, v1  }
0xaa: {  	[tilespmem:v7+s19+$0x0] =	vst.idx.add.s32.msk vm6, v1  }
0xab: {  	[tilespmem:v3+s19+$0x0] =	vst.idx.add.s32.msk vm1, v1  }
0xac: {  	s22 =	simm.s32 $0x0;
	[tilespmem:v4+s19+$0x0] =	vst.idx.add.s32.msk vm3, v1  }
0xad: {  	s23 =	sand.u32 $0x1000, s22;
	s24 =	sand.u32 $0xC00, s22;
	[tilespmem:v5+s19+$0x0] =	vst.idx.add.s32.msk vm0, v1  }
0xae: {  	[tilespmem:s22], [sflag:$0x1] =	stream.linear.gather [hbm4b:s8+s22], $0x2000, $0x38;
	[tilespmem:$0x14080] =	vst v63  }
0xaf: {  	s25 =	sand.u32 $0x380, s22;
	s23 =	sor.u32 s24, s23;
	_ =	swait.ge [sflag:s20], $0x2000  }
0xb0: {  	s23 =	sor.u32 s25, s23;
	s22 =	sand.u32 $0x40, s22;
	[sflag:s20] =	ssyncset.done $0x0  }
0xb1: {  	s22 =	sor.u32 s22, s23;
	[sflag:s20] =	ssyncadd.s32 $0xFFFFE000  }
0xb2: {  	v3 =	vld [tilespmem:s22+$0x2030]  }
0xb3: {  	v4 =	vld [tilespmem:s22+$0x2000]  }
0xb4: {  	s29 =	simm.s32 $0x200;
	s30 =	simm.s32 $0x40  }
0xb5: {  	s31 =	simm.s32 $0x10;
	s26 =	sand.u32 $0x1000, s30;
	s23 =	sand.u32 $0xC00, s29  }
0xb6: {  	s25 =	sand.u32 $0x380, s31;
	s23 =	sor.u32 s23, s26;
	v5 =	vld [tilespmem:s22+$0x2010]  }
0xb7: {  	s26 =	sand.u32 $0x40, s30;
	s23 =	sor.u32 s25, s23;
	v6 =	vld [tilespmem:s22+$0x2020];
	v3 =	vand.u32 $0x7FFFFFFF, v3  }
0xb8: {  	s22 =	sor.u32 s26, s23;
	v4 =	vand.u32 $0x7FFFFFFF, v4;
	v7 =	vshrl.u32 v3, $0x10  }
0xb9: {  	v8 =	vshrl.u32 v4, $0x10;
	vm0 =	veq.s32 v7, v2;
	v7 =	vld [tilespmem:s22+$0x2030]  }
0xba: {  	v9 =	vand.u32 $0xFFFF, v3;
	vm2 =	veq.s32 v8, v2  }
0xbb: {  	v10 =	vld [tilespmem:s22+$0x2000];
	v3 =	vand.u32 $0x7FFFFFFF, v5;
	v8 =	vand.u32 $0xFFFF, v4  }
0xbc: {  	s28 =	simm.s32 $0x400;
	s29 =	simm.s32 $0x80;
	v6 =	vand.u32 $0x7FFFFFFF, v6;
	v5 =	vld [tilespmem:s22+$0x2010];
	v4 =	vshrl.u32 v3, $0x10  }
0xbd: {  	s30 =	simm.s32 $0x20;
	s31 =	sand.u32 $0x1000, s29;
	s23 =	sand.u32 $0xC00, s28;
	v12 =	vld [tilespmem:s22+$0x2020];
	v11 =	vshrl.u32 v6, $0x10;
	vm1 =	veq.s32 v4, v2  }
0xbe: {  	s23 =	sor.u32 s23, s31;
	s22 =	sand.u32 $0x380, s30;
	v4 =	vand.u32 $0xFFFF, v3;
	v3 =	vand.u32 $0xFFFF, v6;
	v6 =	vand.u32 $0x7FFFFFFF, v7  }
0xbf: {  	s24 =	sand.u32 $0x40, s29;
	vm3 =	veq.s32 v11, v2;
	s22 =	sor.u32 s22, s23;
	vm1 =	vmmov vm1;
	[tilespmem:v9+s19+$0x0] =	vst.idx.add.s32.msk vm0, v1;
	v7 =	vshrl.u32 v6, $0x10  }
0xc0: {  	s23 =	sor.u32 s24, s22;
	v9 =	vand.u32 $0x7FFFFFFF, v10;
	vm0 =	vmmov vm3;
	[tilespmem:v8+s19+$0x0] =	vst.idx.add.s32.msk vm2, v1;
	vm3 =	veq.s32 v7, v2  }
0xc1: {  	v11 =	vand.u32 $0x7FFFFFFF, v5;
	v6 =	vand.u32 $0xFFFF, v6;
	v5 =	vshrl.u32 v9, $0x10;
	v7 =	vld [tilespmem:s23+$0x2030]  }
0xc2: {  	v13 =	vand.u32 $0x7FFFFFFF, v12;
	v8 =	vshrl.u32 v11, $0x10;
	v10 =	vld [tilespmem:s23+$0x2000];
	vm2 =	veq.s32 v5, v2  }
0xc3: {  	s25 =	simm.s32 $0xC0;
	v14 =	vshrl.u32 v13, $0x10;
	vm5 =	veq.s32 v8, v2;
	v8 =	vld [tilespmem:s23+$0x2010];
	v5 =	vand.u32 $0xFFFF, v9  }
0xc4: {  	vm4 =	veq.s32 v14, v2;
	s22 =	simm.s32 $0x8;
	s24 =	simm.s32 $0x600;
	v12 =	vand.u32 $0xFFFF, v11;
	v11 =	vand.u32 $0xFFFF, v13;
	v9 =	vld [tilespmem:s23+$0x2020];
	s23 =	simm.s32 $0x30  }
.LBB2_10:
0xc5: {  	s26 =	sand.u32 $0x1000, s25;
	s28 =	sand.u32 $0xC00, s24;
	s22 =	sadd.s32 $0x4, s22;
	[tilespmem:v4+s19+$0x0] =	vst.idx.add.s32.msk vm1, v1;
	v4 =	vmov v12;
	vm1 =	vmmov vm5  }
0xc6: {  	s29 =	sand.u32 $0x380, s23;
	s26 =	sor.u32 s28, s26;
	p0 =	slt.u32 s22, $0x1FC;
	v12 =	vand.u32 $0x7FFFFFFF, v7;
	[tilespmem:v6+s19+$0x0] =	vst.idx.add.s32.msk vm3, v1  }
0xc7: {  	s28 =	sand.u32 $0x40, s25;
	s26 =	sor.u32 s29, s26;
	v13 =	vand.u32 $0x7FFFFFFF, v10;
	v6 =	vshrl.u32 v12, $0x10;
	[tilespmem:v3+s19+$0x0] =	vst.idx.add.s32.msk vm0, v1;
	v3 =	vmovc v11;
	vm0 =	vmmov vm4  }
.Ltmp4:
0xc8: {  	s26 =	sor.u32 s28, s26;
	v11 =	vshrl.u32 v13, $0x10;
	v14 =	vand.u32 $0x7FFFFFFF, v8;
	vm3 =	veq.s32 v6, v2;
	[tilespmem:v5+s19+$0x0] =	vst.idx.add.s32.msk vm2, v1;
	(pc) =	sbr.rel @p0 .LBB2_10-.Ltmp4, $4  }
0xc9: {  	v6 =	vand.u32 $0xFFFF, v12;
	v7 =	vld [tilespmem:s26+$0x2030];
	v5 =	vshrl.u32 v14, $0x10;
	v15 =	vand.u32 $0x7FFFFFFF, v9  }
0xca: {  	vm2 =	veq.s32 v11, v2;
	v10 =	vld [tilespmem:s26+$0x2000];
	vm5 =	veq.s32 v5, v2;
	v9 =	vshrl.u32 v15, $0x10  }
0xcb: {  	v12 =	vand.u32 $0xFFFF, v14;
	v5 =	vand.u32 $0xFFFF, v13;
	v8 =	vld [tilespmem:s26+$0x2010];
	vm4 =	veq.s32 v9, v2  }
0xcc: {  	s23 =	sadd.s32 $0x10, s23;
	s24 =	sadd.s32 $0x200, s24;
	s25 =	sadd.s32 $0x40, s25;
	v11 =	vand.u32 $0xFFFF, v15;
	v9 =	vld [tilespmem:s26+$0x2020]  }
0xcd: {  	_ =	sdelay $0x1  }
0xce: {  	vm5 =	vmmov vm5;
	v7 =	vand.u32 $0x7FFFFFFF, v7  }
0xcf: {  	vm4 =	vmmov vm4;
	v10 =	vand.u32 $0x7FFFFFFF, v10;
	v13 =	vshrl.u32 v7, $0x10  }
0xd0: {  	v7 =	vand.u32 $0xFFFF, v7;
	vm6 =	veq.s32 v13, v2;
	v8 =	vand.u32 $0x7FFFFFFF, v8  }
0xd1: {  	[tilespmem:v4+s19+$0x0] =	vst.idx.add.s32.msk vm1, v1;
	v13 =	vshrl.u32 v10, $0x10;
	v4 =	vshrl.u32 v8, $0x10;
	v9 =	vand.u32 $0x7FFFFFFF, v9  }
0xd2: {  	[tilespmem:v6+s19+$0x0] =	vst.idx.add.s32.msk vm3, v1;
	vm1 =	veq.s32 v13, v2;
	vm3 =	veq.s32 v4, v2;
	v4 =	vshrl.u32 v9, $0x10  }
0xd3: {  	[tilespmem:v3+s19+$0x0] =	vst.idx.add.s32.msk vm0, v1;
	v3 =	vand.u32 $0xFFFF, v10;
	vm0 =	veq.s32 v4, v2;
	vm3 =	vmmov vm3  }
0xd4: {  	[tilespmem:v5+s19+$0x0] =	vst.idx.add.s32.msk vm2, v1;
	v4 =	vand.u32 $0xFFFF, v8;
	vm0 =	vmmov vm0  }
0xd5: {  	v5 =	vand.u32 $0xFFFF, v9;
	[tilespmem:v12+s19+$0x0] =	vst.idx.add.s32.msk vm5, v1  }
0xd6: {  	[tilespmem:v11+s19+$0x0] =	vst.idx.add.s32.msk vm4, v1  }
0xd7: {  	[tilespmem:v7+s19+$0x0] =	vst.idx.add.s32.msk vm6, v1  }
0xd8: {  	[tilespmem:v3+s19+$0x0] =	vst.idx.add.s32.msk vm1, v1  }
0xd9: {  	s22 =	simm.s32 $0x0;
	[tilespmem:v4+s19+$0x0] =	vst.idx.add.s32.msk vm3, v1  }
0xda: {  	s23 =	sand.u32 $0x1000, s22;
	s24 =	sand.u32 $0xC00, s22;
	[tilespmem:v5+s19+$0x0] =	vst.idx.add.s32.msk vm0, v1  }
0xdb: {  	[tilespmem:s17], [sflag:$0x2] =	stream.linear.gather [hbm4b:s9+s22], $0x2000, $0x38;
	[tilespmem:$0x14080] =	vst v63  }
0xdc: {  	s25 =	sand.u32 $0x380, s22;
	s23 =	sor.u32 s24, s23;
	_ =	swait.ge [sflag:s18], $0x2000  }
0xdd: {  	s23 =	sor.u32 s25, s23;
	s22 =	sand.u32 $0x40, s22;
	[sflag:s18] =	ssyncset.done $0x0  }
0xde: {  	s22 =	sor.u32 s22, s23;
	[sflag:s18] =	ssyncadd.s32 $0xFFFFE000  }
0xdf: {  	v3 =	vld [tilespmem:s22+$0x30]  }
0xe0: {  	v4 =	vld [tilespmem:s22+$0x0]  }
0xe1: {  	s29 =	simm.s32 $0x200;
	s30 =	simm.s32 $0x40  }
0xe2: {  	s31 =	simm.s32 $0x10;
	s26 =	sand.u32 $0x1000, s30;
	s23 =	sand.u32 $0xC00, s29  }
0xe3: {  	s25 =	sand.u32 $0x380, s31;
	s23 =	sor.u32 s23, s26;
	v5 =	vld [tilespmem:s22+$0x10]  }
0xe4: {  	s26 =	sand.u32 $0x40, s30;
	s23 =	sor.u32 s25, s23;
	v6 =	vld [tilespmem:s22+$0x20];
	v3 =	vand.u32 $0x7FFFFFFF, v3  }
0xe5: {  	s22 =	sor.u32 s26, s23;
	v4 =	vand.u32 $0x7FFFFFFF, v4;
	v7 =	vshrl.u32 v3, $0x10  }
0xe6: {  	v8 =	vshrl.u32 v4, $0x10;
	vm0 =	veq.s32 v7, v2;
	v7 =	vld [tilespmem:s22+$0x30]  }
0xe7: {  	v9 =	vand.u32 $0xFFFF, v3;
	vm2 =	veq.s32 v8, v2  }
0xe8: {  	v10 =	vld [tilespmem:s22+$0x0];
	v3 =	vand.u32 $0x7FFFFFFF, v5;
	v8 =	vand.u32 $0xFFFF, v4  }
0xe9: {  	s28 =	simm.s32 $0x400;
	s29 =	simm.s32 $0x80;
	v6 =	vand.u32 $0x7FFFFFFF, v6;
	v5 =	vld [tilespmem:s22+$0x10];
	v4 =	vshrl.u32 v3, $0x10  }
0xea: {  	s30 =	simm.s32 $0x20;
	s31 =	sand.u32 $0x1000, s29;
	s23 =	sand.u32 $0xC00, s28;
	v12 =	vld [tilespmem:s22+$0x20];
	v11 =	vshrl.u32 v6, $0x10;
	vm1 =	veq.s32 v4, v2  }
0xeb: {  	s23 =	sor.u32 s23, s31;
	s22 =	sand.u32 $0x380, s30;
	v4 =	vand.u32 $0xFFFF, v3;
	v3 =	vand.u32 $0xFFFF, v6;
	v6 =	vand.u32 $0x7FFFFFFF, v7  }
0xec: {  	s24 =	sand.u32 $0x40, s29;
	vm3 =	veq.s32 v11, v2;
	s22 =	sor.u32 s22, s23;
	vm1 =	vmmov vm1;
	[tilespmem:v9+s19+$0x0] =	vst.idx.add.s32.msk vm0, v1;
	v7 =	vshrl.u32 v6, $0x10  }
0xed: {  	s23 =	sor.u32 s24, s22;
	v9 =	vand.u32 $0x7FFFFFFF, v10;
	vm0 =	vmmov vm3;
	[tilespmem:v8+s19+$0x0] =	vst.idx.add.s32.msk vm2, v1;
	vm3 =	veq.s32 v7, v2  }
0xee: {  	v11 =	vand.u32 $0x7FFFFFFF, v5;
	v6 =	vand.u32 $0xFFFF, v6;
	v5 =	vshrl.u32 v9, $0x10;
	v7 =	vld [tilespmem:s23+$0x30]  }
0xef: {  	v13 =	vand.u32 $0x7FFFFFFF, v12;
	v8 =	vshrl.u32 v11, $0x10;
	v10 =	vld [tilespmem:s23+$0x0];
	vm2 =	veq.s32 v5, v2  }
0xf0: {  	s25 =	simm.s32 $0xC0;
	v14 =	vshrl.u32 v13, $0x10;
	vm5 =	veq.s32 v8, v2;
	v8 =	vld [tilespmem:s23+$0x10];
	v5 =	vand.u32 $0xFFFF, v9  }
0xf1: {  	vm4 =	veq.s32 v14, v2;
	s22 =	simm.s32 $0x8;
	s24 =	simm.s32 $0x600;
	v12 =	vand.u32 $0xFFFF, v11;
	v11 =	vand.u32 $0xFFFF, v13;
	v9 =	vld [tilespmem:s23+$0x20];
	s23 =	simm.s32 $0x30  }
.LBB2_12:
0xf2: {  	s26 =	sand.u32 $0x1000, s25;
	s28 =	sand.u32 $0xC00, s24;
	s22 =	sadd.s32 $0x4, s22;
	[tilespmem:v4+s19+$0x0] =	vst.idx.add.s32.msk vm1, v1;
	v4 =	vmov v12;
	vm1 =	vmmov vm5  }
0xf3: {  	s29 =	sand.u32 $0x380, s23;
	s26 =	sor.u32 s28, s26;
	p0 =	slt.u32 s22, $0x1FC;
	v12 =	vand.u32 $0x7FFFFFFF, v7;
	[tilespmem:v6+s19+$0x0] =	vst.idx.add.s32.msk vm3, v1  }
0xf4: {  	s28 =	sand.u32 $0x40, s25;
	s26 =	sor.u32 s29, s26;
	v13 =	vand.u32 $0x7FFFFFFF, v10;
	v6 =	vshrl.u32 v12, $0x10;
	[tilespmem:v3+s19+$0x0] =	vst.idx.add.s32.msk vm0, v1;
	v3 =	vmovc v11;
	vm0 =	vmmov vm4  }
.Ltmp5:
0xf5: {  	s26 =	sor.u32 s28, s26;
	v11 =	vshrl.u32 v13, $0x10;
	v14 =	vand.u32 $0x7FFFFFFF, v8;
	vm3 =	veq.s32 v6, v2;
	[tilespmem:v5+s19+$0x0] =	vst.idx.add.s32.msk vm2, v1;
	(pc) =	sbr.rel @p0 .LBB2_12-.Ltmp5, $4  }
0xf6: {  	v6 =	vand.u32 $0xFFFF, v12;
	v7 =	vld [tilespmem:s26+$0x30];
	v5 =	vshrl.u32 v14, $0x10;
	v15 =	vand.u32 $0x7FFFFFFF, v9  }
0xf7: {  	vm2 =	veq.s32 v11, v2;
	v10 =	vld [tilespmem:s26+$0x0];
	vm5 =	veq.s32 v5, v2;
	v9 =	vshrl.u32 v15, $0x10  }
0xf8: {  	v12 =	vand.u32 $0xFFFF, v14;
	v5 =	vand.u32 $0xFFFF, v13;
	v8 =	vld [tilespmem:s26+$0x10];
	vm4 =	veq.s32 v9, v2  }
0xf9: {  	s23 =	sadd.s32 $0x10, s23;
	s24 =	sadd.s32 $0x200, s24;
	s25 =	sadd.s32 $0x40, s25;
	v11 =	vand.u32 $0xFFFF, v15;
	v9 =	vld [tilespmem:s26+$0x20]  }
0xfa: {  	_ =	sdelay $0x1  }
0xfb: {  	vm5 =	vmmov vm5;
	v7 =	vand.u32 $0x7FFFFFFF, v7  }
0xfc: {  	vm4 =	vmmov vm4;
	v10 =	vand.u32 $0x7FFFFFFF, v10;
	v13 =	vshrl.u32 v7, $0x10  }
0xfd: {  	v7 =	vand.u32 $0xFFFF, v7;
	vm6 =	veq.s32 v13, v2;
	v8 =	vand.u32 $0x7FFFFFFF, v8  }
0xfe: {  	[tilespmem:v4+s19+$0x0] =	vst.idx.add.s32.msk vm1, v1;
	v13 =	vshrl.u32 v10, $0x10;
	v4 =	vshrl.u32 v8, $0x10;
	v9 =	vand.u32 $0x7FFFFFFF, v9  }
0xff: {  	[tilespmem:v6+s19+$0x0] =	vst.idx.add.s32.msk vm3, v1;
	vm1 =	veq.s32 v13, v2;
	vm3 =	veq.s32 v4, v2;
	v4 =	vshrl.u32 v9, $0x10  }
0x100: {  	[tilespmem:v3+s19+$0x0] =	vst.idx.add.s32.msk vm0, v1;
	v3 =	vand.u32 $0xFFFF, v10;
	vm0 =	veq.s32 v4, v2;
	vm3 =	vmmov vm3  }
0x101: {  	[tilespmem:v5+s19+$0x0] =	vst.idx.add.s32.msk vm2, v1;
	v4 =	vand.u32 $0xFFFF, v8;
	vm0 =	vmmov vm0  }
0x102: {  	v5 =	vand.u32 $0xFFFF, v9;
	[tilespmem:v12+s19+$0x0] =	vst.idx.add.s32.msk vm5, v1  }
0x103: {  	[tilespmem:v11+s19+$0x0] =	vst.idx.add.s32.msk vm4, v1  }
0x104: {  	[tilespmem:v7+s19+$0x0] =	vst.idx.add.s32.msk vm6, v1  }
0x105: {  	[tilespmem:v3+s19+$0x0] =	vst.idx.add.s32.msk vm1, v1  }
0x106: {  	s22 =	simm.s32 $0x0;
	[tilespmem:v4+s19+$0x0] =	vst.idx.add.s32.msk vm3, v1  }
0x107: {  	s23 =	sand.u32 $0x1000, s22;
	s24 =	sand.u32 $0xC00, s22;
	[tilespmem:v5+s19+$0x0] =	vst.idx.add.s32.msk vm0, v1  }
0x108: {  	[tilespmem:s22], [sflag:$0x1] =	stream.linear.gather [hbm4b:s10+s22], $0x2000, $0x38;
	[tilespmem:$0x14080] =	vst v63  }
0x109: {  	s25 =	sand.u32 $0x380, s22;
	s23 =	sor.u32 s24, s23;
	_ =	swait.ge [sflag:s20], $0x2000  }
0x10a: {  	s23 =	sor.u32 s25, s23;
	s22 =	sand.u32 $0x40, s22;
	[sflag:s20] =	ssyncset.done $0x0  }
0x10b: {  	s22 =	sor.u32 s22, s23;
	[sflag:s20] =	ssyncadd.s32 $0xFFFFE000  }
0x10c: {  	v3 =	vld [tilespmem:s22+$0x2030]  }
0x10d: {  	v4 =	vld [tilespmem:s22+$0x2000]  }
0x10e: {  	s29 =	simm.s32 $0x200;
	s30 =	simm.s32 $0x40  }
0x10f: {  	s31 =	simm.s32 $0x10;
	s26 =	sand.u32 $0x1000, s30;
	s23 =	sand.u32 $0xC00, s29  }
0x110: {  	s25 =	sand.u32 $0x380, s31;
	s23 =	sor.u32 s23, s26;
	v5 =	vld [tilespmem:s22+$0x2010]  }
0x111: {  	s26 =	sand.u32 $0x40, s30;
	s23 =	sor.u32 s25, s23;
	v6 =	vld [tilespmem:s22+$0x2020];
	v3 =	vand.u32 $0x7FFFFFFF, v3  }
0x112: {  	s22 =	sor.u32 s26, s23;
	v4 =	vand.u32 $0x7FFFFFFF, v4;
	v7 =	vshrl.u32 v3, $0x10  }
0x113: {  	v8 =	vshrl.u32 v4, $0x10;
	vm0 =	veq.s32 v7, v2;
	v7 =	vld [tilespmem:s22+$0x2030]  }
0x114: {  	v9 =	vand.u32 $0xFFFF, v3;
	vm2 =	veq.s32 v8, v2  }
0x115: {  	v10 =	vld [tilespmem:s22+$0x2000];
	v3 =	vand.u32 $0x7FFFFFFF, v5;
	v8 =	vand.u32 $0xFFFF, v4  }
0x116: {  	s28 =	simm.s32 $0x400;
	s29 =	simm.s32 $0x80;
	v6 =	vand.u32 $0x7FFFFFFF, v6;
	v5 =	vld [tilespmem:s22+$0x2010];
	v4 =	vshrl.u32 v3, $0x10  }
0x117: {  	s30 =	simm.s32 $0x20;
	s31 =	sand.u32 $0x1000, s29;
	s23 =	sand.u32 $0xC00, s28;
	v12 =	vld [tilespmem:s22+$0x2020];
	v11 =	vshrl.u32 v6, $0x10;
	vm1 =	veq.s32 v4, v2  }
0x118: {  	s23 =	sor.u32 s23, s31;
	s22 =	sand.u32 $0x380, s30;
	v4 =	vand.u32 $0xFFFF, v3;
	v3 =	vand.u32 $0xFFFF, v6;
	v6 =	vand.u32 $0x7FFFFFFF, v7  }
0x119: {  	s24 =	sand.u32 $0x40, s29;
	vm3 =	veq.s32 v11, v2;
	s22 =	sor.u32 s22, s23;
	vm1 =	vmmov vm1;
	[tilespmem:v9+s19+$0x0] =	vst.idx.add.s32.msk vm0, v1;
	v7 =	vshrl.u32 v6, $0x10  }
0x11a: {  	s23 =	sor.u32 s24, s22;
	v9 =	vand.u32 $0x7FFFFFFF, v10;
	vm0 =	vmmov vm3;
	[tilespmem:v8+s19+$0x0] =	vst.idx.add.s32.msk vm2, v1;
	vm3 =	veq.s32 v7, v2  }
0x11b: {  	v11 =	vand.u32 $0x7FFFFFFF, v5;
	v6 =	vand.u32 $0xFFFF, v6;
	v5 =	vshrl.u32 v9, $0x10;
	v7 =	vld [tilespmem:s23+$0x2030]  }
0x11c: {  	v13 =	vand.u32 $0x7FFFFFFF, v12;
	v8 =	vshrl.u32 v11, $0x10;
	v10 =	vld [tilespmem:s23+$0x2000];
	vm2 =	veq.s32 v5, v2  }
0x11d: {  	s25 =	simm.s32 $0xC0;
	v14 =	vshrl.u32 v13, $0x10;
	vm5 =	veq.s32 v8, v2;
	v8 =	vld [tilespmem:s23+$0x2010];
	v5 =	vand.u32 $0xFFFF, v9  }
0x11e: {  	vm4 =	veq.s32 v14, v2;
	s22 =	simm.s32 $0x8;
	s24 =	simm.s32 $0x600;
	v12 =	vand.u32 $0xFFFF, v11;
	v11 =	vand.u32 $0xFFFF, v13;
	v9 =	vld [tilespmem:s23+$0x2020];
	s23 =	simm.s32 $0x30  }
.LBB2_14:
0x11f: {  	s26 =	sand.u32 $0x1000, s25;
	s28 =	sand.u32 $0xC00, s24;
	s22 =	sadd.s32 $0x4, s22;
	[tilespmem:v4+s19+$0x0] =	vst.idx.add.s32.msk vm1, v1;
	v4 =	vmov v12;
	vm1 =	vmmov vm5  }
0x120: {  	s29 =	sand.u32 $0x380, s23;
	s26 =	sor.u32 s28, s26;
	p0 =	slt.u32 s22, $0x1FC;
	v12 =	vand.u32 $0x7FFFFFFF, v7;
	[tilespmem:v6+s19+$0x0] =	vst.idx.add.s32.msk vm3, v1  }
0x121: {  	s28 =	sand.u32 $0x40, s25;
	s26 =	sor.u32 s29, s26;
	v13 =	vand.u32 $0x7FFFFFFF, v10;
	v6 =	vshrl.u32 v12, $0x10;
	[tilespmem:v3+s19+$0x0] =	vst.idx.add.s32.msk vm0, v1;
	v3 =	vmovc v11;
	vm0 =	vmmov vm4  }
.Ltmp6:
0x122: {  	s26 =	sor.u32 s28, s26;
	v11 =	vshrl.u32 v13, $0x10;
	v14 =	vand.u32 $0x7FFFFFFF, v8;
	vm3 =	veq.s32 v6, v2;
	[tilespmem:v5+s19+$0x0] =	vst.idx.add.s32.msk vm2, v1;
	(pc) =	sbr.rel @p0 .LBB2_14-.Ltmp6, $4  }
0x123: {  	v6 =	vand.u32 $0xFFFF, v12;
	v7 =	vld [tilespmem:s26+$0x2030];
	v5 =	vshrl.u32 v14, $0x10;
	v15 =	vand.u32 $0x7FFFFFFF, v9  }
0x124: {  	vm2 =	veq.s32 v11, v2;
	v10 =	vld [tilespmem:s26+$0x2000];
	vm5 =	veq.s32 v5, v2;
	v9 =	vshrl.u32 v15, $0x10  }
0x125: {  	v12 =	vand.u32 $0xFFFF, v14;
	v5 =	vand.u32 $0xFFFF, v13;
	v8 =	vld [tilespmem:s26+$0x2010];
	vm4 =	veq.s32 v9, v2  }
0x126: {  	s23 =	sadd.s32 $0x10, s23;
	s24 =	sadd.s32 $0x200, s24;
	s25 =	sadd.s32 $0x40, s25;
	v11 =	vand.u32 $0xFFFF, v15;
	v9 =	vld [tilespmem:s26+$0x2020]  }
0x127: {  	_ =	sdelay $0x1  }
0x128: {  	vm5 =	vmmov vm5;
	v7 =	vand.u32 $0x7FFFFFFF, v7  }
0x129: {  	vm4 =	vmmov vm4;
	v10 =	vand.u32 $0x7FFFFFFF, v10;
	v13 =	vshrl.u32 v7, $0x10  }
0x12a: {  	v7 =	vand.u32 $0xFFFF, v7;
	vm6 =	veq.s32 v13, v2;
	v8 =	vand.u32 $0x7FFFFFFF, v8  }
0x12b: {  	[tilespmem:v4+s19+$0x0] =	vst.idx.add.s32.msk vm1, v1;
	v13 =	vshrl.u32 v10, $0x10;
	v4 =	vshrl.u32 v8, $0x10;
	v9 =	vand.u32 $0x7FFFFFFF, v9  }
0x12c: {  	[tilespmem:v6+s19+$0x0] =	vst.idx.add.s32.msk vm3, v1;
	vm1 =	veq.s32 v13, v2;
	vm3 =	veq.s32 v4, v2;
	v4 =	vshrl.u32 v9, $0x10  }
0x12d: {  	[tilespmem:v3+s19+$0x0] =	vst.idx.add.s32.msk vm0, v1;
	v3 =	vand.u32 $0xFFFF, v10;
	vm0 =	veq.s32 v4, v2;
	vm3 =	vmmov vm3  }
0x12e: {  	[tilespmem:v5+s19+$0x0] =	vst.idx.add.s32.msk vm2, v1;
	v4 =	vand.u32 $0xFFFF, v8;
	vm0 =	vmmov vm0  }
0x12f: {  	v5 =	vand.u32 $0xFFFF, v9;
	[tilespmem:v12+s19+$0x0] =	vst.idx.add.s32.msk vm5, v1  }
0x130: {  	[tilespmem:v11+s19+$0x0] =	vst.idx.add.s32.msk vm4, v1  }
0x131: {  	[tilespmem:v7+s19+$0x0] =	vst.idx.add.s32.msk vm6, v1  }
0x132: {  	[tilespmem:v3+s19+$0x0] =	vst.idx.add.s32.msk vm1, v1  }
0x133: {  	s22 =	simm.s32 $0x0;
	[tilespmem:v4+s19+$0x0] =	vst.idx.add.s32.msk vm3, v1  }
0x134: {  	s23 =	sand.u32 $0x1000, s22;
	s24 =	sand.u32 $0xC00, s22;
	[tilespmem:v5+s19+$0x0] =	vst.idx.add.s32.msk vm0, v1  }
0x135: {  	[tilespmem:s17], [sflag:$0x2] =	stream.linear.gather [hbm4b:s11+s22], $0x2000, $0x38;
	[tilespmem:$0x14080] =	vst v63  }
0x136: {  	s25 =	sand.u32 $0x380, s22;
	s23 =	sor.u32 s24, s23;
	_ =	swait.ge [sflag:s18], $0x2000  }
0x137: {  	s23 =	sor.u32 s25, s23;
	s22 =	sand.u32 $0x40, s22;
	[sflag:s18] =	ssyncset.done $0x0  }
0x138: {  	s22 =	sor.u32 s22, s23;
	[sflag:s18] =	ssyncadd.s32 $0xFFFFE000  }
0x139: {  	v3 =	vld [tilespmem:s22+$0x30]  }
0x13a: {  	v4 =	vld [tilespmem:s22+$0x0]  }
0x13b: {  	s29 =	simm.s32 $0x200;
	s30 =	simm.s32 $0x40  }
0x13c: {  	s31 =	simm.s32 $0x10;
	s26 =	sand.u32 $0x1000, s30;
	s23 =	sand.u32 $0xC00, s29  }
0x13d: {  	s25 =	sand.u32 $0x380, s31;
	s23 =	sor.u32 s23, s26;
	v5 =	vld [tilespmem:s22+$0x10]  }
0x13e: {  	s26 =	sand.u32 $0x40, s30;
	s23 =	sor.u32 s25, s23;
	v6 =	vld [tilespmem:s22+$0x20];
	v3 =	vand.u32 $0x7FFFFFFF, v3  }
0x13f: {  	s22 =	sor.u32 s26, s23;
	v4 =	vand.u32 $0x7FFFFFFF, v4;
	v7 =	vshrl.u32 v3, $0x10  }
0x140: {  	v8 =	vshrl.u32 v4, $0x10;
	vm0 =	veq.s32 v7, v2;
	v7 =	vld [tilespmem:s22+$0x30]  }
0x141: {  	v9 =	vand.u32 $0xFFFF, v3;
	vm2 =	veq.s32 v8, v2  }
0x142: {  	v10 =	vld [tilespmem:s22+$0x0];
	v3 =	vand.u32 $0x7FFFFFFF, v5;
	v8 =	vand.u32 $0xFFFF, v4  }
0x143: {  	s28 =	simm.s32 $0x400;
	s29 =	simm.s32 $0x80;
	v6 =	vand.u32 $0x7FFFFFFF, v6;
	v5 =	vld [tilespmem:s22+$0x10];
	v4 =	vshrl.u32 v3, $0x10  }
0x144: {  	s30 =	simm.s32 $0x20;
	s31 =	sand.u32 $0x1000, s29;
	s23 =	sand.u32 $0xC00, s28;
	v12 =	vld [tilespmem:s22+$0x20];
	v11 =	vshrl.u32 v6, $0x10;
	vm1 =	veq.s32 v4, v2  }
0x145: {  	s23 =	sor.u32 s23, s31;
	s22 =	sand.u32 $0x380, s30;
	v4 =	vand.u32 $0xFFFF, v3;
	v3 =	vand.u32 $0xFFFF, v6;
	v6 =	vand.u32 $0x7FFFFFFF, v7  }
0x146: {  	s24 =	sand.u32 $0x40, s29;
	vm3 =	veq.s32 v11, v2;
	s22 =	sor.u32 s22, s23;
	vm1 =	vmmov vm1;
	[tilespmem:v9+s19+$0x0] =	vst.idx.add.s32.msk vm0, v1;
	v7 =	vshrl.u32 v6, $0x10  }
0x147: {  	s23 =	sor.u32 s24, s22;
	v9 =	vand.u32 $0x7FFFFFFF, v10;
	vm0 =	vmmov vm3;
	[tilespmem:v8+s19+$0x0] =	vst.idx.add.s32.msk vm2, v1;
	vm3 =	veq.s32 v7, v2  }
0x148: {  	v11 =	vand.u32 $0x7FFFFFFF, v5;
	v6 =	vand.u32 $0xFFFF, v6;
	v5 =	vshrl.u32 v9, $0x10;
	v7 =	vld [tilespmem:s23+$0x30]  }
0x149: {  	v13 =	vand.u32 $0x7FFFFFFF, v12;
	v8 =	vshrl.u32 v11, $0x10;
	v10 =	vld [tilespmem:s23+$0x0];
	vm2 =	veq.s32 v5, v2  }
0x14a: {  	s25 =	simm.s32 $0xC0;
	v14 =	vshrl.u32 v13, $0x10;
	vm5 =	veq.s32 v8, v2;
	v8 =	vld [tilespmem:s23+$0x10];
	v5 =	vand.u32 $0xFFFF, v9  }
0x14b: {  	vm4 =	veq.s32 v14, v2;
	s22 =	simm.s32 $0x8;
	s24 =	simm.s32 $0x600;
	v12 =	vand.u32 $0xFFFF, v11;
	v11 =	vand.u32 $0xFFFF, v13;
	v9 =	vld [tilespmem:s23+$0x20];
	s23 =	simm.s32 $0x30  }
.LBB2_16:
0x14c: {  	s26 =	sand.u32 $0x1000, s25;
	s28 =	sand.u32 $0xC00, s24;
	s22 =	sadd.s32 $0x4, s22;
	[tilespmem:v4+s19+$0x0] =	vst.idx.add.s32.msk vm1, v1;
	v4 =	vmov v12;
	vm1 =	vmmov vm5  }
0x14d: {  	s29 =	sand.u32 $0x380, s23;
	s26 =	sor.u32 s28, s26;
	p0 =	slt.u32 s22, $0x1FC;
	v12 =	vand.u32 $0x7FFFFFFF, v7;
	[tilespmem:v6+s19+$0x0] =	vst.idx.add.s32.msk vm3, v1  }
0x14e: {  	s28 =	sand.u32 $0x40, s25;
	s26 =	sor.u32 s29, s26;
	v13 =	vand.u32 $0x7FFFFFFF, v10;
	v6 =	vshrl.u32 v12, $0x10;
	[tilespmem:v3+s19+$0x0] =	vst.idx.add.s32.msk vm0, v1;
	v3 =	vmovc v11;
	vm0 =	vmmov vm4  }
.Ltmp7:
0x14f: {  	s26 =	sor.u32 s28, s26;
	v11 =	vshrl.u32 v13, $0x10;
	v14 =	vand.u32 $0x7FFFFFFF, v8;
	vm3 =	veq.s32 v6, v2;
	[tilespmem:v5+s19+$0x0] =	vst.idx.add.s32.msk vm2, v1;
	(pc) =	sbr.rel @p0 .LBB2_16-.Ltmp7, $4  }
0x150: {  	v6 =	vand.u32 $0xFFFF, v12;
	v7 =	vld [tilespmem:s26+$0x30];
	v5 =	vshrl.u32 v14, $0x10;
	v15 =	vand.u32 $0x7FFFFFFF, v9  }
0x151: {  	vm2 =	veq.s32 v11, v2;
	v10 =	vld [tilespmem:s26+$0x0];
	vm5 =	veq.s32 v5, v2;
	v9 =	vshrl.u32 v15, $0x10  }
0x152: {  	v12 =	vand.u32 $0xFFFF, v14;
	v5 =	vand.u32 $0xFFFF, v13;
	v8 =	vld [tilespmem:s26+$0x10];
	vm4 =	veq.s32 v9, v2  }
0x153: {  	s23 =	sadd.s32 $0x10, s23;
	s24 =	sadd.s32 $0x200, s24;
	s25 =	sadd.s32 $0x40, s25;
	v11 =	vand.u32 $0xFFFF, v15;
	v9 =	vld [tilespmem:s26+$0x20]  }
0x154: {  	_ =	sdelay $0x1  }
0x155: {  	vm5 =	vmmov vm5;
	v7 =	vand.u32 $0x7FFFFFFF, v7  }
0x156: {  	vm4 =	vmmov vm4;
	v10 =	vand.u32 $0x7FFFFFFF, v10;
	v13 =	vshrl.u32 v7, $0x10  }
0x157: {  	v7 =	vand.u32 $0xFFFF, v7;
	vm6 =	veq.s32 v13, v2;
	v8 =	vand.u32 $0x7FFFFFFF, v8  }
0x158: {  	[tilespmem:v4+s19+$0x0] =	vst.idx.add.s32.msk vm1, v1;
	v13 =	vshrl.u32 v10, $0x10;
	v4 =	vshrl.u32 v8, $0x10;
	v9 =	vand.u32 $0x7FFFFFFF, v9  }
0x159: {  	[tilespmem:v6+s19+$0x0] =	vst.idx.add.s32.msk vm3, v1;
	vm1 =	veq.s32 v13, v2;
	vm3 =	veq.s32 v4, v2;
	v4 =	vshrl.u32 v9, $0x10  }
0x15a: {  	[tilespmem:v3+s19+$0x0] =	vst.idx.add.s32.msk vm0, v1;
	v3 =	vand.u32 $0xFFFF, v10;
	vm0 =	veq.s32 v4, v2;
	vm3 =	vmmov vm3  }
0x15b: {  	[tilespmem:v5+s19+$0x0] =	vst.idx.add.s32.msk vm2, v1;
	v4 =	vand.u32 $0xFFFF, v8;
	vm0 =	vmmov vm0  }
0x15c: {  	v5 =	vand.u32 $0xFFFF, v9;
	[tilespmem:v12+s19+$0x0] =	vst.idx.add.s32.msk vm5, v1  }
0x15d: {  	[tilespmem:v11+s19+$0x0] =	vst.idx.add.s32.msk vm4, v1  }
0x15e: {  	[tilespmem:v7+s19+$0x0] =	vst.idx.add.s32.msk vm6, v1  }
0x15f: {  	[tilespmem:v3+s19+$0x0] =	vst.idx.add.s32.msk vm1, v1  }
0x160: {  	s22 =	simm.s32 $0x0;
	[tilespmem:v4+s19+$0x0] =	vst.idx.add.s32.msk vm3, v1  }
0x161: {  	s23 =	sand.u32 $0x1000, s22;
	s24 =	sand.u32 $0xC00, s22;
	[tilespmem:v5+s19+$0x0] =	vst.idx.add.s32.msk vm0, v1  }
0x162: {  	[tilespmem:s22], [sflag:$0x1] =	stream.linear.gather [hbm4b:s12+s22], $0x2000, $0x38;
	[tilespmem:$0x14080] =	vst v63  }
0x163: {  	s25 =	sand.u32 $0x380, s22;
	s23 =	sor.u32 s24, s23;
	_ =	swait.ge [sflag:s20], $0x2000  }
0x164: {  	s23 =	sor.u32 s25, s23;
	s22 =	sand.u32 $0x40, s22;
	[sflag:s20] =	ssyncset.done $0x0  }
0x165: {  	s22 =	sor.u32 s22, s23;
	[sflag:s20] =	ssyncadd.s32 $0xFFFFE000  }
0x166: {  	v3 =	vld [tilespmem:s22+$0x2030]  }
0x167: {  	v4 =	vld [tilespmem:s22+$0x2000]  }
0x168: {  	s29 =	simm.s32 $0x200;
	s30 =	simm.s32 $0x40  }
0x169: {  	s31 =	simm.s32 $0x10;
	s26 =	sand.u32 $0x1000, s30;
	s23 =	sand.u32 $0xC00, s29  }
0x16a: {  	s25 =	sand.u32 $0x380, s31;
	s23 =	sor.u32 s23, s26;
	v5 =	vld [tilespmem:s22+$0x2010]  }
0x16b: {  	s26 =	sand.u32 $0x40, s30;
	s23 =	sor.u32 s25, s23;
	v6 =	vld [tilespmem:s22+$0x2020];
	v3 =	vand.u32 $0x7FFFFFFF, v3  }
0x16c: {  	s22 =	sor.u32 s26, s23;
	v4 =	vand.u32 $0x7FFFFFFF, v4;
	v7 =	vshrl.u32 v3, $0x10  }
0x16d: {  	v8 =	vshrl.u32 v4, $0x10;
	vm0 =	veq.s32 v7, v2;
	v7 =	vld [tilespmem:s22+$0x2030]  }
0x16e: {  	v9 =	vand.u32 $0xFFFF, v3;
	vm2 =	veq.s32 v8, v2  }
0x16f: {  	v10 =	vld [tilespmem:s22+$0x2000];
	v3 =	vand.u32 $0x7FFFFFFF, v5;
	v8 =	vand.u32 $0xFFFF, v4  }
0x170: {  	s28 =	simm.s32 $0x400;
	s29 =	simm.s32 $0x80;
	v6 =	vand.u32 $0x7FFFFFFF, v6;
	v5 =	vld [tilespmem:s22+$0x2010];
	v4 =	vshrl.u32 v3, $0x10  }
0x171: {  	s30 =	simm.s32 $0x20;
	s31 =	sand.u32 $0x1000, s29;
	s23 =	sand.u32 $0xC00, s28;
	v12 =	vld [tilespmem:s22+$0x2020];
	v11 =	vshrl.u32 v6, $0x10;
	vm1 =	veq.s32 v4, v2  }
0x172: {  	s23 =	sor.u32 s23, s31;
	s22 =	sand.u32 $0x380, s30;
	v4 =	vand.u32 $0xFFFF, v3;
	v3 =	vand.u32 $0xFFFF, v6;
	v6 =	vand.u32 $0x7FFFFFFF, v7  }
0x173: {  	s24 =	sand.u32 $0x40, s29;
	vm3 =	veq.s32 v11, v2;
	s22 =	sor.u32 s22, s23;
	vm1 =	vmmov vm1;
	[tilespmem:v9+s19+$0x0] =	vst.idx.add.s32.msk vm0, v1;
	v7 =	vshrl.u32 v6, $0x10  }
0x174: {  	s23 =	sor.u32 s24, s22;
	v9 =	vand.u32 $0x7FFFFFFF, v10;
	vm0 =	vmmov vm3;
	[tilespmem:v8+s19+$0x0] =	vst.idx.add.s32.msk vm2, v1;
	vm3 =	veq.s32 v7, v2  }
0x175: {  	v11 =	vand.u32 $0x7FFFFFFF, v5;
	v6 =	vand.u32 $0xFFFF, v6;
	v5 =	vshrl.u32 v9, $0x10;
	v7 =	vld [tilespmem:s23+$0x2030]  }
0x176: {  	v13 =	vand.u32 $0x7FFFFFFF, v12;
	v8 =	vshrl.u32 v11, $0x10;
	v10 =	vld [tilespmem:s23+$0x2000];
	vm2 =	veq.s32 v5, v2  }
0x177: {  	s25 =	simm.s32 $0xC0;
	v14 =	vshrl.u32 v13, $0x10;
	vm5 =	veq.s32 v8, v2;
	v8 =	vld [tilespmem:s23+$0x2010];
	v5 =	vand.u32 $0xFFFF, v9  }
0x178: {  	vm4 =	veq.s32 v14, v2;
	s22 =	simm.s32 $0x8;
	s24 =	simm.s32 $0x600;
	v12 =	vand.u32 $0xFFFF, v11;
	v11 =	vand.u32 $0xFFFF, v13;
	v9 =	vld [tilespmem:s23+$0x2020];
	s23 =	simm.s32 $0x30  }
.LBB2_18:
0x179: {  	s26 =	sand.u32 $0x1000, s25;
	s28 =	sand.u32 $0xC00, s24;
	s22 =	sadd.s32 $0x4, s22;
	[tilespmem:v4+s19+$0x0] =	vst.idx.add.s32.msk vm1, v1;
	v4 =	vmov v12;
	vm1 =	vmmov vm5  }
0x17a: {  	s29 =	sand.u32 $0x380, s23;
	s26 =	sor.u32 s28, s26;
	p0 =	slt.u32 s22, $0x1FC;
	v12 =	vand.u32 $0x7FFFFFFF, v7;
	[tilespmem:v6+s19+$0x0] =	vst.idx.add.s32.msk vm3, v1  }
0x17b: {  	s28 =	sand.u32 $0x40, s25;
	s26 =	sor.u32 s29, s26;
	v13 =	vand.u32 $0x7FFFFFFF, v10;
	v6 =	vshrl.u32 v12, $0x10;
	[tilespmem:v3+s19+$0x0] =	vst.idx.add.s32.msk vm0, v1;
	v3 =	vmovc v11;
	vm0 =	vmmov vm4  }
.Ltmp8:
0x17c: {  	s26 =	sor.u32 s28, s26;
	v11 =	vshrl.u32 v13, $0x10;
	v14 =	vand.u32 $0x7FFFFFFF, v8;
	vm3 =	veq.s32 v6, v2;
	[tilespmem:v5+s19+$0x0] =	vst.idx.add.s32.msk vm2, v1;
	(pc) =	sbr.rel @p0 .LBB2_18-.Ltmp8, $4  }
0x17d: {  	v6 =	vand.u32 $0xFFFF, v12;
	v7 =	vld [tilespmem:s26+$0x2030];
	v5 =	vshrl.u32 v14, $0x10;
	v15 =	vand.u32 $0x7FFFFFFF, v9  }
0x17e: {  	vm2 =	veq.s32 v11, v2;
	v10 =	vld [tilespmem:s26+$0x2000];
	vm5 =	veq.s32 v5, v2;
	v9 =	vshrl.u32 v15, $0x10  }
0x17f: {  	v12 =	vand.u32 $0xFFFF, v14;
	v5 =	vand.u32 $0xFFFF, v13;
	v8 =	vld [tilespmem:s26+$0x2010];
	vm4 =	veq.s32 v9, v2  }
0x180: {  	s23 =	sadd.s32 $0x10, s23;
	s24 =	sadd.s32 $0x200, s24;
	s25 =	sadd.s32 $0x40, s25;
	v11 =	vand.u32 $0xFFFF, v15;
	v9 =	vld [tilespmem:s26+$0x2020]  }
0x181: {  	_ =	sdelay $0x1  }
0x182: {  	vm5 =	vmmov vm5;
	v7 =	vand.u32 $0x7FFFFFFF, v7  }
0x183: {  	vm4 =	vmmov vm4;
	v10 =	vand.u32 $0x7FFFFFFF, v10;
	v13 =	vshrl.u32 v7, $0x10  }
0x184: {  	v7 =	vand.u32 $0xFFFF, v7;
	vm6 =	veq.s32 v13, v2;
	v8 =	vand.u32 $0x7FFFFFFF, v8  }
0x185: {  	[tilespmem:v4+s19+$0x0] =	vst.idx.add.s32.msk vm1, v1;
	v13 =	vshrl.u32 v10, $0x10;
	v4 =	vshrl.u32 v8, $0x10;
	v9 =	vand.u32 $0x7FFFFFFF, v9  }
0x186: {  	[tilespmem:v6+s19+$0x0] =	vst.idx.add.s32.msk vm3, v1;
	vm1 =	veq.s32 v13, v2;
	vm3 =	veq.s32 v4, v2;
	v4 =	vshrl.u32 v9, $0x10  }
0x187: {  	[tilespmem:v3+s19+$0x0] =	vst.idx.add.s32.msk vm0, v1;
	v3 =	vand.u32 $0xFFFF, v10;
	vm0 =	veq.s32 v4, v2;
	vm3 =	vmmov vm3  }
0x188: {  	[tilespmem:v5+s19+$0x0] =	vst.idx.add.s32.msk vm2, v1;
	v4 =	vand.u32 $0xFFFF, v8;
	vm0 =	vmmov vm0  }
0x189: {  	v5 =	vand.u32 $0xFFFF, v9;
	[tilespmem:v12+s19+$0x0] =	vst.idx.add.s32.msk vm5, v1  }
0x18a: {  	[tilespmem:v11+s19+$0x0] =	vst.idx.add.s32.msk vm4, v1  }
0x18b: {  	[tilespmem:v7+s19+$0x0] =	vst.idx.add.s32.msk vm6, v1  }
0x18c: {  	[tilespmem:v3+s19+$0x0] =	vst.idx.add.s32.msk vm1, v1  }
0x18d: {  	s22 =	simm.s32 $0x0;
	[tilespmem:v4+s19+$0x0] =	vst.idx.add.s32.msk vm3, v1  }
0x18e: {  	s23 =	sand.u32 $0x1000, s22;
	s24 =	sand.u32 $0xC00, s22;
	[tilespmem:v5+s19+$0x0] =	vst.idx.add.s32.msk vm0, v1  }
0x18f: {  	s25 =	sand.u32 $0x380, s22;
	s23 =	sor.u32 s24, s23;
	_ =	swait.ge [sflag:s18], $0x2000  }
0x190: {  	s22 =	sand.u32 $0x40, s22;
	s23 =	sor.u32 s25, s23;
	[sflag:s18] =	ssyncset.done $0x0  }
0x191: {  	s22 =	sor.u32 s22, s23;
	[sflag:s18] =	ssyncadd.s32 $0xFFFFE000  }
0x192: {  	v3 =	vld [tilespmem:s22+$0x30]  }
0x193: {  	v4 =	vld [tilespmem:s22+$0x0]  }
0x194: {  	s29 =	simm.s32 $0x200;
	s30 =	simm.s32 $0x40  }
0x195: {  	s31 =	simm.s32 $0x10;
	s26 =	sand.u32 $0x1000, s30;
	s23 =	sand.u32 $0xC00, s29  }
0x196: {  	s25 =	sand.u32 $0x380, s31;
	s23 =	sor.u32 s23, s26;
	v5 =	vld [tilespmem:s22+$0x10]  }
0x197: {  	s26 =	sand.u32 $0x40, s30;
	s23 =	sor.u32 s25, s23;
	v6 =	vld [tilespmem:s22+$0x20];
	v3 =	vand.u32 $0x7FFFFFFF, v3  }
0x198: {  	s22 =	sor.u32 s26, s23;
	v4 =	vand.u32 $0x7FFFFFFF, v4;
	v7 =	vshrl.u32 v3, $0x10  }
0x199: {  	v8 =	vshrl.u32 v4, $0x10;
	vm0 =	veq.s32 v7, v2;
	v7 =	vld [tilespmem:s22+$0x30]  }
0x19a: {  	v9 =	vand.u32 $0xFFFF, v3;
	vm2 =	veq.s32 v8, v2  }
0x19b: {  	v10 =	vld [tilespmem:s22+$0x0];
	v3 =	vand.u32 $0x7FFFFFFF, v5;
	v8 =	vand.u32 $0xFFFF, v4  }
0x19c: {  	s28 =	simm.s32 $0x400;
	s29 =	simm.s32 $0x80;
	v6 =	vand.u32 $0x7FFFFFFF, v6;
	v5 =	vld [tilespmem:s22+$0x10];
	v4 =	vshrl.u32 v3, $0x10  }
0x19d: {  	s30 =	simm.s32 $0x20;
	s31 =	sand.u32 $0x1000, s29;
	s23 =	sand.u32 $0xC00, s28;
	v12 =	vld [tilespmem:s22+$0x20];
	v11 =	vshrl.u32 v6, $0x10;
	vm1 =	veq.s32 v4, v2  }
0x19e: {  	s23 =	sor.u32 s23, s31;
	s22 =	sand.u32 $0x380, s30;
	v4 =	vand.u32 $0xFFFF, v3;
	v3 =	vand.u32 $0xFFFF, v6;
	v6 =	vand.u32 $0x7FFFFFFF, v7  }
0x19f: {  	s24 =	sand.u32 $0x40, s29;
	vm3 =	veq.s32 v11, v2;
	s22 =	sor.u32 s22, s23;
	vm1 =	vmmov vm1;
	[tilespmem:v9+s19+$0x0] =	vst.idx.add.s32.msk vm0, v1;
	v7 =	vshrl.u32 v6, $0x10  }
0x1a0: {  	s23 =	sor.u32 s24, s22;
	v9 =	vand.u32 $0x7FFFFFFF, v10;
	vm0 =	vmmov vm3;
	[tilespmem:v8+s19+$0x0] =	vst.idx.add.s32.msk vm2, v1;
	vm3 =	veq.s32 v7, v2  }
0x1a1: {  	v11 =	vand.u32 $0x7FFFFFFF, v5;
	v6 =	vand.u32 $0xFFFF, v6;
	v5 =	vshrl.u32 v9, $0x10;
	v7 =	vld [tilespmem:s23+$0x30]  }
0x1a2: {  	v13 =	vand.u32 $0x7FFFFFFF, v12;
	v8 =	vshrl.u32 v11, $0x10;
	v10 =	vld [tilespmem:s23+$0x0];
	vm2 =	veq.s32 v5, v2  }
0x1a3: {  	s25 =	simm.s32 $0xC0;
	v14 =	vshrl.u32 v13, $0x10;
	vm5 =	veq.s32 v8, v2;
	v8 =	vld [tilespmem:s23+$0x10];
	v5 =	vand.u32 $0xFFFF, v9  }
0x1a4: {  	vm4 =	veq.s32 v14, v2;
	s22 =	simm.s32 $0x8;
	s24 =	simm.s32 $0x600;
	v12 =	vand.u32 $0xFFFF, v11;
	v11 =	vand.u32 $0xFFFF, v13;
	v9 =	vld [tilespmem:s23+$0x20];
	s23 =	simm.s32 $0x30  }
.LBB2_20:
0x1a5: {  	s26 =	sand.u32 $0x1000, s25;
	s28 =	sand.u32 $0xC00, s24;
	s22 =	sadd.s32 $0x4, s22;
	[tilespmem:v4+s19+$0x0] =	vst.idx.add.s32.msk vm1, v1;
	v4 =	vmov v12;
	vm1 =	vmmov vm5  }
0x1a6: {  	s29 =	sand.u32 $0x380, s23;
	s26 =	sor.u32 s28, s26;
	p0 =	slt.u32 s22, $0x1FC;
	v12 =	vand.u32 $0x7FFFFFFF, v7;
	[tilespmem:v6+s19+$0x0] =	vst.idx.add.s32.msk vm3, v1  }
0x1a7: {  	s28 =	sand.u32 $0x40, s25;
	s26 =	sor.u32 s29, s26;
	v13 =	vand.u32 $0x7FFFFFFF, v10;
	v6 =	vshrl.u32 v12, $0x10;
	[tilespmem:v3+s19+$0x0] =	vst.idx.add.s32.msk vm0, v1;
	v3 =	vmovc v11;
	vm0 =	vmmov vm4  }
.Ltmp9:
0x1a8: {  	s26 =	sor.u32 s28, s26;
	v11 =	vshrl.u32 v13, $0x10;
	v14 =	vand.u32 $0x7FFFFFFF, v8;
	vm3 =	veq.s32 v6, v2;
	[tilespmem:v5+s19+$0x0] =	vst.idx.add.s32.msk vm2, v1;
	(pc) =	sbr.rel @p0 .LBB2_20-.Ltmp9, $4  }
0x1a9: {  	v6 =	vand.u32 $0xFFFF, v12;
	v7 =	vld [tilespmem:s26+$0x30];
	v5 =	vshrl.u32 v14, $0x10;
	v15 =	vand.u32 $0x7FFFFFFF, v9  }
0x1aa: {  	vm2 =	veq.s32 v11, v2;
	v10 =	vld [tilespmem:s26+$0x0];
	vm5 =	veq.s32 v5, v2;
	v9 =	vshrl.u32 v15, $0x10  }
0x1ab: {  	v12 =	vand.u32 $0xFFFF, v14;
	v5 =	vand.u32 $0xFFFF, v13;
	v8 =	vld [tilespmem:s26+$0x10];
	vm4 =	veq.s32 v9, v2  }
0x1ac: {  	s23 =	sadd.s32 $0x10, s23;
	s24 =	sadd.s32 $0x200, s24;
	s25 =	sadd.s32 $0x40, s25;
	v11 =	vand.u32 $0xFFFF, v15;
	v9 =	vld [tilespmem:s26+$0x20]  }
0x1ad: {  	_ =	sdelay $0x1  }
0x1ae: {  	vm5 =	vmmov vm5;
	v7 =	vand.u32 $0x7FFFFFFF, v7  }
0x1af: {  	vm4 =	vmmov vm4;
	v10 =	vand.u32 $0x7FFFFFFF, v10;
	v13 =	vshrl.u32 v7, $0x10  }
0x1b0: {  	v7 =	vand.u32 $0xFFFF, v7;
	vm6 =	veq.s32 v13, v2;
	v8 =	vand.u32 $0x7FFFFFFF, v8  }
0x1b1: {  	[tilespmem:v4+s19+$0x0] =	vst.idx.add.s32.msk vm1, v1;
	v60 =	vshrl.u32 v10, $0x10;
	v61 =	vshrl.u32 v8, $0x10;
	v9 =	vand.u32 $0x7FFFFFFF, v9  }
0x1b2: {  	[tilespmem:v6+s19+$0x0] =	vst.idx.add.s32.msk vm3, v1;
	vm13 =	veq.s32 v60, v2;
	vm14 =	veq.s32 v61, v2;
	v62 =	vshrl.u32 v9, $0x10  }
0x1b3: {  	[tilespmem:v3+s19+$0x0] =	vst.idx.add.s32.msk vm0, v1;
	v3 =	vand.u32 $0xFFFF, v10;
	vm15 =	veq.s32 v62, v2;
	vm3 =	vmmov vm14  }
0x1b4: {  	[tilespmem:v5+s19+$0x0] =	vst.idx.add.s32.msk vm2, v1;
	v2 =	vand.u32 $0xFFFF, v8;
	vm0 =	vmmov vm15  }
0x1b5: {  	v63 =	vand.u32 $0xFFFF, v9;
	[tilespmem:v12+s19+$0x0] =	vst.idx.add.s32.msk vm5, v1  }
0x1b6: {  	[tilespmem:v11+s19+$0x0] =	vst.idx.add.s32.msk vm4, v1  }
0x1b7: {  	[tilespmem:v7+s19+$0x0] =	vst.idx.add.s32.msk vm6, v1  }
0x1b8: {  	s21 =	sadd.s32 $0x1, s21;
	[tilespmem:v3+s19+$0x0] =	vst.idx.add.s32.msk vm13, v1  }
0x1b9: {  	p0 =	sne.s32 s21, s14;
	[tilespmem:v2+s19+$0x0] =	vst.idx.add.s32.msk vm3, v1  }
.Ltmp10:
0x1ba: {  	[tilespmem:v63+s19+$0x0] =	vst.idx.add.s32.msk vm0, v1;
	(pc) =	sbr.rel @p0 .LBB2_1-.Ltmp10, $4  }
0x1bb: {  	[hbm4b:s13+s2] =	stream.linear.scatter [tilespmem:s19], [sflag:$0x3], $0x10000, $0x38;
	[tilespmem:$0x14080] =	vst v63  }
0x1bc: {  	_ =	swait.ge [sflag:s16], $0x10000  }
0x1bd: {  	[sflag:s16] =	ssyncset.done $0x0  }
0x1be: {  	[sflag:s16] =	ssyncadd.s32 $0xFFFF0000  }
0x1bf: {  	_ =	sfence.sel $0x180000  }
0x1c0: {  	[bflag:$0x0] =	sbarrier.arrive $0xFFFF  }
0x1c1: {  	p0 =	sne.s32 s1, $0x0;
	_ =	strace $0x9000004A  }
0x1c2: {  	s0 =	sadd.s32 @!p0 $0x100000, s0;
	[bflag:$0x2] =	sbarrier.arrive $0xFFFF  }
0x1c3: {  	[sflag:s0] =	ssyncadd.tile.s32 @!p0 $0x1;
	_ =	shalt  }
.Lfunc_end2:
_tile_overlayer_lowered:
.L_overlay_start_2:
0x1c4: {  	(tag) =	ssettag $0x2  }
0x1c5: {  	s0 =	rddreg [dreg:$0x0];
	s2 =	stileid.u32  }
0x1c6: {  	s1 =	rddreg [dreg:$0x1];
	p0 =	sne.s32 s2, $0x0  }
0x1c7: {  	s3 =	rddreg [dreg:$0x2];
	[bflag:$0x3] =	sbarrier.arrive $0xFFFF;
	s2 =	simm.s32 @!p0 $0x1C03  }
0x1c8: {  	[timem:s3], [sflag:s2] =	dma.local @!p0 [hbm:s0], s1  }
0x1c9: {  	s0 =	simm.s32 @!p0 $0x3  }
0x1ca: {  	_ =	swait.ge @!p0 [sflag:s0], s1  }
0x1cb: {  	s1 =	ssub.s32 @!p0 $0x0, s1;
	[sflag:s0] =	ssyncset.done @!p0 $0x0  }
0x1cc: {  	[sflag:s0] =	ssyncadd.s32 @!p0 s1  }
0x1cd: {  	[bflag:$0x3] =	sbarrier.arrive $0xFFFF  }
0x1ce: {  	_ =	shalt  }

</sc_bundles>
